<compile_context>
chip_gen: v7x
topology: tpu7x:2x2x1
jax: 0.10.2.dev20260603
libtpu: 0.0.44.dev20260713+nightly
codegen_flags: <defaults>
</compile_context>

<pallas_src>
import functools

import jax
import jax.numpy as jnp
from jax import lax
from jax.experimental import pallas as pl
from jax.experimental.pallas import tpu as pltpu
from jax.experimental.pallas import tpu_sc as plsc

N = 10000
E = 320000
D_IN = 128
D_HID = 64
NG = 128

NC = 2
NS = 16
L = 16
NW = NC * NS
EPW = E // NW
CH = 80
NCHUNK = EPW // CH
NPAIR = (NCHUNK - 3) // 2
NP = 10240
ZPT = NP // NS
ZB = 32
DEGW = 16


def _sc_mesh():
    return plsc.VectorSubcoreMesh(
        core_axis_name="c", subcore_axis_name="s",
        num_cores=NC, num_subcores=NS)


def _zero_vmem(ref, rows, d):
    def body(i, _):
        for k in range(d // L):
            ref[i, pl.ds(k * L, L)] = jnp.zeros((L,), jnp.float32)
        return 0
    lax.fori_loop(0, rows, body, 0)


@functools.partial(
    pl.kernel,
    out_type=jax.ShapeDtypeStruct((NC * NP, DEGW), jnp.float32),
    mesh=_sc_mesh(),
    scratch_types=[
        pltpu.VMEM((NCHUNK, CH), jnp.int32),
        pltpu.VMEM((CH, DEGW), jnp.float32),
        pltpu.VMEM((ZB, DEGW), jnp.float32),
        pltpu.VMEM_SHARED((NP, DEGW), jnp.float32),
        pltpu.SemaphoreType.DMA,
        pltpu.SemaphoreType.DMA,
    ],
    name="gcn_deg",
    compiler_params=pltpu.CompilerParams(use_tc_tiling_on_sc=False),
)
def _deg_kernel(dst_hbm, out_hbm, dstall, ones_v, zero_v, acc_sh, semi, sems):
    c = lax.axis_index("c")
    s = lax.axis_index("s")
    wid = s * NC + c

    pltpu.async_copy(dst_hbm.at[pl.ds(wid * NCHUNK, NCHUNK)], dstall, semi)

    def fill_ones(i, _):
        ones_v[i, :] = jnp.ones((L,), jnp.float32)
        return 0
    lax.fori_loop(0, CH, fill_ones, 0)
    _zero_vmem(zero_v, ZB, DEGW)

    def zfire(i, _):
        pltpu.async_copy(
            zero_v,
            acc_sh.at[pl.ds(pl.multiple_of(s * ZPT + i * ZB, 8), ZB)], sems)
        return 0
    lax.fori_loop(0, ZPT // ZB, zfire, 0)

    def zdrain(i, _):
        pltpu.make_async_copy(
            zero_v,
            acc_sh.at[pl.ds(pl.multiple_of(s * ZPT + i * ZB, 8), ZB)],
            sems).wait()
        return 0
    lax.fori_loop(0, ZPT // ZB, zdrain, 0)
    pltpu.make_async_copy(dst_hbm.at[pl.ds(0, NCHUNK)], dstall, semi).wait()
    plsc.subcore_barrier()

    def fire(j, _):
        pltpu.async_copy(ones_v, acc_sh.at[dstall.at[j]], sems, add=True)
        return 0
    lax.fori_loop(0, NCHUNK, fire, 0)

    def drain(j, _):
        pltpu.make_async_copy(ones_v, acc_sh.at[dstall.at[j]], sems).wait()
        return 0
    lax.fori_loop(0, NCHUNK, drain, 0)

    plsc.subcore_barrier()
    row0 = pl.multiple_of(s * ZPT, 8)
    pltpu.sync_copy(acc_sh.at[pl.ds(row0, ZPT)],
                    out_hbm.at[pl.ds(pl.multiple_of(c * NP + s * ZPT, 8), ZPT)])


def _make_prop(d, nbuf, phase_lens):
    ph = max(phase_lens)

    @functools.partial(
        pl.kernel,
        out_type=jax.ShapeDtypeStruct((NC * NP, d), jnp.float32),
        mesh=_sc_mesh(),
        scratch_types=(
            [pltpu.VMEM((ph, CH), jnp.int32),
             pltpu.VMEM((ph, CH), jnp.int32)]
            + [pltpu.VMEM((CH, d), jnp.float32)] * nbuf
            + [pltpu.VMEM((ZB, d), jnp.float32),
               pltpu.VMEM_SHARED((NP, d), jnp.float32),
               pltpu.SemaphoreType.DMA]
            + [pltpu.SemaphoreType.DMA] * nbuf
            + [pltpu.SemaphoreType.DMA] * nbuf
        ),
        name=f"gcn_prop_{d}",
        compiler_params=pltpu.CompilerParams(use_tc_tiling_on_sc=False),
    )
    def prop(src_hbm, dst_hbm, g_hbm, out_hbm, srcph, dstph, *rest):
        rowsb = rest[:nbuf]
        zero_v = rest[nbuf]
        acc_sh = rest[nbuf + 1]
        semi = rest[nbuf + 2]
        semg = rest[nbuf + 3:nbuf + 3 + nbuf]
        sems = rest[nbuf + 3 + nbuf:]

        c = lax.axis_index("c")
        s = lax.axis_index("s")
        wid = s * NC + c

        def issue_idx(row0, ln):
            base = wid * NCHUNK + row0
            pltpu.async_copy(src_hbm.at[pl.ds(base, ln)],
                             srcph.at[pl.ds(0, ln)], semi)
            pltpu.async_copy(dst_hbm.at[pl.ds(base, ln)],
                             dstph.at[pl.ds(0, ln)], semi)

        def wait_idx(ln):
            pltpu.make_async_copy(src_hbm.at[pl.ds(0, ln)],
                                  srcph.at[pl.ds(0, ln)], semi).wait()
            pltpu.make_async_copy(dst_hbm.at[pl.ds(0, ln)],
                                  dstph.at[pl.ds(0, ln)], semi).wait()

        def step(jl, b, ln):
            pltpu.make_async_copy(g_hbm.at[srcph.at[jl]], rowsb[b],
                                  semg[b]).wait()
            pltpu.async_copy(rowsb[b], acc_sh.at[dstph.at[jl]], sems[b],
                             add=True)
            pltpu.make_async_copy(rowsb[b], acc_sh.at[dstph.at[jl]],
                                  sems[b]).wait()

            @pl.when(jl + nbuf < ln)
            def _():
                pltpu.async_copy(g_hbm.at[srcph.at[jl + nbuf]], rowsb[b],
                                 semg[b])

        issue_idx(0, phase_lens[0])
        _zero_vmem(zero_v, ZB, d)

        def zfire(i, _):
            pltpu.async_copy(
                zero_v,
                acc_sh.at[pl.ds(pl.multiple_of(s * ZPT + i * ZB, 8), ZB)],
                sems[0])
            return 0
        lax.fori_loop(0, ZPT // ZB, zfire, 0)

        def zdrain(i, _):
            pltpu.make_async_copy(
                zero_v,
                acc_sh.at[pl.ds(pl.multiple_of(s * ZPT + i * ZB, 8), ZB)],
                sems[0]).wait()
            return 0
        lax.fori_loop(0, ZPT // ZB, zdrain, 0)
        wait_idx(phase_lens[0])
        for b in range(min(nbuf, phase_lens[0])):
            pltpu.async_copy(g_hbm.at[srcph.at[b]], rowsb[b], semg[b])
        plsc.subcore_barrier()

        row0 = 0
        for pi, ln in enumerate(phase_lens):
            if pi > 0:
                issue_idx(row0, ln)
                wait_idx(ln)
                for b in range(min(nbuf, ln)):
                    pltpu.async_copy(g_hbm.at[srcph.at[b]], rowsb[b], semg[b])
            niter = ln // nbuf
            rem = ln % nbuf

            def body(t, _):
                for b in range(nbuf):
                    step(t * nbuf + b, b, ln)
                return 0
            lax.fori_loop(0, niter, body, 0)
            for r in range(rem):
                step(niter * nbuf + r, r, ln)
            row0 += ln

        plsc.subcore_barrier()
        pltpu.sync_copy(acc_sh.at[pl.ds(pl.multiple_of(s * ZPT, 8), ZPT)],
                        out_hbm.at[pl.ds(pl.multiple_of(c * NP + s * ZPT, 8),
                                         ZPT)])

    return prop


_prop128 = _make_prop(D_IN, 3, [63, 62])
_prop64 = _make_prop(D_HID, 4, [NCHUNK])



def _k1_body(x_ref, w1_ref, degp_ref, g1_ref, dis_ref):
    deg = (degp_ref[pl.ds(0, N), pl.ds(0, 1)]
           + degp_ref[pl.ds(NP, N), pl.ds(0, 1)] + 1.0)
    dis = lax.rsqrt(deg)
    dis_ref[...] = dis
    t1 = jnp.dot(x_ref[...], w1_ref[...], preferred_element_type=jnp.float32)
    g1_ref[...] = t1 * dis


_k1 = pl.pallas_call(
    _k1_body,
    out_shape=(jax.ShapeDtypeStruct((N, D_IN), jnp.float32),
               jax.ShapeDtypeStruct((N, 1), jnp.float32)),
)


def _k2_body(s1_ref, g1_ref, dis_ref, b1_ref, w2_ref, g2_ref):
    dis = dis_ref[...]
    agg = (s1_ref[pl.ds(0, N), :] + s1_ref[pl.ds(NP, N), :] + g1_ref[...])
    h1 = jnp.maximum(dis * agg + b1_ref[...], 0.0)
    g2_ref[...] = jnp.dot(h1, w2_ref[...],
                          preferred_element_type=jnp.float32) * dis


_k2 = pl.pallas_call(
    _k2_body,
    out_shape=jax.ShapeDtypeStruct((N, D_HID), jnp.float32),
)


def _k3_body(s2_ref, g2_ref, dis_ref, b2_ref, g3_ref):
    dis = dis_ref[...]
    agg = (s2_ref[pl.ds(0, N), :] + s2_ref[pl.ds(NP, N), :] + g2_ref[...])
    h2 = jnp.maximum(dis * agg + b2_ref[...], 0.0)
    g3_ref[...] = h2 * dis


_k3 = pl.pallas_call(
    _k3_body,
    out_shape=jax.ShapeDtypeStruct((N, D_HID), jnp.float32),
)


def _k4_body(s3_ref, g3_ref, dis_ref, w3_ref, b3_ref, batch_ref, out_ref):
    dis = dis_ref[...]
    agg = (s3_ref[pl.ds(0, N), :] + s3_ref[pl.ds(NP, N), :] + g3_ref[...])
    p3 = dis * agg
    h3 = jnp.maximum(jnp.dot(p3, w3_ref[...],
                             preferred_element_type=jnp.float32)
                     + b3_ref[...], 0.0)
    gids = lax.broadcasted_iota(jnp.int32, (NG, N), 0)
    onehot_t = (gids == batch_ref[...]).astype(jnp.float32)
    sums = jnp.dot(onehot_t, h3, preferred_element_type=jnp.float32)
    cnt = jnp.sum(onehot_t, axis=1, keepdims=True)
    out_ref[...] = sums / jnp.maximum(cnt, 1.0)


_k4 = pl.pallas_call(
    _k4_body,
    out_shape=jax.ShapeDtypeStruct((NG, D_IN), jnp.float32),
)


def kernel(x, edge_index, batch, W1, b1, W2, b2, W3, b3):
    src = edge_index[0].astype(jnp.int32).reshape(NW * NCHUNK, CH)
    dst = edge_index[1].astype(jnp.int32).reshape(NW * NCHUNK, CH)
    batch_r = batch.astype(jnp.int32).reshape(1, N)

    degp = _deg_kernel(dst)
    g1, dis = _k1(x, W1, degp)

    s1 = _prop128(src, dst, g1)
    g2 = _k2(s1, g1, dis, b1.reshape(1, -1), W2)

    s2 = _prop64(src, dst, g2)
    g3 = _k3(s2, g2, dis, b2.reshape(1, -1))

    s3 = _prop64(src, dst, g3)
    out = _k4(s3, g3, dis, W3, b3.reshape(1, -1), batch_r)
    return out

# --- scband reference (transcript-rebuilt; emitter-appended) ---
"""Pipeline reference for scband-triple-gcn-42314017800422 (READ-ONLY COPY).

The authoritative reference and input builder live on the scoring server;
editing this copy changes nothing except your own understanding.
"""

import jax, jax.numpy as jnp
import numpy as np

N = 10000
E = 320000
D_IN = 128
D_HID = 64
NUM_GRAPHS = 128


def setup_inputs(seed: int = 0) -> dict:
    key = jax.random.key(seed)
    ks = jax.random.split(key, 10)
    x = jax.random.normal(ks[0], (N, D_IN), dtype=jnp.float32)
    edge_index = jax.random.randint(ks[1], (2, E), 0, N, dtype=jnp.int64)
    batch = jnp.sort(jax.random.randint(ks[2], (N,), 0, NUM_GRAPHS, dtype=jnp.int64))
    # GraphConv (GCN-style) parameters: conv1: in->2*hid, conv2: 2*hid->hid, conv3: hid->out
    W1 = jax.random.normal(ks[3], (D_IN, 2 * D_HID), dtype=jnp.float32) * (1.0 / np.sqrt(D_IN))
    b1 = jnp.zeros((2 * D_HID,), dtype=jnp.float32)
    W2 = jax.random.normal(ks[4], (2 * D_HID, D_HID), dtype=jnp.float32) * (1.0 / np.sqrt(2 * D_HID))
    b2 = jnp.zeros((D_HID,), dtype=jnp.float32)
    W3 = jax.random.normal(ks[5], (D_HID, D_IN), dtype=jnp.float32) * (1.0 / np.sqrt(D_HID))
    b3 = jnp.zeros((D_IN,), dtype=jnp.float32)
    return {"x": x, "edge_index": edge_index, "batch": batch,
            "W1": W1, "b1": b1, "W2": W2, "b2": b2, "W3": W3, "b3": b3}


def _gcn_conv(x, src, dst, norm, W, b, n):
    h = x @ W
    msg = h[src] * norm[:, None]
    out = jnp.zeros((n, h.shape[1]), dtype=h.dtype).at[dst].add(msg)
    return out + b


def reference(x, edge_index, batch, W1, b1, W2, b2, W3, b3):
    n = x.shape[0]
    loop = jnp.arange(n, dtype=edge_index.dtype)
    src = jnp.concatenate([edge_index[0], loop])
    dst = jnp.concatenate([edge_index[1], loop])
    # symmetric GCN normalization with self-loops
    deg = jnp.zeros((n,), dtype=jnp.float32).at[dst].add(1.0)
    dis = jnp.where(deg > 0, 1.0 / jnp.sqrt(deg), 0.0)
    norm = dis[src] * dis[dst]
    h = jax.nn.relu(_gcn_conv(x, src, dst, norm, W1, b1, n))
    # dropout is identity in eval mode
    h = jax.nn.relu(_gcn_conv(h, src, dst, norm, W2, b2, n))
    h = jax.nn.relu(_gcn_conv(h, src, dst, norm, W3, b3, n))
    # scatter_mean pooling over graph ids
    sums = jax.ops.segment_sum(h, batch, num_segments=NUM_GRAPHS)
    cnt = jax.ops.segment_sum(jnp.ones((n,), jnp.float32), batch, num_segments=NUM_GRAPHS)
    return sums / jnp.maximum(cnt, 1.0)[:, None]

if __name__ == "__main__":
    import jax
    _d = setup_inputs()
    print(jax.jit(kernel)(*tuple(_d.values())))

</pallas_src>

<mosaic_0001>
#map = affine_map<(d0, d1) -> (0, 0)>
module attributes {stable_mosaic.version = 14 : i64} {
  func.func @gcn_deg(%arg0: i32, %arg1: i32, %arg2: memref<4000x80xi32, #tpu.memory_space<hbm>>, %arg3: memref<20480x16xf32, #tpu.memory_space<hbm>>, %arg4: memref<125x80xi32, #tpu.memory_space<vmem>>, %arg5: memref<80x16xf32, #tpu.memory_space<vmem>>, %arg6: memref<32x16xf32, #tpu.memory_space<vmem>>, %arg7: memref<10240x16xf32, #tpu.memory_space<vmem_shared>>, %arg8: memref<!tpu.dma_semaphore, #tpu.memory_space<semaphore_mem>>, %arg9: memref<!tpu.dma_semaphore, #tpu.memory_space<semaphore_mem>>) attributes {dimension_semantics = [#tpu.dimension_semantics<core_parallel>, #tpu.dimension_semantics<subcore_parallel>], iteration_bounds = array<i64: 2, 16>, scalar_prefetch = 0 : i64, scratch_operands = 6 : i64, tpu.core_type = #tpu.core_type<sc_vector_subcore>, window_params = [{transform_indices = #map}, {transform_indices = #map}]} {
    %mul3A = arith.constant 2 : i32
    %mul3A_0 = arith.muli %arg1, %mul3A : i32
    %add3A = arith.addi %mul3A_0, %arg0 : i32
    %mul3A_1 = arith.constant 125 : i32
    %mul3A_2 = arith.muli %add3A, %mul3A_1 : i32
    %dma_start3A = arith.constant 0 : i32
    %dma_start3A_3 = tpu.memref_slice %arg2[%mul3A_2, %dma_start3A] : memref<4000x80xi32, #tpu.memory_space<hbm>> -> memref<125x80xi32, #tpu.memory_space<hbm>>
    %dma_start3A_4 = arith.constant 0 : i32
    %dma_start3A_5 = tpu.memref_slice %arg2[%mul3A_2, %dma_start3A_4] : memref<4000x80xi32, #tpu.memory_space<hbm>> -> memref<125x80xi32, #tpu.memory_space<hbm>>
    tpu.enqueue_dma source(%dma_start3A_5 : memref<125x80xi32, #tpu.memory_space<hbm>>) target(%arg4 : memref<125x80xi32, #tpu.memory_space<vmem>>) target_semaphore(%arg8 : memref<!tpu.dma_semaphore, #tpu.memory_space<semaphore_mem>>)
    %scan3A = arith.constant 0 : i32
    %scan3A_6 = arith.constant 0 : i32
    %scan3A_7 = arith.constant 80 : i32
    %scan3A_8 = arith.addi %scan3A_6, %scan3A_7 : i32
    %scan3A_9 = arith.constant 1 : i32
    %scan3A_10 = scf.for %scan3A_61 = %scan3A_6 to %scan3A_8 step %scan3A_9 iter_args(%scan3A_62 = %scan3A) -> (i32)  : i32 {
      %broadcast_in_dim3A = arith.constant 1.000000e+00 : f32
      %broadcast_in_dim3A_63 = vector.broadcast %broadcast_in_dim3A : f32 to vector<16xf32>
      %swap3A = arith.index_cast %scan3A_61 : i32 to index
      %swap3A_64 = arith.constant 0 : index
      %swap3A_65 = tpu.vector_load %arg5[%swap3A, %swap3A_64] {strides = array<i32>} : memref<80x16xf32, #tpu.memory_space<vmem>>, vector<1x16xf32>,
      %swap3A_66 = vector.shape_cast %swap3A_65 : vector<1x16xf32> to vector<16xf32>
      %swap3A_67 = vector.shape_cast %broadcast_in_dim3A_63 : vector<16xf32> to vector<1x16xf32>
      tpu.vector_store %arg5[%swap3A, %swap3A_64], %swap3A_67 {strides = array<i32>} : memref<80x16xf32, #tpu.memory_space<vmem>>, vector<1x16xf32>,
      %scan3A_68 = arith.constant 0 : i32
      scf.yield %scan3A_68 : i32
    }
    %scan3A_11 = arith.constant 80 : i32
    %scan3A_12 = arith.constant 0 : i32
    %scan3A_13 = arith.constant 0 : i32
    %scan3A_14 = arith.constant 32 : i32
    %scan3A_15 = arith.addi %scan3A_13, %scan3A_14 : i32
    %scan3A_16 = arith.constant 1 : i32
    %scan3A_17 = scf.for %scan3A_61 = %scan3A_13 to %scan3A_15 step %scan3A_16 iter_args(%scan3A_62 = %scan3A_12) -> (i32)  : i32 {
      %broadcast_in_dim3A = arith.constant 0.000000e+00 : f32
      %broadcast_in_dim3A_63 = vector.broadcast %broadcast_in_dim3A : f32 to vector<16xf32>
      %swap3A = arith.index_cast %scan3A_61 : i32 to index
      %swap3A_64 = arith.constant 0 : index
      %swap3A_65 = tpu.vector_load %arg6[%swap3A, %swap3A_64] {strides = array<i32>} : memref<32x16xf32, #tpu.memory_space<vmem>>, vector<1x16xf32>,
      %swap3A_66 = vector.shape_cast %swap3A_65 : vector<1x16xf32> to vector<16xf32>
      %swap3A_67 = vector.shape_cast %broadcast_in_dim3A_63 : vector<16xf32> to vector<1x16xf32>
      tpu.vector_store %arg6[%swap3A, %swap3A_64], %swap3A_67 {strides = array<i32>} : memref<32x16xf32, #tpu.memory_space<vmem>>, vector<1x16xf32>,
      %scan3A_68 = arith.constant 0 : i32
      scf.yield %scan3A_68 : i32
    }
    %scan3A_18 = arith.constant 32 : i32
    %scan3A_19 = arith.constant 0 : i32
    %scan3A_20 = arith.constant 0 : i32
    %scan3A_21 = arith.constant 20 : i32
    %scan3A_22 = arith.addi %scan3A_20, %scan3A_21 : i32
    %scan3A_23 = arith.constant 1 : i32
    %scan3A_24 = scf.for %scan3A_61 = %scan3A_20 to %scan3A_22 step %scan3A_23 iter_args(%scan3A_62 = %scan3A_19) -> (i32)  : i32 {
      %mul3A_63 = arith.constant 640 : i32
      %mul3A_64 = arith.muli %arg1, %mul3A_63 : i32
      %mul3A_65 = arith.constant 32 : i32
      %mul3A_66 = arith.muli %scan3A_61, %mul3A_65 : i32
      %add3A_67 = arith.addi %mul3A_64, %mul3A_66 : i32
      %multiple_of3A_68 = tpu.assume_multiple %add3A_67, 8 : i32
      %dma_start3A_69 = arith.constant 0 : i32
      %dma_start3A_70 = tpu.memref_slice %arg7[%multiple_of3A_68, %dma_start3A_69] : memref<10240x16xf32, #tpu.memory_space<vmem_shared>> -> memref<32x16xf32, #tpu.memory_space<vmem_shared>>
      %dma_start3A_71 = arith.constant 0 : i32
      %dma_start3A_72 = tpu.memref_slice %arg7[%multiple_of3A_68, %dma_start3A_71] : memref<10240x16xf32, #tpu.memory_space<vmem_shared>> -> memref<32x16xf32, #tpu.memory_space<vmem_shared>>
      tpu.enqueue_dma source(%arg6 : memref<32x16xf32, #tpu.memory_space<vmem>>) target(%dma_start3A_72 : memref<32x16xf32, #tpu.memory_space<vmem_shared>>) target_semaphore(%arg9 : memref<!tpu.dma_semaphore, #tpu.memory_space<semaphore_mem>>)
      %scan3A_73 = arith.constant 0 : i32
      scf.yield %scan3A_73 : i32
    }
    %scan3A_25 = arith.constant 20 : i32
    %scan3A_26 = arith.constant 0 : i32
    %scan3A_27 = arith.constant 0 : i32
    %scan3A_28 = arith.constant 20 : i32
    %scan3A_29 = arith.addi %scan3A_27, %scan3A_28 : i32
    %scan3A_30 = arith.constant 1 : i32
    %scan3A_31 = scf.for %scan3A_61 = %scan3A_27 to %scan3A_29 step %scan3A_30 iter_args(%scan3A_62 = %scan3A_26) -> (i32)  : i32 {
      %mul3A_63 = arith.constant 640 : i32
      %mul3A_64 = arith.muli %arg1, %mul3A_63 : i32
      %mul3A_65 = arith.constant 32 : i32
      %mul3A_66 = arith.muli %scan3A_61, %mul3A_65 : i32
      %add3A_67 = arith.addi %mul3A_64, %mul3A_66 : i32
      %multiple_of3A_68 = tpu.assume_multiple %add3A_67, 8 : i32
      %dma_wait3A_69 = arith.constant 0 : i32
      %dma_wait3A_70 = tpu.memref_slice %arg7[%multiple_of3A_68, %dma_wait3A_69] : memref<10240x16xf32, #tpu.memory_space<vmem_shared>> -> memref<32x16xf32, #tpu.memory_space<vmem_shared>>
      %dma_wait3A_71 = arith.constant 0 : i32
      %dma_wait3A_72 = tpu.memref_slice %arg7[%multiple_of3A_68, %dma_wait3A_71] : memref<10240x16xf32, #tpu.memory_space<vmem_shared>> -> memref<32x16xf32, #tpu.memory_space<vmem_shared>>
      tpu.wait_dma2 semaphore(%arg9 : memref<!tpu.dma_semaphore, #tpu.memory_space<semaphore_mem>>) src(%arg6 : memref<32x16xf32, #tpu.memory_space<vmem>>) dst(%dma_wait3A_72 : memref<32x16xf32, #tpu.memory_space<vmem_shared>>)
      %scan3A_73 = arith.constant 0 : i32
      scf.yield %scan3A_73 : i32
    }
    %scan3A_32 = arith.constant 20 : i32
    %dma_wait3A = arith.constant 0 : i32
    %dma_wait3A_33 = arith.constant 0 : i32
    %dma_wait3A_34 = tpu.memref_slice %arg2[%dma_wait3A, %dma_wait3A_33] : memref<4000x80xi32, #tpu.memory_space<hbm>> -> memref<125x80xi32, #tpu.memory_space<hbm>>
    %dma_wait3A_35 = arith.constant 0 : i32
    %dma_wait3A_36 = arith.constant 0 : i32
    %dma_wait3A_37 = tpu.memref_slice %arg2[%dma_wait3A_35, %dma_wait3A_36] : memref<4000x80xi32, #tpu.memory_space<hbm>> -> memref<125x80xi32, #tpu.memory_space<hbm>>
    tpu.wait_dma2 semaphore(%arg8 : memref<!tpu.dma_semaphore, #tpu.memory_space<semaphore_mem>>) src(%dma_wait3A_37 : memref<125x80xi32, #tpu.memory_space<hbm>>) dst(%arg4 : memref<125x80xi32, #tpu.memory_space<vmem>>)
    %barrier3A = arith.constant 0 : index
    tpu.barrier barrier_id(%barrier3A)
    %scan3A_38 = arith.constant 0 : i32
    %scan3A_39 = arith.constant 0 : i32
    %scan3A_40 = arith.constant 125 : i32
    %scan3A_41 = arith.addi %scan3A_39, %scan3A_40 : i32
    %scan3A_42 = arith.constant 1 : i32
    %scan3A_43 = scf.for %scan3A_61 = %scan3A_39 to %scan3A_41 step %scan3A_42 iter_args(%scan3A_62 = %scan3A_38) -> (i32)  : i32 {
      %dma_start3A_63 = arith.constant 0 : i32
      %dma_start3A_64 = tpu.memref_slice %arg4[%scan3A_61, %dma_start3A_63] : memref<125x80xi32, #tpu.memory_space<vmem>> -> memref<1x80xi32, #tpu.memory_space<vmem>>
      %dma_start3A_65 = tpu.memref_squeeze %dma_start3A_64 : memref<1x80xi32, #tpu.memory_space<vmem>> -> memref<80xi32, #tpu.memory_space<vmem>>
      %dma_start3A_66 = arith.constant 0 : i32
      %dma_start3A_67 = arith.constant 0 : i32
      %dma_start3A_68 = tpu.memref_slice %arg7[%dma_start3A_66, %dma_start3A_67] : memref<10240x16xf32, #tpu.memory_space<vmem_shared>> -> memref<10240x16xf32, #tpu.memory_space<vmem_shared>>
      tpu.enqueue_indirect_dma source(%arg5 : memref<80x16xf32, #tpu.memory_space<vmem>>) target(%dma_start3A_68 : memref<10240x16xf32, #tpu.memory_space<vmem_shared>>) offsets(%dma_start3A_65 : memref<80xi32, #tpu.memory_space<vmem>>) semaphore(%arg9 : memref<!tpu.dma_semaphore, #tpu.memory_space<semaphore_mem>>) {add = true}
      %scan3A_69 = arith.constant 0 : i32
      scf.yield %scan3A_69 : i32
    }
    %scan3A_44 = arith.constant 125 : i32
    %scan3A_45 = arith.constant 0 : i32
    %scan3A_46 = arith.constant 0 : i32
    %scan3A_47 = arith.constant 125 : i32
    %scan3A_48 = arith.addi %scan3A_46, %scan3A_47 : i32
    %scan3A_49 = arith.constant 1 : i32
    %scan3A_50 = scf.for %scan3A_61 = %scan3A_46 to %scan3A_48 step %scan3A_49 iter_args(%scan3A_62 = %scan3A_45) -> (i32)  : i32 {
      %dma_wait3A_63 = arith.constant 0 : i32
      %dma_wait3A_64 = tpu.memref_slice %arg4[%scan3A_61, %dma_wait3A_63] : memref<125x80xi32, #tpu.memory_space<vmem>> -> memref<1x80xi32, #tpu.memory_space<vmem>>
      %dma_wait3A_65 = tpu.memref_squeeze %dma_wait3A_64 : memref<1x80xi32, #tpu.memory_space<vmem>> -> memref<80xi32, #tpu.memory_space<vmem>>
      %dma_wait3A_66 = arith.constant 0 : i32
      %dma_wait3A_67 = arith.constant 0 : i32
      %dma_wait3A_68 = tpu.memref_slice %arg7[%dma_wait3A_66, %dma_wait3A_67] : memref<10240x16xf32, #tpu.memory_space<vmem_shared>> -> memref<10240x16xf32, #tpu.memory_space<vmem_shared>>
      tpu.wait_indirect_dma semaphore(%arg9 : memref<!tpu.dma_semaphore, #tpu.memory_space<semaphore_mem>>) src(%arg5 : memref<80x16xf32, #tpu.memory_space<vmem>>) dst(%dma_wait3A_68 : memref<10240x16xf32, #tpu.memory_space<vmem_shared>>)
      %scan3A_69 = arith.constant 0 : i32
      scf.yield %scan3A_69 : i32
    }
    %scan3A_51 = arith.constant 125 : i32
    %barrier3A_52 = arith.constant 0 : index
    tpu.barrier barrier_id(%barrier3A_52)
    %mul3A_53 = arith.constant 640 : i32
    %mul3A_54 = arith.muli %arg1, %mul3A_53 : i32
    %multiple_of3A = tpu.assume_multiple %mul3A_54, 8 : i32
    %mul3A_55 = arith.constant 10240 : i32
    %mul3A_56 = arith.muli %arg0, %mul3A_55 : i32
    %mul3A_57 = arith.constant 640 : i32
    %mul3A_58 = arith.muli %arg1, %mul3A_57 : i32
    %add3A_59 = arith.addi %mul3A_56, %mul3A_58 : i32
    %multiple_of3A_60 = tpu.assume_multiple %add3A_59, 8 : i32
    "tpu.region"() ({
      %run_scoped3A = tpu.sem_alloc : memref<!tpu.dma_semaphore, #tpu.memory_space<semaphore_mem>>
      %dma_start3A_61 = arith.constant 0 : i32
      %dma_start3A_62 = tpu.memref_slice %arg3[%multiple_of3A_60, %dma_start3A_61] : memref<20480x16xf32, #tpu.memory_space<hbm>> -> memref<640x16xf32, #tpu.memory_space<hbm>>
      %dma_start3A_63 = arith.constant 0 : i32
      %dma_start3A_64 = tpu.memref_slice %arg7[%multiple_of3A, %dma_start3A_63] : memref<10240x16xf32, #tpu.memory_space<vmem_shared>> -> memref<640x16xf32, #tpu.memory_space<vmem_shared>>
      tpu.enqueue_dma source(%dma_start3A_64 : memref<640x16xf32, #tpu.memory_space<vmem_shared>>) target(%dma_start3A_62 : memref<640x16xf32, #tpu.memory_space<hbm>>) target_semaphore(%run_scoped3A : memref<!tpu.dma_semaphore, #tpu.memory_space<semaphore_mem>>)
      %dma_wait3A_65 = arith.constant 0 : i32
      %dma_wait3A_66 = tpu.memref_slice %arg3[%multiple_of3A_60, %dma_wait3A_65] : memref<20480x16xf32, #tpu.memory_space<hbm>> -> memref<640x16xf32, #tpu.memory_space<hbm>>
      %dma_wait3A_67 = arith.constant 0 : i32
      %dma_wait3A_68 = tpu.memref_slice %arg7[%multiple_of3A, %dma_wait3A_67] : memref<10240x16xf32, #tpu.memory_space<vmem_shared>> -> memref<640x16xf32, #tpu.memory_space<vmem_shared>>
      tpu.wait_dma2 semaphore(%run_scoped3A : memref<!tpu.dma_semaphore, #tpu.memory_space<semaphore_mem>>) src(%dma_wait3A_68 : memref<640x16xf32, #tpu.memory_space<vmem_shared>>) dst(%dma_wait3A_66 : memref<640x16xf32, #tpu.memory_space<hbm>>)
      tpu.yield
    }) : () -> ()
    return
  }
}

#map = affine_map<(d0, d1) -> (0, 0)>
module attributes {stable_mosaic.version = 14 : i64} {
  func.func @gcn_prop_64(%arg0: i32, %arg1: i32, %arg2: memref<4000x80xi32, #tpu.memory_space<hbm>>, %arg3: memref<4000x80xi32, #tpu.memory_space<hbm>>, %arg4: memref<10000x64xf32, #tpu.memory_space<hbm>>, %arg5: memref<20480x64xf32, #tpu.memory_space<hbm>>, %arg6: memref<125x80xi32, #tpu.memory_space<vmem>>, %arg7: memref<125x80xi32, #tpu.memory_space<vmem>>, %arg8: memref<80x64xf32, #tpu.memory_space<vmem>>, %arg9: memref<80x64xf32, #tpu.memory_space<vmem>>, %arg10: memref<80x64xf32, #tpu.memory_space<vmem>>, %arg11: memref<80x64xf32, #tpu.memory_space<vmem>>, %arg12: memref<32x64xf32, #tpu.memory_space<vmem>>, %arg13: memref<10240x64xf32, #tpu.memory_space<vmem_shared>>, %arg14: memref<!tpu.dma_semaphore, #tpu.memory_space<semaphore_mem>>, %arg15: memref<!tpu.dma_semaphore, #tpu.memory_space<semaphore_mem>>, %arg16: memref<!tpu.dma_semaphore, #tpu.memory_space<semaphore_mem>>, %arg17: memref<!tpu.dma_semaphore, #tpu.memory_space<semaphore_mem>>, %arg18: memref<!tpu.dma_semaphore, #tpu.memory_space<semaphore_mem>>, %arg19: memref<!tpu.dma_semaphore, #tpu.memory_space<semaphore_mem>>, %arg20: memref<!tpu.dma_semaphore, #tpu.memory_space<semaphore_mem>>, %arg21: memref<!tpu.dma_semaphore, #tpu.memory_space<semaphore_mem>>, %arg22: memref<!tpu.dma_semaphore, #tpu.memory_space<semaphore_mem>>) attributes {dimension_semantics = [#tpu.dimension_semantics<core_parallel>, #tpu.dimension_semantics<subcore_parallel>], iteration_bounds = array<i64: 2, 16>, scalar_prefetch = 0 : i64, scratch_operands = 17 : i64, tpu.core_type = #tpu.core_type<sc_vector_subcore>, window_params = [{transform_indices = #map}, {transform_indices = #map}, {transform_indices = #map}, {transform_indices = #map}]} {
    %mul3A = arith.constant 2 : i32
    %mul3A_0 = arith.muli %arg1, %mul3A : i32
    %add3A = arith.addi %mul3A_0, %arg0 : i32
    %mul3A_1 = arith.constant 125 : i32
    %mul3A_2 = arith.muli %add3A, %mul3A_1 : i32
    %add3A_3 = arith.constant 0 : i32
    %add3A_4 = arith.addi %mul3A_2, %add3A_3 : i32
    %dma_start3A = arith.constant 0 : i32
    %dma_start3A_5 = arith.constant 0 : i32
    %dma_start3A_6 = tpu.memref_slice %arg6[%dma_start3A, %dma_start3A_5] : memref<125x80xi32, #tpu.memory_space<vmem>> -> memref<125x80xi32, #tpu.memory_space<vmem>>
    %dma_start3A_7 = arith.constant 0 : i32
    %dma_start3A_8 = tpu.memref_slice %arg2[%add3A_4, %dma_start3A_7] : memref<4000x80xi32, #tpu.memory_space<hbm>> -> memref<125x80xi32, #tpu.memory_space<hbm>>
    %dma_start3A_9 = arith.constant 0 : i32
    %dma_start3A_10 = arith.constant 0 : i32
    %dma_start3A_11 = tpu.memref_slice %arg6[%dma_start3A_9, %dma_start3A_10] : memref<125x80xi32, #tpu.memory_space<vmem>> -> memref<125x80xi32, #tpu.memory_space<vmem>>
    %dma_start3A_12 = arith.constant 0 : i32
    %dma_start3A_13 = tpu.memref_slice %arg2[%add3A_4, %dma_start3A_12] : memref<4000x80xi32, #tpu.memory_space<hbm>> -> memref<125x80xi32, #tpu.memory_space<hbm>>
    tpu.enqueue_dma source(%dma_start3A_13 : memref<125x80xi32, #tpu.memory_space<hbm>>) target(%dma_start3A_11 : memref<125x80xi32, #tpu.memory_space<vmem>>) target_semaphore(%arg14 : memref<!tpu.dma_semaphore, #tpu.memory_space<semaphore_mem>>)
    %dma_start3A_14 = arith.constant 0 : i32
    %dma_start3A_15 = arith.constant 0 : i32
    %dma_start3A_16 = tpu.memref_slice %arg7[%dma_start3A_14, %dma_start3A_15] : memref<125x80xi32, #tpu.memory_space<vmem>> -> memref<125x80xi32, #tpu.memory_space<vmem>>
    %dma_start3A_17 = arith.constant 0 : i32
    %dma_start3A_18 = tpu.memref_slice %arg3[%add3A_4, %dma_start3A_17] : memref<4000x80xi32, #tpu.memory_space<hbm>> -> memref<125x80xi32, #tpu.memory_space<hbm>>
    %dma_start3A_19 = arith.constant 0 : i32
    %dma_start3A_20 = arith.constant 0 : i32
    %dma_start3A_21 = tpu.memref_slice %arg7[%dma_start3A_19, %dma_start3A_20] : memref<125x80xi32, #tpu.memory_space<vmem>> -> memref<125x80xi32, #tpu.memory_space<vmem>>
    %dma_start3A_22 = arith.constant 0 : i32
    %dma_start3A_23 = tpu.memref_slice %arg3[%add3A_4, %dma_start3A_22] : memref<4000x80xi32, #tpu.memory_space<hbm>> -> memref<125x80xi32, #tpu.memory_space<hbm>>
    tpu.enqueue_dma source(%dma_start3A_23 : memref<125x80xi32, #tpu.memory_space<hbm>>) target(%dma_start3A_21 : memref<125x80xi32, #tpu.memory_space<vmem>>) target_semaphore(%arg14 : memref<!tpu.dma_semaphore, #tpu.memory_space<semaphore_mem>>)
    %scan3A = arith.constant 0 : i32
    %scan3A_24 = arith.constant 0 : i32
    %scan3A_25 = arith.constant 32 : i32
    %scan3A_26 = arith.addi %scan3A_24, %scan3A_25 : i32
    %scan3A_27 = arith.constant 1 : i32
    %scan3A_28 = scf.for %scan3A_132 = %scan3A_24 to %scan3A_26 step %scan3A_27 iter_args(%scan3A_133 = %scan3A) -> (i32)  : i32 {
      %broadcast_in_dim3A = arith.constant 0.000000e+00 : f32
      %broadcast_in_dim3A_134 = vector.broadcast %broadcast_in_dim3A : f32 to vector<16xf32>
      %swap3A = arith.index_cast %scan3A_132 : i32 to index
      %swap3A_135 = arith.constant 0 : index
      %swap3A_136 = tpu.vector_load %arg12[%swap3A, %swap3A_135] {strides = array<i32>} : memref<32x64xf32, #tpu.memory_space<vmem>>, vector<1x16xf32>,
      %swap3A_137 = vector.shape_cast %swap3A_136 : vector<1x16xf32> to vector<16xf32>
      %swap3A_138 = vector.shape_cast %broadcast_in_dim3A_134 : vector<16xf32> to vector<1x16xf32>
      tpu.vector_store %arg12[%swap3A, %swap3A_135], %swap3A_138 {strides = array<i32>} : memref<32x64xf32, #tpu.memory_space<vmem>>, vector<1x16xf32>,
      %broadcast_in_dim3A_139 = arith.constant 0.000000e+00 : f32
      %broadcast_in_dim3A_140 = vector.broadcast %broadcast_in_dim3A_139 : f32 to vector<16xf32>
      %swap3A_141 = arith.index_cast %scan3A_132 : i32 to index
      %swap3A_142 = arith.constant 16 : index
      %swap3A_143 = tpu.vector_load %arg12[%swap3A_141, %swap3A_142] {strides = array<i32>} : memref<32x64xf32, #tpu.memory_space<vmem>>, vector<1x16xf32>,
      %swap3A_144 = vector.shape_cast %swap3A_143 : vector<1x16xf32> to vector<16xf32>
      %swap3A_145 = vector.shape_cast %broadcast_in_dim3A_140 : vector<16xf32> to vector<1x16xf32>
      tpu.vector_store %arg12[%swap3A_141, %swap3A_142], %swap3A_145 {strides = array<i32>} : memref<32x64xf32, #tpu.memory_space<vmem>>, vector<1x16xf32>,
      %broadcast_in_dim3A_146 = arith.constant 0.000000e+00 : f32
      %broadcast_in_dim3A_147 = vector.broadcast %broadcast_in_dim3A_146 : f32 to vector<16xf32>
      %swap3A_148 = arith.index_cast %scan3A_132 : i32 to index
      %swap3A_149 = arith.constant 32 : index
      %swap3A_150 = tpu.vector_load %arg12[%swap3A_148, %swap3A_149] {strides = array<i32>} : memref<32x64xf32, #tpu.memory_space<vmem>>, vector<1x16xf32>,
      %swap3A_151 = vector.shape_cast %swap3A_150 : vector<1x16xf32> to vector<16xf32>
      %swap3A_152 = vector.shape_cast %broadcast_in_dim3A_147 : vector<16xf32> to vector<1x16xf32>
      tpu.vector_store %arg12[%swap3A_148, %swap3A_149], %swap3A_152 {strides = array<i32>} : memref<32x64xf32, #tpu.memory_space<vmem>>, vector<1x16xf32>,
      %broadcast_in_dim3A_153 = arith.constant 0.000000e+00 : f32
      %broadcast_in_dim3A_154 = vector.broadcast %broadcast_in_dim3A_153 : f32 to vector<16xf32>
      %swap3A_155 = arith.index_cast %scan3A_132 : i32 to index
      %swap3A_156 = arith.constant 48 : index
      %swap3A_157 = tpu.vector_load %arg12[%swap3A_155, %swap3A_156] {strides = array<i32>} : memref<32x64xf32, #tpu.memory_space<vmem>>, vector<1x16xf32>,
      %swap3A_158 = vector.shape_cast %swap3A_157 : vector<1x16xf32> to vector<16xf32>
      %swap3A_159 = vector.shape_cast %broadcast_in_dim3A_154 : vector<16xf32> to vector<1x16xf32>
      tpu.vector_store %arg12[%swap3A_155, %swap3A_156], %swap3A_159 {strides = array<i32>} : memref<32x64xf32, #tpu.memory_space<vmem>>, vector<1x16xf32>,
      %scan3A_160 = arith.constant 0 : i32
      scf.yield %scan3A_160 : i32
    }
    %scan3A_29 = arith.constant 32 : i32
    %scan3A_30 = arith.constant 0 : i32
    %scan3A_31 = arith.constant 0 : i32
    %scan3A_32 = arith.constant 20 : i32
    %scan3A_33 = arith.addi %scan3A_31, %scan3A_32 : i32
    %scan3A_34 = arith.constant 1 : i32
    %scan3A_35 = scf.for %scan3A_132 = %scan3A_31 to %scan3A_33 step %scan3A_34 iter_args(%scan3A_133 = %scan3A_30) -> (i32)  : i32 {
      %mul3A_134 = arith.constant 640 : i32
      %mul3A_135 = arith.muli %arg1, %mul3A_134 : i32
      %mul3A_136 = arith.constant 32 : i32
      %mul3A_137 = arith.muli %scan3A_132, %mul3A_136 : i32
      %add3A_138 = arith.addi %mul3A_135, %mul3A_137 : i32
      %multiple_of3A_139 = tpu.assume_multiple %add3A_138, 8 : i32
      %dma_start3A_140 = arith.constant 0 : i32
      %dma_start3A_141 = tpu.memref_slice %arg13[%multiple_of3A_139, %dma_start3A_140] : memref<10240x64xf32, #tpu.memory_space<vmem_shared>> -> memref<32x64xf32, #tpu.memory_space<vmem_shared>>
      %dma_start3A_142 = arith.constant 0 : i32
      %dma_start3A_143 = tpu.memref_slice %arg13[%multiple_of3A_139, %dma_start3A_142] : memref<10240x64xf32, #tpu.memory_space<vmem_shared>> -> memref<32x64xf32, #tpu.memory_space<vmem_shared>>
      tpu.enqueue_dma source(%arg12 : memref<32x64xf32, #tpu.memory_space<vmem>>) target(%dma_start3A_143 : memref<32x64xf32, #tpu.memory_space<vmem_shared>>) target_semaphore(%arg19 : memref<!tpu.dma_semaphore, #tpu.memory_space<semaphore_mem>>)
      %scan3A_144 = arith.constant 0 : i32
      scf.yield %scan3A_144 : i32
    }
    %scan3A_36 = arith.constant 20 : i32
    %scan3A_37 = arith.constant 0 : i32
    %scan3A_38 = arith.constant 0 : i32
    %scan3A_39 = arith.constant 20 : i32
    %scan3A_40 = arith.addi %scan3A_38, %scan3A_39 : i32
    %scan3A_41 = arith.constant 1 : i32
    %scan3A_42 = scf.for %scan3A_132 = %scan3A_38 to %scan3A_40 step %scan3A_41 iter_args(%scan3A_133 = %scan3A_37) -> (i32)  : i32 {
      %mul3A_134 = arith.constant 640 : i32
      %mul3A_135 = arith.muli %arg1, %mul3A_134 : i32
      %mul3A_136 = arith.constant 32 : i32
      %mul3A_137 = arith.muli %scan3A_132, %mul3A_136 : i32
      %add3A_138 = arith.addi %mul3A_135, %mul3A_137 : i32
      %multiple_of3A_139 = tpu.assume_multiple %add3A_138, 8 : i32
      %dma_wait3A_140 = arith.constant 0 : i32
      %dma_wait3A_141 = tpu.memref_slice %arg13[%multiple_of3A_139, %dma_wait3A_140] : memref<10240x64xf32, #tpu.memory_space<vmem_shared>> -> memref<32x64xf32, #tpu.memory_space<vmem_shared>>
      %dma_wait3A_142 = arith.constant 0 : i32
      %dma_wait3A_143 = tpu.memref_slice %arg13[%multiple_of3A_139, %dma_wait3A_142] : memref<10240x64xf32, #tpu.memory_space<vmem_shared>> -> memref<32x64xf32, #tpu.memory_space<vmem_shared>>
      tpu.wait_dma2 semaphore(%arg19 : memref<!tpu.dma_semaphore, #tpu.memory_space<semaphore_mem>>) src(%arg12 : memref<32x64xf32, #tpu.memory_space<vmem>>) dst(%dma_wait3A_143 : memref<32x64xf32, #tpu.memory_space<vmem_shared>>)
      %scan3A_144 = arith.constant 0 : i32
      scf.yield %scan3A_144 : i32
    }
    %scan3A_43 = arith.constant 20 : i32
    %dma_wait3A = arith.constant 0 : i32
    %dma_wait3A_44 = arith.constant 0 : i32
    %dma_wait3A_45 = tpu.memref_slice %arg6[%dma_wait3A, %dma_wait3A_44] : memref<125x80xi32, #tpu.memory_space<vmem>> -> memref<125x80xi32, #tpu.memory_space<vmem>>
    %dma_wait3A_46 = arith.constant 0 : i32
    %dma_wait3A_47 = arith.constant 0 : i32
    %dma_wait3A_48 = tpu.memref_slice %arg2[%dma_wait3A_46, %dma_wait3A_47] : memref<4000x80xi32, #tpu.memory_space<hbm>> -> memref<125x80xi32, #tpu.memory_space<hbm>>
    %dma_wait3A_49 = arith.constant 0 : i32
    %dma_wait3A_50 = arith.constant 0 : i32
    %dma_wait3A_51 = tpu.memref_slice %arg6[%dma_wait3A_49, %dma_wait3A_50] : memref<125x80xi32, #tpu.memory_space<vmem>> -> memref<125x80xi32, #tpu.memory_space<vmem>>
    %dma_wait3A_52 = arith.constant 0 : i32
    %dma_wait3A_53 = arith.constant 0 : i32
    %dma_wait3A_54 = tpu.memref_slice %arg2[%dma_wait3A_52, %dma_wait3A_53] : memref<4000x80xi32, #tpu.memory_space<hbm>> -> memref<125x80xi32, #tpu.memory_space<hbm>>
    tpu.wait_dma2 semaphore(%arg14 : memref<!tpu.dma_semaphore, #tpu.memory_space<semaphore_mem>>) src(%dma_wait3A_54 : memref<125x80xi32, #tpu.memory_space<hbm>>) dst(%dma_wait3A_51 : memref<125x80xi32, #tpu.memory_space<vmem>>)
    %dma_wait3A_55 = arith.constant 0 : i32
    %dma_wait3A_56 = arith.constant 0 : i32
    %dma_wait3A_57 = tpu.memref_slice %arg7[%dma_wait3A_55, %dma_wait3A_56] : memref<125x80xi32, #tpu.memory_space<vmem>> -> memref<125x80xi32, #tpu.memory_space<vmem>>
    %dma_wait3A_58 = arith.constant 0 : i32
    %dma_wait3A_59 = arith.constant 0 : i32
    %dma_wait3A_60 = tpu.memref_slice %arg3[%dma_wait3A_58, %dma_wait3A_59] : memref<4000x80xi32, #tpu.memory_space<hbm>> -> memref<125x80xi32, #tpu.memory_space<hbm>>
    %dma_wait3A_61 = arith.constant 0 : i32
    %dma_wait3A_62 = arith.constant 0 : i32
    %dma_wait3A_63 = tpu.memref_slice %arg7[%dma_wait3A_61, %dma_wait3A_62] : memref<125x80xi32, #tpu.memory_space<vmem>> -> memref<125x80xi32, #tpu.memory_space<vmem>>
    %dma_wait3A_64 = arith.constant 0 : i32
    %dma_wait3A_65 = arith.constant 0 : i32
    %dma_wait3A_66 = tpu.memref_slice %arg3[%dma_wait3A_64, %dma_wait3A_65] : memref<4000x80xi32, #tpu.memory_space<hbm>> -> memref<125x80xi32, #tpu.memory_space<hbm>>
    tpu.wait_dma2 semaphore(%arg14 : memref<!tpu.dma_semaphore, #tpu.memory_space<semaphore_mem>>) src(%dma_wait3A_66 : memref<125x80xi32, #tpu.memory_space<hbm>>) dst(%dma_wait3A_63 : memref<125x80xi32, #tpu.memory_space<vmem>>)
    %dma_start3A_67 = arith.constant 0 : i32
    %dma_start3A_68 = arith.constant 0 : i32
    %dma_start3A_69 = tpu.memref_slice %arg6[%dma_start3A_67, %dma_start3A_68] : memref<125x80xi32, #tpu.memory_space<vmem>> -> memref<1x80xi32, #tpu.memory_space<vmem>>
    %dma_start3A_70 = tpu.memref_squeeze %dma_start3A_69 : memref<1x80xi32, #tpu.memory_space<vmem>> -> memref<80xi32, #tpu.memory_space<vmem>>
    %dma_start3A_71 = arith.constant 0 : i32
    %dma_start3A_72 = arith.constant 0 : i32
    %dma_start3A_73 = tpu.memref_slice %arg4[%dma_start3A_71, %dma_start3A_72] : memref<10000x64xf32, #tpu.memory_space<hbm>> -> memref<10000x64xf32, #tpu.memory_space<hbm>>
    tpu.enqueue_indirect_dma source(%dma_start3A_73 : memref<10000x64xf32, #tpu.memory_space<hbm>>) target(%arg8 : memref<80x64xf32, #tpu.memory_space<vmem>>) offsets(%dma_start3A_70 : memref<80xi32, #tpu.memory_space<vmem>>) semaphore(%arg15 : memref<!tpu.dma_semaphore, #tpu.memory_space<semaphore_mem>>)
    %dma_start3A_74 = arith.constant 1 : i32
    %dma_start3A_75 = arith.constant 0 : i32
    %dma_start3A_76 = tpu.memref_slice %arg6[%dma_start3A_74, %dma_start3A_75] : memref<125x80xi32, #tpu.memory_space<vmem>> -> memref<1x80xi32, #tpu.memory_space<vmem>>
    %dma_start3A_77 = tpu.memref_squeeze %dma_start3A_76 : memref<1x80xi32, #tpu.memory_space<vmem>> -> memref<80xi32, #tpu.memory_space<vmem>>
    %dma_start3A_78 = arith.constant 0 : i32
    %dma_start3A_79 = arith.constant 0 : i32
    %dma_start3A_80 = tpu.memref_slice %arg4[%dma_start3A_78, %dma_start3A_79] : memref<10000x64xf32, #tpu.memory_space<hbm>> -> memref<10000x64xf32, #tpu.memory_space<hbm>>
    tpu.enqueue_indirect_dma source(%dma_start3A_80 : memref<10000x64xf32, #tpu.memory_space<hbm>>) target(%arg9 : memref<80x64xf32, #tpu.memory_space<vmem>>) offsets(%dma_start3A_77 : memref<80xi32, #tpu.memory_space<vmem>>) semaphore(%arg16 : memref<!tpu.dma_semaphore, #tpu.memory_space<semaphore_mem>>)
    %dma_start3A_81 = arith.constant 2 : i32
    %dma_start3A_82 = arith.constant 0 : i32
    %dma_start3A_83 = tpu.memref_slice %arg6[%dma_start3A_81, %dma_start3A_82] : memref<125x80xi32, #tpu.memory_space<vmem>> -> memref<1x80xi32, #tpu.memory_space<vmem>>
    %dma_start3A_84 = tpu.memref_squeeze %dma_start3A_83 : memref<1x80xi32, #tpu.memory_space<vmem>> -> memref<80xi32, #tpu.memory_space<vmem>>
    %dma_start3A_85 = arith.constant 0 : i32
    %dma_start3A_86 = arith.constant 0 : i32
    %dma_start3A_87 = tpu.memref_slice %arg4[%dma_start3A_85, %dma_start3A_86] : memref<10000x64xf32, #tpu.memory_space<hbm>> -> memref<10000x64xf32, #tpu.memory_space<hbm>>
    tpu.enqueue_indirect_dma source(%dma_start3A_87 : memref<10000x64xf32, #tpu.memory_space<hbm>>) target(%arg10 : memref<80x64xf32, #tpu.memory_space<vmem>>) offsets(%dma_start3A_84 : memref<80xi32, #tpu.memory_space<vmem>>) semaphore(%arg17 : memref<!tpu.dma_semaphore, #tpu.memory_space<semaphore_mem>>)
    %dma_start3A_88 = arith.constant 3 : i32
    %dma_start3A_89 = arith.constant 0 : i32
    %dma_start3A_90 = tpu.memref_slice %arg6[%dma_start3A_88, %dma_start3A_89] : memref<125x80xi32, #tpu.memory_space<vmem>> -> memref<1x80xi32, #tpu.memory_space<vmem>>
    %dma_start3A_91 = tpu.memref_squeeze %dma_start3A_90 : memref<1x80xi32, #tpu.memory_space<vmem>> -> memref<80xi32, #tpu.memory_space<vmem>>
    %dma_start3A_92 = arith.constant 0 : i32
    %dma_start3A_93 = arith.constant 0 : i32
    %dma_start3A_94 = tpu.memref_slice %arg4[%dma_start3A_92, %dma_start3A_93] : memref<10000x64xf32, #tpu.memory_space<hbm>> -> memref<10000x64xf32, #tpu.memory_space<hbm>>
    tpu.enqueue_indirect_dma source(%dma_start3A_94 : memref<10000x64xf32, #tpu.memory_space<hbm>>) target(%arg11 : memref<80x64xf32, #tpu.memory_space<vmem>>) offsets(%dma_start3A_91 : memref<80xi32, #tpu.memory_space<vmem>>) semaphore(%arg18 : memref<!tpu.dma_semaphore, #tpu.memory_space<semaphore_mem>>)
    %barrier3A = arith.constant 0 : index
    tpu.barrier barrier_id(%barrier3A)
    %scan3A_95 = arith.constant 0 : i32
    %scan3A_96 = arith.constant 0 : i32
    %scan3A_97 = arith.constant 31 : i32
    %scan3A_98 = arith.addi %scan3A_96, %scan3A_97 : i32
    %scan3A_99 = arith.constant 1 : i32
    %scan3A_100 = scf.for %scan3A_132 = %scan3A_96 to %scan3A_98 step %scan3A_99 iter_args(%scan3A_133 = %scan3A_95) -> (i32)  : i32 {
      %mul3A_134 = arith.constant 4 : i32
      %mul3A_135 = arith.muli %scan3A_132, %mul3A_134 : i32
      %add3A_136 = arith.constant 0 : i32
      %add3A_137 = arith.addi %mul3A_135, %add3A_136 : i32
      %dma_wait3A_138 = arith.constant 0 : i32
      %dma_wait3A_139 = tpu.memref_slice %arg6[%add3A_137, %dma_wait3A_138] : memref<125x80xi32, #tpu.memory_space<vmem>> -> memref<1x80xi32, #tpu.memory_space<vmem>>
      %dma_wait3A_140 = tpu.memref_squeeze %dma_wait3A_139 : memref<1x80xi32, #tpu.memory_space<vmem>> -> memref<80xi32, #tpu.memory_space<vmem>>
      %dma_wait3A_141 = arith.constant 0 : i32
      %dma_wait3A_142 = arith.constant 0 : i32
      %dma_wait3A_143 = tpu.memref_slice %arg4[%dma_wait3A_141, %dma_wait3A_142] : memref<10000x64xf32, #tpu.memory_space<hbm>> -> memref<10000x64xf32, #tpu.memory_space<hbm>>
      tpu.wait_indirect_dma semaphore(%arg15 : memref<!tpu.dma_semaphore, #tpu.memory_space<semaphore_mem>>) src(%dma_wait3A_143 : memref<10000x64xf32, #tpu.memory_space<hbm>>) dst(%arg8 : memref<80x64xf32, #tpu.memory_space<vmem>>)
      %dma_start3A_144 = arith.constant 0 : i32
      %dma_start3A_145 = tpu.memref_slice %arg7[%add3A_137, %dma_start3A_144] : memref<125x80xi32, #tpu.memory_space<vmem>> -> memref<1x80xi32, #tpu.memory_space<vmem>>
      %dma_start3A_146 = tpu.memref_squeeze %dma_start3A_145 : memref<1x80xi32, #tpu.memory_space<vmem>> -> memref<80xi32, #tpu.memory_space<vmem>>
      %dma_start3A_147 = arith.constant 0 : i32
      %dma_start3A_148 = arith.constant 0 : i32
      %dma_start3A_149 = tpu.memref_slice %arg13[%dma_start3A_147, %dma_start3A_148] : memref<10240x64xf32, #tpu.memory_space<vmem_shared>> -> memref<10240x64xf32, #tpu.memory_space<vmem_shared>>
      tpu.enqueue_indirect_dma source(%arg8 : memref<80x64xf32, #tpu.memory_space<vmem>>) target(%dma_start3A_149 : memref<10240x64xf32, #tpu.memory_space<vmem_shared>>) offsets(%dma_start3A_146 : memref<80xi32, #tpu.memory_space<vmem>>) semaphore(%arg19 : memref<!tpu.dma_semaphore, #tpu.memory_space<semaphore_mem>>) {add = true}
      %dma_wait3A_150 = arith.constant 0 : i32
      %dma_wait3A_151 = tpu.memref_slice %arg7[%add3A_137, %dma_wait3A_150] : memref<125x80xi32, #tpu.memory_space<vmem>> -> memref<1x80xi32, #tpu.memory_space<vmem>>
      %dma_wait3A_152 = tpu.memref_squeeze %dma_wait3A_151 : memref<1x80xi32, #tpu.memory_space<vmem>> -> memref<80xi32, #tpu.memory_space<vmem>>
      %dma_wait3A_153 = arith.constant 0 : i32
      %dma_wait3A_154 = arith.constant 0 : i32
      %dma_wait3A_155 = tpu.memref_slice %arg13[%dma_wait3A_153, %dma_wait3A_154] : memref<10240x64xf32, #tpu.memory_space<vmem_shared>> -> memref<10240x64xf32, #tpu.memory_space<vmem_shared>>
      tpu.wait_indirect_dma semaphore(%arg19 : memref<!tpu.dma_semaphore, #tpu.memory_space<semaphore_mem>>) src(%arg8 : memref<80x64xf32, #tpu.memory_space<vmem>>) dst(%dma_wait3A_155 : memref<10240x64xf32, #tpu.memory_space<vmem_shared>>)
      %add3A_156 = arith.constant 4 : i32
      %add3A_157 = arith.addi %add3A_137, %add3A_156 : i32
      %lt3A = arith.constant 125 : i32
      %lt3A_158 = arith.cmpi slt, %add3A_157, %lt3A : i32
      %convert_element_type3A = arith.extui %lt3A_158 : i1 to i32
      %cond3A = arith.constant 0 : i32
      %cond3A_159 = arith.cmpi ne, %convert_element_type3A, %cond3A : i32
      scf.if %cond3A_159 {
        %add3A_248 = arith.constant 4 : i32
        %add3A_249 = arith.addi %add3A_137, %add3A_248 : i32
        %dma_start3A_250 = arith.constant 0 : i32
        %dma_start3A_251 = tpu.memref_slice %arg6[%add3A_249, %dma_start3A_250] : memref<125x80xi32, #tpu.memory_space<vmem>> -> memref<1x80xi32, #tpu.memory_space<vmem>>
        %dma_start3A_252 = tpu.memref_squeeze %dma_start3A_251 : memref<1x80xi32, #tpu.memory_space<vmem>> -> memref<80xi32, #tpu.memory_space<vmem>>
        %dma_start3A_253 = arith.constant 0 : i32
        %dma_start3A_254 = arith.constant 0 : i32
        %dma_start3A_255 = tpu.memref_slice %arg4[%dma_start3A_253, %dma_start3A_254] : memref<10000x64xf32, #tpu.memory_space<hbm>> -> memref<10000x64xf32, #tpu.memory_space<hbm>>
        tpu.enqueue_indirect_dma source(%dma_start3A_255 : memref<10000x64xf32, #tpu.memory_space<hbm>>) target(%arg8 : memref<80x64xf32, #tpu.memory_space<vmem>>) offsets(%dma_start3A_252 : memref<80xi32, #tpu.memory_space<vmem>>) semaphore(%arg15 : memref<!tpu.dma_semaphore, #tpu.memory_space<semaphore_mem>>)
      } else {
      }
      %mul3A_160 = arith.constant 4 : i32
      %mul3A_161 = arith.muli %scan3A_132, %mul3A_160 : i32
      %add3A_162 = arith.constant 1 : i32
      %add3A_163 = arith.addi %mul3A_161, %add3A_162 : i32
      %dma_wait3A_164 = arith.constant 0 : i32
      %dma_wait3A_165 = tpu.memref_slice %arg6[%add3A_163, %dma_wait3A_164] : memref<125x80xi32, #tpu.memory_space<vmem>> -> memref<1x80xi32, #tpu.memory_space<vmem>>
      %dma_wait3A_166 = tpu.memref_squeeze %dma_wait3A_165 : memref<1x80xi32, #tpu.memory_space<vmem>> -> memref<80xi32, #tpu.memory_space<vmem>>
      %dma_wait3A_167 = arith.constant 0 : i32
      %dma_wait3A_168 = arith.constant 0 : i32
      %dma_wait3A_169 = tpu.memref_slice %arg4[%dma_wait3A_167, %dma_wait3A_168] : memref<10000x64xf32, #tpu.memory_space<hbm>> -> memref<10000x64xf32, #tpu.memory_space<hbm>>
      tpu.wait_indirect_dma semaphore(%arg16 : memref<!tpu.dma_semaphore, #tpu.memory_space<semaphore_mem>>) src(%dma_wait3A_169 : memref<10000x64xf32, #tpu.memory_space<hbm>>) dst(%arg9 : memref<80x64xf32, #tpu.memory_space<vmem>>)
      %dma_start3A_170 = arith.constant 0 : i32
      %dma_start3A_171 = tpu.memref_slice %arg7[%add3A_163, %dma_start3A_170] : memref<125x80xi32, #tpu.memory_space<vmem>> -> memref<1x80xi32, #tpu.memory_space<vmem>>
      %dma_start3A_172 = tpu.memref_squeeze %dma_start3A_171 : memref<1x80xi32, #tpu.memory_space<vmem>> -> memref<80xi32, #tpu.memory_space<vmem>>
      %dma_start3A_173 = arith.constant 0 : i32
      %dma_start3A_174 = arith.constant 0 : i32
      %dma_start3A_175 = tpu.memref_slice %arg13[%dma_start3A_173, %dma_start3A_174] : memref<10240x64xf32, #tpu.memory_space<vmem_shared>> -> memref<10240x64xf32, #tpu.memory_space<vmem_shared>>
      tpu.enqueue_indirect_dma source(%arg9 : memref<80x64xf32, #tpu.memory_space<vmem>>) target(%dma_start3A_175 : memref<10240x64xf32, #tpu.memory_space<vmem_shared>>) offsets(%dma_start3A_172 : memref<80xi32, #tpu.memory_space<vmem>>) semaphore(%arg20 : memref<!tpu.dma_semaphore, #tpu.memory_space<semaphore_mem>>) {add = true}
      %dma_wait3A_176 = arith.constant 0 : i32
      %dma_wait3A_177 = tpu.memref_slice %arg7[%add3A_163, %dma_wait3A_176] : memref<125x80xi32, #tpu.memory_space<vmem>> -> memref<1x80xi32, #tpu.memory_space<vmem>>
      %dma_wait3A_178 = tpu.memref_squeeze %dma_wait3A_177 : memref<1x80xi32, #tpu.memory_space<vmem>> -> memref<80xi32, #tpu.memory_space<vmem>>
      %dma_wait3A_179 = arith.constant 0 : i32
      %dma_wait3A_180 = arith.constant 0 : i32
      %dma_wait3A_181 = tpu.memref_slice %arg13[%dma_wait3A_179, %dma_wait3A_180] : memref<10240x64xf32, #tpu.memory_space<vmem_shared>> -> memref<10240x64xf32, #tpu.memory_space<vmem_shared>>
      tpu.wait_indirect_dma semaphore(%arg20 : memref<!tpu.dma_semaphore, #tpu.memory_space<semaphore_mem>>) src(%arg9 : memref<80x64xf32, #tpu.memory_space<vmem>>) dst(%dma_wait3A_181 : memref<10240x64xf32, #tpu.memory_space<vmem_shared>>)
      %add3A_182 = arith.constant 4 : i32
      %add3A_183 = arith.addi %add3A_163, %add3A_182 : i32
      %lt3A_184 = arith.constant 125 : i32
      %lt3A_185 = arith.cmpi slt, %add3A_183, %lt3A_184 : i32
      %convert_element_type3A_186 = arith.extui %lt3A_185 : i1 to i32
      %cond3A_187 = arith.constant 0 : i32
      %cond3A_188 = arith.cmpi ne, %convert_element_type3A_186, %cond3A_187 : i32
      scf.if %cond3A_188 {
        %add3A_248 = arith.constant 4 : i32
        %add3A_249 = arith.addi %add3A_163, %add3A_248 : i32
        %dma_start3A_250 = arith.constant 0 : i32
        %dma_start3A_251 = tpu.memref_slice %arg6[%add3A_249, %dma_start3A_250] : memref<125x80xi32, #tpu.memory_space<vmem>> -> memref<1x80xi32, #tpu.memory_space<vmem>>
        %dma_start3A_252 = tpu.memref_squeeze %dma_start3A_251 : memref<1x80xi32, #tpu.memory_space<vmem>> -> memref<80xi32, #tpu.memory_space<vmem>>
        %dma_start3A_253 = arith.constant 0 : i32
        %dma_start3A_254 = arith.constant 0 : i32
        %dma_start3A_255 = tpu.memref_slice %arg4[%dma_start3A_253, %dma_start3A_254] : memref<10000x64xf32, #tpu.memory_space<hbm>> -> memref<10000x64xf32, #tpu.memory_space<hbm>>
        tpu.enqueue_indirect_dma source(%dma_start3A_255 : memref<10000x64xf32, #tpu.memory_space<hbm>>) target(%arg9 : memref<80x64xf32, #tpu.memory_space<vmem>>) offsets(%dma_start3A_252 : memref<80xi32, #tpu.memory_space<vmem>>) semaphore(%arg16 : memref<!tpu.dma_semaphore, #tpu.memory_space<semaphore_mem>>)
      } else {
      }
      %mul3A_189 = arith.constant 4 : i32
      %mul3A_190 = arith.muli %scan3A_132, %mul3A_189 : i32
      %add3A_191 = arith.constant 2 : i32
      %add3A_192 = arith.addi %mul3A_190, %add3A_191 : i32
      %dma_wait3A_193 = arith.constant 0 : i32
      %dma_wait3A_194 = tpu.memref_slice %arg6[%add3A_192, %dma_wait3A_193] : memref<125x80xi32, #tpu.memory_space<vmem>> -> memref<1x80xi32, #tpu.memory_space<vmem>>
      %dma_wait3A_195 = tpu.memref_squeeze %dma_wait3A_194 : memref<1x80xi32, #tpu.memory_space<vmem>> -> memref<80xi32, #tpu.memory_space<vmem>>
      %dma_wait3A_196 = arith.constant 0 : i32
      %dma_wait3A_197 = arith.constant 0 : i32
      %dma_wait3A_198 = tpu.memref_slice %arg4[%dma_wait3A_196, %dma_wait3A_197] : memref<10000x64xf32, #tpu.memory_space<hbm>> -> memref<10000x64xf32, #tpu.memory_space<hbm>>
      tpu.wait_indirect_dma semaphore(%arg17 : memref<!tpu.dma_semaphore, #tpu.memory_space<semaphore_mem>>) src(%dma_wait3A_198 : memref<10000x64xf32, #tpu.memory_space<hbm>>) dst(%arg10 : memref<80x64xf32, #tpu.memory_space<vmem>>)
      %dma_start3A_199 = arith.constant 0 : i32
      %dma_start3A_200 = tpu.memref_slice %arg7[%add3A_192, %dma_start3A_199] : memref<125x80xi32, #tpu.memory_space<vmem>> -> memref<1x80xi32, #tpu.memory_space<vmem>>
      %dma_start3A_201 = tpu.memref_squeeze %dma_start3A_200 : memref<1x80xi32, #tpu.memory_space<vmem>> -> memref<80xi32, #tpu.memory_space<vmem>>
      %dma_start3A_202 = arith.constant 0 : i32
      %dma_start3A_203 = arith.constant 0 : i32
      %dma_start3A_204 = tpu.memref_slice %arg13[%dma_start3A_202, %dma_start3A_203] : memref<10240x64xf32, #tpu.memory_space<vmem_shared>> -> memref<10240x64xf32, #tpu.memory_space<vmem_shared>>
      tpu.enqueue_indirect_dma source(%arg10 : memref<80x64xf32, #tpu.memory_space<vmem>>) target(%dma_start3A_204 : memref<10240x64xf32, #tpu.memory_space<vmem_shared>>) offsets(%dma_start3A_201 : memref<80xi32, #tpu.memory_space<vmem>>) semaphore(%arg21 : memref<!tpu.dma_semaphore, #tpu.memory_space<semaphore_mem>>) {add = true}
      %dma_wait3A_205 = arith.constant 0 : i32
      %dma_wait3A_206 = tpu.memref_slice %arg7[%add3A_192, %dma_wait3A_205] : memref<125x80xi32, #tpu.memory_space<vmem>> -> memref<1x80xi32, #tpu.memory_space<vmem>>
      %dma_wait3A_207 = tpu.memref_squeeze %dma_wait3A_206 : memref<1x80xi32, #tpu.memory_space<vmem>> -> memref<80xi32, #tpu.memory_space<vmem>>
      %dma_wait3A_208 = arith.constant 0 : i32
      %dma_wait3A_209 = arith.constant 0 : i32
      %dma_wait3A_210 = tpu.memref_slice %arg13[%dma_wait3A_208, %dma_wait3A_209] : memref<10240x64xf32, #tpu.memory_space<vmem_shared>> -> memref<10240x64xf32, #tpu.memory_space<vmem_shared>>
      tpu.wait_indirect_dma semaphore(%arg21 : memref<!tpu.dma_semaphore, #tpu.memory_space<semaphore_mem>>) src(%arg10 : memref<80x64xf32, #tpu.memory_space<vmem>>) dst(%dma_wait3A_210 : memref<10240x64xf32, #tpu.memory_space<vmem_shared>>)
      %add3A_211 = arith.constant 4 : i32
      %add3A_212 = arith.addi %add3A_192, %add3A_211 : i32
      %lt3A_213 = arith.constant 125 : i32
      %lt3A_214 = arith.cmpi slt, %add3A_212, %lt3A_213 : i32
      %convert_element_type3A_215 = arith.extui %lt3A_214 : i1 to i32
      %cond3A_216 = arith.constant 0 : i32
      %cond3A_217 = arith.cmpi ne, %convert_element_type3A_215, %cond3A_216 : i32
      scf.if %cond3A_217 {
        %add3A_248 = arith.constant 4 : i32
        %add3A_249 = arith.addi %add3A_192, %add3A_248 : i32
        %dma_start3A_250 = arith.constant 0 : i32
        %dma_start3A_251 = tpu.memref_slice %arg6[%add3A_249, %dma_start3A_250] : memref<125x80xi32, #tpu.memory_space<vmem>> -> memref<1x80xi32, #tpu.memory_space<vmem>>
        %dma_start3A_252 = tpu.memref_squeeze %dma_start3A_251 : memref<1x80xi32, #tpu.memory_space<vmem>> -> memref<80xi32, #tpu.memory_space<vmem>>
        %dma_start3A_253 = arith.constant 0 : i32
        %dma_start3A_254 = arith.constant 0 : i32
        %dma_start3A_255 = tpu.memref_slice %arg4[%dma_start3A_253, %dma_start3A_254] : memref<10000x64xf32, #tpu.memory_space<hbm>> -> memref<10000x64xf32, #tpu.memory_space<hbm>>
        tpu.enqueue_indirect_dma source(%dma_start3A_255 : memref<10000x64xf32, #tpu.memory_space<hbm>>) target(%arg10 : memref<80x64xf32, #tpu.memory_space<vmem>>) offsets(%dma_start3A_252 : memref<80xi32, #tpu.memory_space<vmem>>) semaphore(%arg17 : memref<!tpu.dma_semaphore, #tpu.memory_space<semaphore_mem>>)
      } else {
      }
      %mul3A_218 = arith.constant 4 : i32
      %mul3A_219 = arith.muli %scan3A_132, %mul3A_218 : i32
      %add3A_220 = arith.constant 3 : i32
      %add3A_221 = arith.addi %mul3A_219, %add3A_220 : i32
      %dma_wait3A_222 = arith.constant 0 : i32
      %dma_wait3A_223 = tpu.memref_slice %arg6[%add3A_221, %dma_wait3A_222] : memref<125x80xi32, #tpu.memory_space<vmem>> -> memref<1x80xi32, #tpu.memory_space<vmem>>
      %dma_wait3A_224 = tpu.memref_squeeze %dma_wait3A_223 : memref<1x80xi32, #tpu.memory_space<vmem>> -> memref<80xi32, #tpu.memory_space<vmem>>
      %dma_wait3A_225 = arith.constant 0 : i32
      %dma_wait3A_226 = arith.constant 0 : i32
      %dma_wait3A_227 = tpu.memref_slice %arg4[%dma_wait3A_225, %dma_wait3A_226] : memref<10000x64xf32, #tpu.memory_space<hbm>> -> memref<10000x64xf32, #tpu.memory_space<hbm>>
      tpu.wait_indirect_dma semaphore(%arg18 : memref<!tpu.dma_semaphore, #tpu.memory_space<semaphore_mem>>) src(%dma_wait3A_227 : memref<10000x64xf32, #tpu.memory_space<hbm>>) dst(%arg11 : memref<80x64xf32, #tpu.memory_space<vmem>>)
      %dma_start3A_228 = arith.constant 0 : i32
      %dma_start3A_229 = tpu.memref_slice %arg7[%add3A_221, %dma_start3A_228] : memref<125x80xi32, #tpu.memory_space<vmem>> -> memref<1x80xi32, #tpu.memory_space<vmem>>
      %dma_start3A_230 = tpu.memref_squeeze %dma_start3A_229 : memref<1x80xi32, #tpu.memory_space<vmem>> -> memref<80xi32, #tpu.memory_space<vmem>>
      %dma_start3A_231 = arith.constant 0 : i32
      %dma_start3A_232 = arith.constant 0 : i32
      %dma_start3A_233 = tpu.memref_slice %arg13[%dma_start3A_231, %dma_start3A_232] : memref<10240x64xf32, #tpu.memory_space<vmem_shared>> -> memref<10240x64xf32, #tpu.memory_space<vmem_shared>>
      tpu.enqueue_indirect_dma source(%arg11 : memref<80x64xf32, #tpu.memory_space<vmem>>) target(%dma_start3A_233 : memref<10240x64xf32, #tpu.memory_space<vmem_shared>>) offsets(%dma_start3A_230 : memref<80xi32, #tpu.memory_space<vmem>>) semaphore(%arg22 : memref<!tpu.dma_semaphore, #tpu.memory_space<semaphore_mem>>) {add = true}
      %dma_wait3A_234 = arith.constant 0 : i32
      %dma_wait3A_235 = tpu.memref_slice %arg7[%add3A_221, %dma_wait3A_234] : memref<125x80xi32, #tpu.memory_space<vmem>> -> memref<1x80xi32, #tpu.memory_space<vmem>>
      %dma_wait3A_236 = tpu.memref_squeeze %dma_wait3A_235 : memref<1x80xi32, #tpu.memory_space<vmem>> -> memref<80xi32, #tpu.memory_space<vmem>>
      %dma_wait3A_237 = arith.constant 0 : i32
      %dma_wait3A_238 = arith.constant 0 : i32
      %dma_wait3A_239 = tpu.memref_slice %arg13[%dma_wait3A_237, %dma_wait3A_238] : memref<10240x64xf32, #tpu.memory_space<vmem_shared>> -> memref<10240x64xf32, #tpu.memory_space<vmem_shared>>
      tpu.wait_indirect_dma semaphore(%arg22 : memref<!tpu.dma_semaphore, #tpu.memory_space<semaphore_mem>>) src(%arg11 : memref<80x64xf32, #tpu.memory_space<vmem>>) dst(%dma_wait3A_239 : memref<10240x64xf32, #tpu.memory_space<vmem_shared>>)
      %add3A_240 = arith.constant 4 : i32
      %add3A_241 = arith.addi %add3A_221, %add3A_240 : i32
      %lt3A_242 = arith.constant 125 : i32
      %lt3A_243 = arith.cmpi slt, %add3A_241, %lt3A_242 : i32
      %convert_element_type3A_244 = arith.extui %lt3A_243 : i1 to i32
      %cond3A_245 = arith.constant 0 : i32
      %cond3A_246 = arith.cmpi ne, %convert_element_type3A_244, %cond3A_245 : i32
      scf.if %cond3A_246 {
        %add3A_248 = arith.constant 4 : i32
        %add3A_249 = arith.addi %add3A_221, %add3A_248 : i32
        %dma_start3A_250 = arith.constant 0 : i32
        %dma_start3A_251 = tpu.memref_slice %arg6[%add3A_249, %dma_start3A_250] : memref<125x80xi32, #tpu.memory_space<vmem>> -> memref<1x80xi32, #tpu.memory_space<vmem>>
        %dma_start3A_252 = tpu.memref_squeeze %dma_start3A_251 : memref<1x80xi32, #tpu.memory_space<vmem>> -> memref<80xi32, #tpu.memory_space<vmem>>
        %dma_start3A_253 = arith.constant 0 : i32
        %dma_start3A_254 = arith.constant 0 : i32
        %dma_start3A_255 = tpu.memref_slice %arg4[%dma_start3A_253, %dma_start3A_254] : memref<10000x64xf32, #tpu.memory_space<hbm>> -> memref<10000x64xf32, #tpu.memory_space<hbm>>
        tpu.enqueue_indirect_dma source(%dma_start3A_255 : memref<10000x64xf32, #tpu.memory_space<hbm>>) target(%arg11 : memref<80x64xf32, #tpu.memory_space<vmem>>) offsets(%dma_start3A_252 : memref<80xi32, #tpu.memory_space<vmem>>) semaphore(%arg18 : memref<!tpu.dma_semaphore, #tpu.memory_space<semaphore_mem>>)
      } else {
      }
      %scan3A_247 = arith.constant 0 : i32
      scf.yield %scan3A_247 : i32
    }
    %scan3A_101 = arith.constant 31 : i32
    %dma_wait3A_102 = arith.constant 124 : i32
    %dma_wait3A_103 = arith.constant 0 : i32
    %dma_wait3A_104 = tpu.memref_slice %arg6[%dma_wait3A_102, %dma_wait3A_103] : memref<125x80xi32, #tpu.memory_space<vmem>> -> memref<1x80xi32, #tpu.memory_space<vmem>>
    %dma_wait3A_105 = tpu.memref_squeeze %dma_wait3A_104 : memref<1x80xi32, #tpu.memory_space<vmem>> -> memref<80xi32, #tpu.memory_space<vmem>>
    %dma_wait3A_106 = arith.constant 0 : i32
    %dma_wait3A_107 = arith.constant 0 : i32
    %dma_wait3A_108 = tpu.memref_slice %arg4[%dma_wait3A_106, %dma_wait3A_107] : memref<10000x64xf32, #tpu.memory_space<hbm>> -> memref<10000x64xf32, #tpu.memory_space<hbm>>
    tpu.wait_indirect_dma semaphore(%arg15 : memref<!tpu.dma_semaphore, #tpu.memory_space<semaphore_mem>>) src(%dma_wait3A_108 : memref<10000x64xf32, #tpu.memory_space<hbm>>) dst(%arg8 : memref<80x64xf32, #tpu.memory_space<vmem>>)
    %dma_start3A_109 = arith.constant 124 : i32
    %dma_start3A_110 = arith.constant 0 : i32
    %dma_start3A_111 = tpu.memref_slice %arg7[%dma_start3A_109, %dma_start3A_110] : memref<125x80xi32, #tpu.memory_space<vmem>> -> memref<1x80xi32, #tpu.memory_space<vmem>>
    %dma_start3A_112 = tpu.memref_squeeze %dma_start3A_111 : memref<1x80xi32, #tpu.memory_space<vmem>> -> memref<80xi32, #tpu.memory_space<vmem>>
    %dma_start3A_113 = arith.constant 0 : i32
    %dma_start3A_114 = arith.constant 0 : i32
    %dma_start3A_115 = tpu.memref_slice %arg13[%dma_start3A_113, %dma_start3A_114] : memref<10240x64xf32, #tpu.memory_space<vmem_shared>> -> memref<10240x64xf32, #tpu.memory_space<vmem_shared>>
    tpu.enqueue_indirect_dma source(%arg8 : memref<80x64xf32, #tpu.memory_space<vmem>>) target(%dma_start3A_115 : memref<10240x64xf32, #tpu.memory_space<vmem_shared>>) offsets(%dma_start3A_112 : memref<80xi32, #tpu.memory_space<vmem>>) semaphore(%arg19 : memref<!tpu.dma_semaphore, #tpu.memory_space<semaphore_mem>>) {add = true}
    %dma_wait3A_116 = arith.constant 124 : i32
    %dma_wait3A_117 = arith.constant 0 : i32
    %dma_wait3A_118 = tpu.memref_slice %arg7[%dma_wait3A_116, %dma_wait3A_117] : memref<125x80xi32, #tpu.memory_space<vmem>> -> memref<1x80xi32, #tpu.memory_space<vmem>>
    %dma_wait3A_119 = tpu.memref_squeeze %dma_wait3A_118 : memref<1x80xi32, #tpu.memory_space<vmem>> -> memref<80xi32, #tpu.memory_space<vmem>>
    %dma_wait3A_120 = arith.constant 0 : i32
    %dma_wait3A_121 = arith.constant 0 : i32
    %dma_wait3A_122 = tpu.memref_slice %arg13[%dma_wait3A_120, %dma_wait3A_121] : memref<10240x64xf32, #tpu.memory_space<vmem_shared>> -> memref<10240x64xf32, #tpu.memory_space<vmem_shared>>
    tpu.wait_indirect_dma semaphore(%arg19 : memref<!tpu.dma_semaphore, #tpu.memory_space<semaphore_mem>>) src(%arg8 : memref<80x64xf32, #tpu.memory_space<vmem>>) dst(%dma_wait3A_122 : memref<10240x64xf32, #tpu.memory_space<vmem_shared>>)
    %barrier3A_123 = arith.constant 0 : index
    tpu.barrier barrier_id(%barrier3A_123)
    %mul3A_124 = arith.constant 640 : i32
    %mul3A_125 = arith.muli %arg1, %mul3A_124 : i32
    %multiple_of3A = tpu.assume_multiple %mul3A_125, 8 : i32
    %mul3A_126 = arith.constant 10240 : i32
    %mul3A_127 = arith.muli %arg0, %mul3A_126 : i32
    %mul3A_128 = arith.constant 640 : i32
    %mul3A_129 = arith.muli %arg1, %mul3A_128 : i32
    %add3A_130 = arith.addi %mul3A_127, %mul3A_129 : i32
    %multiple_of3A_131 = tpu.assume_multiple %add3A_130, 8 : i32
    "tpu.region"() ({
      %run_scoped3A = tpu.sem_alloc : memref<!tpu.dma_semaphore, #tpu.memory_space<semaphore_mem>>
      %dma_start3A_132 = arith.constant 0 : i32
      %dma_start3A_133 = tpu.memref_slice %arg5[%multiple_of3A_131, %dma_start3A_132] : memref<20480x64xf32, #tpu.memory_space<hbm>> -> memref<640x64xf32, #tpu.memory_space<hbm>>
      %dma_start3A_134 = arith.constant 0 : i32
      %dma_start3A_135 = tpu.memref_slice %arg13[%multiple_of3A, %dma_start3A_134] : memref<10240x64xf32, #tpu.memory_space<vmem_shared>> -> memref<640x64xf32, #tpu.memory_space<vmem_shared>>
      tpu.enqueue_dma source(%dma_start3A_135 : memref<640x64xf32, #tpu.memory_space<vmem_shared>>) target(%dma_start3A_133 : memref<640x64xf32, #tpu.memory_space<hbm>>) target_semaphore(%run_scoped3A : memref<!tpu.dma_semaphore, #tpu.memory_space<semaphore_mem>>)
      %dma_wait3A_136 = arith.constant 0 : i32
      %dma_wait3A_137 = tpu.memref_slice %arg5[%multiple_of3A_131, %dma_wait3A_136] : memref<20480x64xf32, #tpu.memory_space<hbm>> -> memref<640x64xf32, #tpu.memory_space<hbm>>
      %dma_wait3A_138 = arith.constant 0 : i32
      %dma_wait3A_139 = tpu.memref_slice %arg13[%multiple_of3A, %dma_wait3A_138] : memref<10240x64xf32, #tpu.memory_space<vmem_shared>> -> memref<640x64xf32, #tpu.memory_space<vmem_shared>>
      tpu.wait_dma2 semaphore(%run_scoped3A : memref<!tpu.dma_semaphore, #tpu.memory_space<semaphore_mem>>) src(%dma_wait3A_139 : memref<640x64xf32, #tpu.memory_space<vmem_shared>>) dst(%dma_wait3A_137 : memref<640x64xf32, #tpu.memory_space<hbm>>)
      tpu.yield
    }) : () -> ()
    return
  }
}

#map = affine_map<(d0, d1) -> (0, 0)>
module attributes {stable_mosaic.version = 14 : i64} {
  func.func @gcn_prop_64(%arg0: i32, %arg1: i32, %arg2: memref<4000x80xi32, #tpu.memory_space<hbm>>, %arg3: memref<4000x80xi32, #tpu.memory_space<hbm>>, %arg4: memref<10000x64xf32, #tpu.memory_space<hbm>>, %arg5: memref<20480x64xf32, #tpu.memory_space<hbm>>, %arg6: memref<125x80xi32, #tpu.memory_space<vmem>>, %arg7: memref<125x80xi32, #tpu.memory_space<vmem>>, %arg8: memref<80x64xf32, #tpu.memory_space<vmem>>, %arg9: memref<80x64xf32, #tpu.memory_space<vmem>>, %arg10: memref<80x64xf32, #tpu.memory_space<vmem>>, %arg11: memref<80x64xf32, #tpu.memory_space<vmem>>, %arg12: memref<32x64xf32, #tpu.memory_space<vmem>>, %arg13: memref<10240x64xf32, #tpu.memory_space<vmem_shared>>, %arg14: memref<!tpu.dma_semaphore, #tpu.memory_space<semaphore_mem>>, %arg15: memref<!tpu.dma_semaphore, #tpu.memory_space<semaphore_mem>>, %arg16: memref<!tpu.dma_semaphore, #tpu.memory_space<semaphore_mem>>, %arg17: memref<!tpu.dma_semaphore, #tpu.memory_space<semaphore_mem>>, %arg18: memref<!tpu.dma_semaphore, #tpu.memory_space<semaphore_mem>>, %arg19: memref<!tpu.dma_semaphore, #tpu.memory_space<semaphore_mem>>, %arg20: memref<!tpu.dma_semaphore, #tpu.memory_space<semaphore_mem>>, %arg21: memref<!tpu.dma_semaphore, #tpu.memory_space<semaphore_mem>>, %arg22: memref<!tpu.dma_semaphore, #tpu.memory_space<semaphore_mem>>) attributes {dimension_semantics = [#tpu.dimension_semantics<core_parallel>, #tpu.dimension_semantics<subcore_parallel>], iteration_bounds = array<i64: 2, 16>, scalar_prefetch = 0 : i64, scratch_operands = 17 : i64, tpu.core_type = #tpu.core_type<sc_vector_subcore>, window_params = [{transform_indices = #map}, {transform_indices = #map}, {transform_indices = #map}, {transform_indices = #map}]} {
    %mul3A = arith.constant 2 : i32
    %mul3A_0 = arith.muli %arg1, %mul3A : i32
    %add3A = arith.addi %mul3A_0, %arg0 : i32
    %mul3A_1 = arith.constant 125 : i32
    %mul3A_2 = arith.muli %add3A, %mul3A_1 : i32
    %add3A_3 = arith.constant 0 : i32
    %add3A_4 = arith.addi %mul3A_2, %add3A_3 : i32
    %dma_start3A = arith.constant 0 : i32
    %dma_start3A_5 = arith.constant 0 : i32
    %dma_start3A_6 = tpu.memref_slice %arg6[%dma_start3A, %dma_start3A_5] : memref<125x80xi32, #tpu.memory_space<vmem>> -> memref<125x80xi32, #tpu.memory_space<vmem>>
    %dma_start3A_7 = arith.constant 0 : i32
    %dma_start3A_8 = tpu.memref_slice %arg2[%add3A_4, %dma_start3A_7] : memref<4000x80xi32, #tpu.memory_space<hbm>> -> memref<125x80xi32, #tpu.memory_space<hbm>>
    %dma_start3A_9 = arith.constant 0 : i32
    %dma_start3A_10 = arith.constant 0 : i32
    %dma_start3A_11 = tpu.memref_slice %arg6[%dma_start3A_9, %dma_start3A_10] : memref<125x80xi32, #tpu.memory_space<vmem>> -> memref<125x80xi32, #tpu.memory_space<vmem>>
    %dma_start3A_12 = arith.constant 0 : i32
    %dma_start3A_13 = tpu.memref_slice %arg2[%add3A_4, %dma_start3A_12] : memref<4000x80xi32, #tpu.memory_space<hbm>> -> memref<125x80xi32, #tpu.memory_space<hbm>>
    tpu.enqueue_dma source(%dma_start3A_13 : memref<125x80xi32, #tpu.memory_space<hbm>>) target(%dma_start3A_11 : memref<125x80xi32, #tpu.memory_space<vmem>>) target_semaphore(%arg14 : memref<!tpu.dma_semaphore, #tpu.memory_space<semaphore_mem>>)
    %dma_start3A_14 = arith.constant 0 : i32
    %dma_start3A_15 = arith.constant 0 : i32
    %dma_start3A_16 = tpu.memref_slice %arg7[%dma_start3A_14, %dma_start3A_15] : memref<125x80xi32, #tpu.memory_space<vmem>> -> memref<125x80xi32, #tpu.memory_space<vmem>>
    %dma_start3A_17 = arith.constant 0 : i32
    %dma_start3A_18 = tpu.memref_slice %arg3[%add3A_4, %dma_start3A_17] : memref<4000x80xi32, #tpu.memory_space<hbm>> -> memref<125x80xi32, #tpu.memory_space<hbm>>
    %dma_start3A_19 = arith.constant 0 : i32
    %dma_start3A_20 = arith.constant 0 : i32
    %dma_start3A_21 = tpu.memref_slice %arg7[%dma_start3A_19, %dma_start3A_20] : memref<125x80xi32, #tpu.memory_space<vmem>> -> memref<125x80xi32, #tpu.memory_space<vmem>>
    %dma_start3A_22 = arith.constant 0 : i32
    %dma_start3A_23 = tpu.memref_slice %arg3[%add3A_4, %dma_start3A_22] : memref<4000x80xi32, #tpu.memory_space<hbm>> -> memref<125x80xi32, #tpu.memory_space<hbm>>
    tpu.enqueue_dma source(%dma_start3A_23 : memref<125x80xi32, #tpu.memory_space<hbm>>) target(%dma_start3A_21 : memref<125x80xi32, #tpu.memory_space<vmem>>) target_semaphore(%arg14 : memref<!tpu.dma_semaphore, #tpu.memory_space<semaphore_mem>>)
    %scan3A = arith.constant 0 : i32
    %scan3A_24 = arith.constant 0 : i32
    %scan3A_25 = arith.constant 32 : i32
    %scan3A_26 = arith.addi %scan3A_24, %scan3A_25 : i32
    %scan3A_27 = arith.constant 1 : i32
    %scan3A_28 = scf.for %scan3A_132 = %scan3A_24 to %scan3A_26 step %scan3A_27 iter_args(%scan3A_133 = %scan3A) -> (i32)  : i32 {
      %broadcast_in_dim3A = arith.constant 0.000000e+00 : f32
      %broadcast_in_dim3A_134 = vector.broadcast %broadcast_in_dim3A : f32 to vector<16xf32>
      %swap3A = arith.index_cast %scan3A_132 : i32 to index
      %swap3A_135 = arith.constant 0 : index
      %swap3A_136 = tpu.vector_load %arg12[%swap3A, %swap3A_135] {strides = array<i32>} : memref<32x64xf32, #tpu.memory_space<vmem>>, vector<1x16xf32>,
      %swap3A_137 = vector.shape_cast %swap3A_136 : vector<1x16xf32> to vector<16xf32>
      %swap3A_138 = vector.shape_cast %broadcast_in_dim3A_134 : vector<16xf32> to vector<1x16xf32>
      tpu.vector_store %arg12[%swap3A, %swap3A_135], %swap3A_138 {strides = array<i32>} : memref<32x64xf32, #tpu.memory_space<vmem>>, vector<1x16xf32>,
      %broadcast_in_dim3A_139 = arith.constant 0.000000e+00 : f32
      %broadcast_in_dim3A_140 = vector.broadcast %broadcast_in_dim3A_139 : f32 to vector<16xf32>
      %swap3A_141 = arith.index_cast %scan3A_132 : i32 to index
      %swap3A_142 = arith.constant 16 : index
      %swap3A_143 = tpu.vector_load %arg12[%swap3A_141, %swap3A_142] {strides = array<i32>} : memref<32x64xf32, #tpu.memory_space<vmem>>, vector<1x16xf32>,
      %swap3A_144 = vector.shape_cast %swap3A_143 : vector<1x16xf32> to vector<16xf32>
      %swap3A_145 = vector.shape_cast %broadcast_in_dim3A_140 : vector<16xf32> to vector<1x16xf32>
      tpu.vector_store %arg12[%swap3A_141, %swap3A_142], %swap3A_145 {strides = array<i32>} : memref<32x64xf32, #tpu.memory_space<vmem>>, vector<1x16xf32>,
      %broadcast_in_dim3A_146 = arith.constant 0.000000e+00 : f32
      %broadcast_in_dim3A_147 = vector.broadcast %broadcast_in_dim3A_146 : f32 to vector<16xf32>
      %swap3A_148 = arith.index_cast %scan3A_132 : i32 to index
      %swap3A_149 = arith.constant 32 : index
      %swap3A_150 = tpu.vector_load %arg12[%swap3A_148, %swap3A_149] {strides = array<i32>} : memref<32x64xf32, #tpu.memory_space<vmem>>, vector<1x16xf32>,
      %swap3A_151 = vector.shape_cast %swap3A_150 : vector<1x16xf32> to vector<16xf32>
      %swap3A_152 = vector.shape_cast %broadcast_in_dim3A_147 : vector<16xf32> to vector<1x16xf32>
      tpu.vector_store %arg12[%swap3A_148, %swap3A_149], %swap3A_152 {strides = array<i32>} : memref<32x64xf32, #tpu.memory_space<vmem>>, vector<1x16xf32>,
      %broadcast_in_dim3A_153 = arith.constant 0.000000e+00 : f32
      %broadcast_in_dim3A_154 = vector.broadcast %broadcast_in_dim3A_153 : f32 to vector<16xf32>
      %swap3A_155 = arith.index_cast %scan3A_132 : i32 to index
      %swap3A_156 = arith.constant 48 : index
      %swap3A_157 = tpu.vector_load %arg12[%swap3A_155, %swap3A_156] {strides = array<i32>} : memref<32x64xf32, #tpu.memory_space<vmem>>, vector<1x16xf32>,
      %swap3A_158 = vector.shape_cast %swap3A_157 : vector<1x16xf32> to vector<16xf32>
      %swap3A_159 = vector.shape_cast %broadcast_in_dim3A_154 : vector<16xf32> to vector<1x16xf32>
      tpu.vector_store %arg12[%swap3A_155, %swap3A_156], %swap3A_159 {strides = array<i32>} : memref<32x64xf32, #tpu.memory_space<vmem>>, vector<1x16xf32>,
      %scan3A_160 = arith.constant 0 : i32
      scf.yield %scan3A_160 : i32
    }
    %scan3A_29 = arith.constant 32 : i32
    %scan3A_30 = arith.constant 0 : i32
    %scan3A_31 = arith.constant 0 : i32
    %scan3A_32 = arith.constant 20 : i32
    %scan3A_33 = arith.addi %scan3A_31, %scan3A_32 : i32
    %scan3A_34 = arith.constant 1 : i32
    %scan3A_35 = scf.for %scan3A_132 = %scan3A_31 to %scan3A_33 step %scan3A_34 iter_args(%scan3A_133 = %scan3A_30) -> (i32)  : i32 {
      %mul3A_134 = arith.constant 640 : i32
      %mul3A_135 = arith.muli %arg1, %mul3A_134 : i32
      %mul3A_136 = arith.constant 32 : i32
      %mul3A_137 = arith.muli %scan3A_132, %mul3A_136 : i32
      %add3A_138 = arith.addi %mul3A_135, %mul3A_137 : i32
      %multiple_of3A_139 = tpu.assume_multiple %add3A_138, 8 : i32
      %dma_start3A_140 = arith.constant 0 : i32
      %dma_start3A_141 = tpu.memref_slice %arg13[%multiple_of3A_139, %dma_start3A_140] : memref<10240x64xf32, #tpu.memory_space<vmem_shared>> -> memref<32x64xf32, #tpu.memory_space<vmem_shared>>
      %dma_start3A_142 = arith.constant 0 : i32
      %dma_start3A_143 = tpu.memref_slice %arg13[%multiple_of3A_139, %dma_start3A_142] : memref<10240x64xf32, #tpu.memory_space<vmem_shared>> -> memref<32x64xf32, #tpu.memory_space<vmem_shared>>
      tpu.enqueue_dma source(%arg12 : memref<32x64xf32, #tpu.memory_space<vmem>>) target(%dma_start3A_143 : memref<32x64xf32, #tpu.memory_space<vmem_shared>>) target_semaphore(%arg19 : memref<!tpu.dma_semaphore, #tpu.memory_space<semaphore_mem>>)
      %scan3A_144 = arith.constant 0 : i32
      scf.yield %scan3A_144 : i32
    }
    %scan3A_36 = arith.constant 20 : i32
    %scan3A_37 = arith.constant 0 : i32
    %scan3A_38 = arith.constant 0 : i32
    %scan3A_39 = arith.constant 20 : i32
    %scan3A_40 = arith.addi %scan3A_38, %scan3A_39 : i32
    %scan3A_41 = arith.constant 1 : i32
    %scan3A_42 = scf.for %scan3A_132 = %scan3A_38 to %scan3A_40 step %scan3A_41 iter_args(%scan3A_133 = %scan3A_37) -> (i32)  : i32 {
      %mul3A_134 = arith.constant 640 : i32
      %mul3A_135 = arith.muli %arg1, %mul3A_134 : i32
      %mul3A_136 = arith.constant 32 : i32
      %mul3A_137 = arith.muli %scan3A_132, %mul3A_136 : i32
      %add3A_138 = arith.addi %mul3A_135, %mul3A_137 : i32
      %multiple_of3A_139 = tpu.assume_multiple %add3A_138, 8 : i32
      %dma_wait3A_140 = arith.constant 0 : i32
      %dma_wait3A_141 = tpu.memref_slice %arg13[%multiple_of3A_139, %dma_wait3A_140] : memref<10240x64xf32, #tpu.memory_space<vmem_shared>> -> memref<32x64xf32, #tpu.memory_space<vmem_shared>>
      %dma_wait3A_142 = arith.constant 0 : i32
      %dma_wait3A_143 = tpu.memref_slice %arg13[%multiple_of3A_139, %dma_wait3A_142] : memref<10240x64xf32, #tpu.memory_space<vmem_shared>> -> memref<32x64xf32, #tpu.memory_space<vmem_shared>>
      tpu.wait_dma2 semaphore(%arg19 : memref<!tpu.dma_semaphore, #tpu.memory_space<semaphore_mem>>) src(%arg12 : memref<32x64xf32, #tpu.memory_space<vmem>>) dst(%dma_wait3A_143 : memref<32x64xf32, #tpu.memory_space<vmem_shared>>)
      %scan3A_144 = arith.constant 0 : i32
      scf.yield %scan3A_144 : i32
    }
    %scan3A_43 = arith.constant 20 : i32
    %dma_wait3A = arith.constant 0 : i32
    %dma_wait3A_44 = arith.constant 0 : i32
    %dma_wait3A_45 = tpu.memref_slice %arg6[%dma_wait3A, %dma_wait3A_44] : memref<125x80xi32, #tpu.memory_space<vmem>> -> memref<125x80xi32, #tpu.memory_space<vmem>>
    %dma_wait3A_46 = arith.constant 0 : i32
    %dma_wait3A_47 = arith.constant 0 : i32
    %dma_wait3A_48 = tpu.memref_slice %arg2[%dma_wait3A_46, %dma_wait3A_47] : memref<4000x80xi32, #tpu.memory_space<hbm>> -> memref<125x80xi32, #tpu.memory_space<hbm>>
    %dma_wait3A_49 = arith.constant 0 : i32
    %dma_wait3A_50 = arith.constant 0 : i32
    %dma_wait3A_51 = tpu.memref_slice %arg6[%dma_wait3A_49, %dma_wait3A_50] : memref<125x80xi32, #tpu.memory_space<vmem>> -> memref<125x80xi32, #tpu.memory_space<vmem>>
    %dma_wait3A_52 = arith.constant 0 : i32
    %dma_wait3A_53 = arith.constant 0 : i32
    %dma_wait3A_54 = tpu.memref_slice %arg2[%dma_wait3A_52, %dma_wait3A_53] : memref<4000x80xi32, #tpu.memory_space<hbm>> -> memref<125x80xi32, #tpu.memory_space<hbm>>
    tpu.wait_dma2 semaphore(%arg14 : memref<!tpu.dma_semaphore, #tpu.memory_space<semaphore_mem>>) src(%dma_wait3A_54 : memref<125x80xi32, #tpu.memory_space<hbm>>) dst(%dma_wait3A_51 : memref<125x80xi32, #tpu.memory_space<vmem>>)
    %dma_wait3A_55 = arith.constant 0 : i32
    %dma_wait3A_56 = arith.constant 0 : i32
    %dma_wait3A_57 = tpu.memref_slice %arg7[%dma_wait3A_55, %dma_wait3A_56] : memref<125x80xi32, #tpu.memory_space<vmem>> -> memref<125x80xi32, #tpu.memory_space<vmem>>
    %dma_wait3A_58 = arith.constant 0 : i32
    %dma_wait3A_59 = arith.constant 0 : i32
    %dma_wait3A_60 = tpu.memref_slice %arg3[%dma_wait3A_58, %dma_wait3A_59] : memref<4000x80xi32, #tpu.memory_space<hbm>> -> memref<125x80xi32, #tpu.memory_space<hbm>>
    %dma_wait3A_61 = arith.constant 0 : i32
    %dma_wait3A_62 = arith.constant 0 : i32
    %dma_wait3A_63 = tpu.memref_slice %arg7[%dma_wait3A_61, %dma_wait3A_62] : memref<125x80xi32, #tpu.memory_space<vmem>> -> memref<125x80xi32, #tpu.memory_space<vmem>>
    %dma_wait3A_64 = arith.constant 0 : i32
    %dma_wait3A_65 = arith.constant 0 : i32
    %dma_wait3A_66 = tpu.memref_slice %arg3[%dma_wait3A_64, %dma_wait3A_65] : memref<4000x80xi32, #tpu.memory_space<hbm>> -> memref<125x80xi32, #tpu.memory_space<hbm>>
    tpu.wait_dma2 semaphore(%arg14 : memref<!tpu.dma_semaphore, #tpu.memory_space<semaphore_mem>>) src(%dma_wait3A_66 : memref<125x80xi32, #tpu.memory_space<hbm>>) dst(%dma_wait3A_63 : memref<125x80xi32, #tpu.memory_space<vmem>>)
    %dma_start3A_67 = arith.constant 0 : i32
    %dma_start3A_68 = arith.constant 0 : i32
    %dma_start3A_69 = tpu.memref_slice %arg6[%dma_start3A_67, %dma_start3A_68] : memref<125x80xi32, #tpu.memory_space<vmem>> -> memref<1x80xi32, #tpu.memory_space<vmem>>
    %dma_start3A_70 = tpu.memref_squeeze %dma_start3A_69 : memref<1x80xi32, #tpu.memory_space<vmem>> -> memref<80xi32, #tpu.memory_space<vmem>>
    %dma_start3A_71 = arith.constant 0 : i32
    %dma_start3A_72 = arith.constant 0 : i32
    %dma_start3A_73 = tpu.memref_slice %arg4[%dma_start3A_71, %dma_start3A_72] : memref<10000x64xf32, #tpu.memory_space<hbm>> -> memref<10000x64xf32, #tpu.memory_space<hbm>>
    tpu.enqueue_indirect_dma source(%dma_start3A_73 : memref<10000x64xf32, #tpu.memory_space<hbm>>) target(%arg8 : memref<80x64xf32, #tpu.memory_space<vmem>>) offsets(%dma_start3A_70 : memref<80xi32, #tpu.memory_space<vmem>>) semaphore(%arg15 : memref<!tpu.dma_semaphore, #tpu.memory_space<semaphore_mem>>)
    %dma_start3A_74 = arith.constant 1 : i32
    %dma_start3A_75 = arith.constant 0 : i32
    %dma_start3A_76 = tpu.memref_slice %arg6[%dma_start3A_74, %dma_start3A_75] : memref<125x80xi32, #tpu.memory_space<vmem>> -> memref<1x80xi32, #tpu.memory_space<vmem>>
    %dma_start3A_77 = tpu.memref_squeeze %dma_start3A_76 : memref<1x80xi32, #tpu.memory_space<vmem>> -> memref<80xi32, #tpu.memory_space<vmem>>
    %dma_start3A_78 = arith.constant 0 : i32
    %dma_start3A_79 = arith.constant 0 : i32
    %dma_start3A_80 = tpu.memref_slice %arg4[%dma_start3A_78, %dma_start3A_79] : memref<10000x64xf32, #tpu.memory_space<hbm>> -> memref<10000x64xf32, #tpu.memory_space<hbm>>
    tpu.enqueue_indirect_dma source(%dma_start3A_80 : memref<10000x64xf32, #tpu.memory_space<hbm>>) target(%arg9 : memref<80x64xf32, #tpu.memory_space<vmem>>) offsets(%dma_start3A_77 : memref<80xi32, #tpu.memory_space<vmem>>) semaphore(%arg16 : memref<!tpu.dma_semaphore, #tpu.memory_space<semaphore_mem>>)
    %dma_start3A_81 = arith.constant 2 : i32
    %dma_start3A_82 = arith.constant 0 : i32
    %dma_start3A_83 = tpu.memref_slice %arg6[%dma_start3A_81, %dma_start3A_82] : memref<125x80xi32, #tpu.memory_space<vmem>> -> memref<1x80xi32, #tpu.memory_space<vmem>>
    %dma_start3A_84 = tpu.memref_squeeze %dma_start3A_83 : memref<1x80xi32, #tpu.memory_space<vmem>> -> memref<80xi32, #tpu.memory_space<vmem>>
    %dma_start3A_85 = arith.constant 0 : i32
    %dma_start3A_86 = arith.constant 0 : i32
    %dma_start3A_87 = tpu.memref_slice %arg4[%dma_start3A_85, %dma_start3A_86] : memref<10000x64xf32, #tpu.memory_space<hbm>> -> memref<10000x64xf32, #tpu.memory_space<hbm>>
    tpu.enqueue_indirect_dma source(%dma_start3A_87 : memref<10000x64xf32, #tpu.memory_space<hbm>>) target(%arg10 : memref<80x64xf32, #tpu.memory_space<vmem>>) offsets(%dma_start3A_84 : memref<80xi32, #tpu.memory_space<vmem>>) semaphore(%arg17 : memref<!tpu.dma_semaphore, #tpu.memory_space<semaphore_mem>>)
    %dma_start3A_88 = arith.constant 3 : i32
    %dma_start3A_89 = arith.constant 0 : i32
    %dma_start3A_90 = tpu.memref_slice %arg6[%dma_start3A_88, %dma_start3A_89] : memref<125x80xi32, #tpu.memory_space<vmem>> -> memref<1x80xi32, #tpu.memory_space<vmem>>
    %dma_start3A_91 = tpu.memref_squeeze %dma_start3A_90 : memref<1x80xi32, #tpu.memory_space<vmem>> -> memref<80xi32, #tpu.memory_space<vmem>>
    %dma_start3A_92 = arith.constant 0 : i32
    %dma_start3A_93 = arith.constant 0 : i32
    %dma_start3A_94 = tpu.memref_slice %arg4[%dma_start3A_92, %dma_start3A_93] : memref<10000x64xf32, #tpu.memory_space<hbm>> -> memref<10000x64xf32, #tpu.memory_space<hbm>>
    tpu.enqueue_indirect_dma source(%dma_start3A_94 : memref<10000x64xf32, #tpu.memory_space<hbm>>) target(%arg11 : memref<80x64xf32, #tpu.memory_space<vmem>>) offsets(%dma_start3A_91 : memref<80xi32, #tpu.memory_space<vmem>>) semaphore(%arg18 : memref<!tpu.dma_semaphore, #tpu.memory_space<semaphore_mem>>)
    %barrier3A = arith.constant 0 : index
    tpu.barrier barrier_id(%barrier3A)
    %scan3A_95 = arith.constant 0 : i32
    %scan3A_96 = arith.constant 0 : i32
    %scan3A_97 = arith.constant 31 : i32
    %scan3A_98 = arith.addi %scan3A_96, %scan3A_97 : i32
    %scan3A_99 = arith.constant 1 : i32
    %scan3A_100 = scf.for %scan3A_132 = %scan3A_96 to %scan3A_98 step %scan3A_99 iter_args(%scan3A_133 = %scan3A_95) -> (i32)  : i32 {
      %mul3A_134 = arith.constant 4 : i32
      %mul3A_135 = arith.muli %scan3A_132, %mul3A_134 : i32
      %add3A_136 = arith.constant 0 : i32
      %add3A_137 = arith.addi %mul3A_135, %add3A_136 : i32
      %dma_wait3A_138 = arith.constant 0 : i32
      %dma_wait3A_139 = tpu.memref_slice %arg6[%add3A_137, %dma_wait3A_138] : memref<125x80xi32, #tpu.memory_space<vmem>> -> memref<1x80xi32, #tpu.memory_space<vmem>>
      %dma_wait3A_140 = tpu.memref_squeeze %dma_wait3A_139 : memref<1x80xi32, #tpu.memory_space<vmem>> -> memref<80xi32, #tpu.memory_space<vmem>>
      %dma_wait3A_141 = arith.constant 0 : i32
      %dma_wait3A_142 = arith.constant 0 : i32
      %dma_wait3A_143 = tpu.memref_slice %arg4[%dma_wait3A_141, %dma_wait3A_142] : memref<10000x64xf32, #tpu.memory_space<hbm>> -> memref<10000x64xf32, #tpu.memory_space<hbm>>
      tpu.wait_indirect_dma semaphore(%arg15 : memref<!tpu.dma_semaphore, #tpu.memory_space<semaphore_mem>>) src(%dma_wait3A_143 : memref<10000x64xf32, #tpu.memory_space<hbm>>) dst(%arg8 : memref<80x64xf32, #tpu.memory_space<vmem>>)
      %dma_start3A_144 = arith.constant 0 : i32
      %dma_start3A_145 = tpu.memref_slice %arg7[%add3A_137, %dma_start3A_144] : memref<125x80xi32, #tpu.memory_space<vmem>> -> memref<1x80xi32, #tpu.memory_space<vmem>>
      %dma_start3A_146 = tpu.memref_squeeze %dma_start3A_145 : memref<1x80xi32, #tpu.memory_space<vmem>> -> memref<80xi32, #tpu.memory_space<vmem>>
      %dma_start3A_147 = arith.constant 0 : i32
      %dma_start3A_148 = arith.constant 0 : i32
      %dma_start3A_149 = tpu.memref_slice %arg13[%dma_start3A_147, %dma_start3A_148] : memref<10240x64xf32, #tpu.memory_space<vmem_shared>> -> memref<10240x64xf32, #tpu.memory_space<vmem_shared>>
      tpu.enqueue_indirect_dma source(%arg8 : memref<80x64xf32, #tpu.memory_space<vmem>>) target(%dma_start3A_149 : memref<10240x64xf32, #tpu.memory_space<vmem_shared>>) offsets(%dma_start3A_146 : memref<80xi32, #tpu.memory_space<vmem>>) semaphore(%arg19 : memref<!tpu.dma_semaphore, #tpu.memory_space<semaphore_mem>>) {add = true}
      %dma_wait3A_150 = arith.constant 0 : i32
      %dma_wait3A_151 = tpu.memref_slice %arg7[%add3A_137, %dma_wait3A_150] : memref<125x80xi32, #tpu.memory_space<vmem>> -> memref<1x80xi32, #tpu.memory_space<vmem>>
      %dma_wait3A_152 = tpu.memref_squeeze %dma_wait3A_151 : memref<1x80xi32, #tpu.memory_space<vmem>> -> memref<80xi32, #tpu.memory_space<vmem>>
      %dma_wait3A_153 = arith.constant 0 : i32
      %dma_wait3A_154 = arith.constant 0 : i32
      %dma_wait3A_155 = tpu.memref_slice %arg13[%dma_wait3A_153, %dma_wait3A_154] : memref<10240x64xf32, #tpu.memory_space<vmem_shared>> -> memref<10240x64xf32, #tpu.memory_space<vmem_shared>>
      tpu.wait_indirect_dma semaphore(%arg19 : memref<!tpu.dma_semaphore, #tpu.memory_space<semaphore_mem>>) src(%arg8 : memref<80x64xf32, #tpu.memory_space<vmem>>) dst(%dma_wait3A_155 : memref<10240x64xf32, #tpu.memory_space<vmem_shared>>)
      %add3A_156 = arith.constant 4 : i32
      %add3A_157 = arith.addi %add3A_137, %add3A_156 : i32
      %lt3A = arith.constant 125 : i32
      %lt3A_158 = arith.cmpi slt, %add3A_157, %lt3A : i32
      %convert_element_type3A = arith.extui %lt3A_158 : i1 to i32
      %cond3A = arith.constant 0 : i32
      %cond3A_159 = arith.cmpi ne, %convert_element_type3A, %cond3A : i32
      scf.if %cond3A_159 {
        %add3A_248 = arith.constant 4 : i32
        %add3A_249 = arith.addi %add3A_137, %add3A_248 : i32
        %dma_start3A_250 = arith.constant 0 : i32
        %dma_start3A_251 = tpu.memref_slice %arg6[%add3A_249, %dma_start3A_250] : memref<125x80xi32, #tpu.memory_space<vmem>> -> memref<1x80xi32, #tpu.memory_space<vmem>>
        %dma_start3A_252 = tpu.memref_squeeze %dma_start3A_251 : memref<1x80xi32, #tpu.memory_space<vmem>> -> memref<80xi32, #tpu.memory_space<vmem>>
        %dma_start3A_253 = arith.constant 0 : i32
        %dma_start3A_254 = arith.constant 0 : i32
        %dma_start3A_255 = tpu.memref_slice %arg4[%dma_start3A_253, %dma_start3A_254] : memref<10000x64xf32, #tpu.memory_space<hbm>> -> memref<10000x64xf32, #tpu.memory_space<hbm>>
        tpu.enqueue_indirect_dma source(%dma_start3A_255 : memref<10000x64xf32, #tpu.memory_space<hbm>>) target(%arg8 : memref<80x64xf32, #tpu.memory_space<vmem>>) offsets(%dma_start3A_252 : memref<80xi32, #tpu.memory_space<vmem>>) semaphore(%arg15 : memref<!tpu.dma_semaphore, #tpu.memory_space<semaphore_mem>>)
      } else {
      }
      %mul3A_160 = arith.constant 4 : i32
      %mul3A_161 = arith.muli %scan3A_132, %mul3A_160 : i32
      %add3A_162 = arith.constant 1 : i32
      %add3A_163 = arith.addi %mul3A_161, %add3A_162 : i32
      %dma_wait3A_164 = arith.constant 0 : i32
      %dma_wait3A_165 = tpu.memref_slice %arg6[%add3A_163, %dma_wait3A_164] : memref<125x80xi32, #tpu.memory_space<vmem>> -> memref<1x80xi32, #tpu.memory_space<vmem>>
      %dma_wait3A_166 = tpu.memref_squeeze %dma_wait3A_165 : memref<1x80xi32, #tpu.memory_space<vmem>> -> memref<80xi32, #tpu.memory_space<vmem>>
      %dma_wait3A_167 = arith.constant 0 : i32
      %dma_wait3A_168 = arith.constant 0 : i32
      %dma_wait3A_169 = tpu.memref_slice %arg4[%dma_wait3A_167, %dma_wait3A_168] : memref<10000x64xf32, #tpu.memory_space<hbm>> -> memref<10000x64xf32, #tpu.memory_space<hbm>>
      tpu.wait_indirect_dma semaphore(%arg16 : memref<!tpu.dma_semaphore, #tpu.memory_space<semaphore_mem>>) src(%dma_wait3A_169 : memref<10000x64xf32, #tpu.memory_space<hbm>>) dst(%arg9 : memref<80x64xf32, #tpu.memory_space<vmem>>)
      %dma_start3A_170 = arith.constant 0 : i32
      %dma_start3A_171 = tpu.memref_slice %arg7[%add3A_163, %dma_start3A_170] : memref<125x80xi32, #tpu.memory_space<vmem>> -> memref<1x80xi32, #tpu.memory_space<vmem>>
      %dma_start3A_172 = tpu.memref_squeeze %dma_start3A_171 : memref<1x80xi32, #tpu.memory_space<vmem>> -> memref<80xi32, #tpu.memory_space<vmem>>
      %dma_start3A_173 = arith.constant 0 : i32
      %dma_start3A_174 = arith.constant 0 : i32
      %dma_start3A_175 = tpu.memref_slice %arg13[%dma_start3A_173, %dma_start3A_174] : memref<10240x64xf32, #tpu.memory_space<vmem_shared>> -> memref<10240x64xf32, #tpu.memory_space<vmem_shared>>
      tpu.enqueue_indirect_dma source(%arg9 : memref<80x64xf32, #tpu.memory_space<vmem>>) target(%dma_start3A_175 : memref<10240x64xf32, #tpu.memory_space<vmem_shared>>) offsets(%dma_start3A_172 : memref<80xi32, #tpu.memory_space<vmem>>) semaphore(%arg20 : memref<!tpu.dma_semaphore, #tpu.memory_space<semaphore_mem>>) {add = true}
      %dma_wait3A_176 = arith.constant 0 : i32
      %dma_wait3A_177 = tpu.memref_slice %arg7[%add3A_163, %dma_wait3A_176] : memref<125x80xi32, #tpu.memory_space<vmem>> -> memref<1x80xi32, #tpu.memory_space<vmem>>
      %dma_wait3A_178 = tpu.memref_squeeze %dma_wait3A_177 : memref<1x80xi32, #tpu.memory_space<vmem>> -> memref<80xi32, #tpu.memory_space<vmem>>
      %dma_wait3A_179 = arith.constant 0 : i32
      %dma_wait3A_180 = arith.constant 0 : i32
      %dma_wait3A_181 = tpu.memref_slice %arg13[%dma_wait3A_179, %dma_wait3A_180] : memref<10240x64xf32, #tpu.memory_space<vmem_shared>> -> memref<10240x64xf32, #tpu.memory_space<vmem_shared>>
      tpu.wait_indirect_dma semaphore(%arg20 : memref<!tpu.dma_semaphore, #tpu.memory_space<semaphore_mem>>) src(%arg9 : memref<80x64xf32, #tpu.memory_space<vmem>>) dst(%dma_wait3A_181 : memref<10240x64xf32, #tpu.memory_space<vmem_shared>>)
      %add3A_182 = arith.constant 4 : i32
      %add3A_183 = arith.addi %add3A_163, %add3A_182 : i32
      %lt3A_184 = arith.constant 125 : i32
      %lt3A_185 = arith.cmpi slt, %add3A_183, %lt3A_184 : i32
      %convert_element_type3A_186 = arith.extui %lt3A_185 : i1 to i32
      %cond3A_187 = arith.constant 0 : i32
      %cond3A_188 = arith.cmpi ne, %convert_element_type3A_186, %cond3A_187 : i32
      scf.if %cond3A_188 {
        %add3A_248 = arith.constant 4 : i32
        %add3A_249 = arith.addi %add3A_163, %add3A_248 : i32
        %dma_start3A_250 = arith.constant 0 : i32
        %dma_start3A_251 = tpu.memref_slice %arg6[%add3A_249, %dma_start3A_250] : memref<125x80xi32, #tpu.memory_space<vmem>> -> memref<1x80xi32, #tpu.memory_space<vmem>>
        %dma_start3A_252 = tpu.memref_squeeze %dma_start3A_251 : memref<1x80xi32, #tpu.memory_space<vmem>> -> memref<80xi32, #tpu.memory_space<vmem>>
        %dma_start3A_253 = arith.constant 0 : i32
        %dma_start3A_254 = arith.constant 0 : i32
        %dma_start3A_255 = tpu.memref_slice %arg4[%dma_start3A_253, %dma_start3A_254] : memref<10000x64xf32, #tpu.memory_space<hbm>> -> memref<10000x64xf32, #tpu.memory_space<hbm>>
        tpu.enqueue_indirect_dma source(%dma_start3A_255 : memref<10000x64xf32, #tpu.memory_space<hbm>>) target(%arg9 : memref<80x64xf32, #tpu.memory_space<vmem>>) offsets(%dma_start3A_252 : memref<80xi32, #tpu.memory_space<vmem>>) semaphore(%arg16 : memref<!tpu.dma_semaphore, #tpu.memory_space<semaphore_mem>>)
      } else {
      }
      %mul3A_189 = arith.constant 4 : i32
      %mul3A_190 = arith.muli %scan3A_132, %mul3A_189 : i32
      %add3A_191 = arith.constant 2 : i32
      %add3A_192 = arith.addi %mul3A_190, %add3A_191 : i32
      %dma_wait3A_193 = arith.constant 0 : i32
      %dma_wait3A_194 = tpu.memref_slice %arg6[%add3A_192, %dma_wait3A_193] : memref<125x80xi32, #tpu.memory_space<vmem>> -> memref<1x80xi32, #tpu.memory_space<vmem>>
      %dma_wait3A_195 = tpu.memref_squeeze %dma_wait3A_194 : memref<1x80xi32, #tpu.memory_space<vmem>> -> memref<80xi32, #tpu.memory_space<vmem>>
      %dma_wait3A_196 = arith.constant 0 : i32
      %dma_wait3A_197 = arith.constant 0 : i32
      %dma_wait3A_198 = tpu.memref_slice %arg4[%dma_wait3A_196, %dma_wait3A_197] : memref<10000x64xf32, #tpu.memory_space<hbm>> -> memref<10000x64xf32, #tpu.memory_space<hbm>>
      tpu.wait_indirect_dma semaphore(%arg17 : memref<!tpu.dma_semaphore, #tpu.memory_space<semaphore_mem>>) src(%dma_wait3A_198 : memref<10000x64xf32, #tpu.memory_space<hbm>>) dst(%arg10 : memref<80x64xf32, #tpu.memory_space<vmem>>)
      %dma_start3A_199 = arith.constant 0 : i32
      %dma_start3A_200 = tpu.memref_slice %arg7[%add3A_192, %dma_start3A_199] : memref<125x80xi32, #tpu.memory_space<vmem>> -> memref<1x80xi32, #tpu.memory_space<vmem>>
      %dma_start3A_201 = tpu.memref_squeeze %dma_start3A_200 : memref<1x80xi32, #tpu.memory_space<vmem>> -> memref<80xi32, #tpu.memory_space<vmem>>
      %dma_start3A_202 = arith.constant 0 : i32
      %dma_start3A_203 = arith.constant 0 : i32
      %dma_start3A_204 = tpu.memref_slice %arg13[%dma_start3A_202, %dma_start3A_203] : memref<10240x64xf32, #tpu.memory_space<vmem_shared>> -> memref<10240x64xf32, #tpu.memory_space<vmem_shared>>
      tpu.enqueue_indirect_dma source(%arg10 : memref<80x64xf32, #tpu.memory_space<vmem>>) target(%dma_start3A_204 : memref<10240x64xf32, #tpu.memory_space<vmem_shared>>) offsets(%dma_start3A_201 : memref<80xi32, #tpu.memory_space<vmem>>) semaphore(%arg21 : memref<!tpu.dma_semaphore, #tpu.memory_space<semaphore_mem>>) {add = true}
      %dma_wait3A_205 = arith.constant 0 : i32
      %dma_wait3A_206 = tpu.memref_slice %arg7[%add3A_192, %dma_wait3A_205] : memref<125x80xi32, #tpu.memory_space<vmem>> -> memref<1x80xi32, #tpu.memory_space<vmem>>
      %dma_wait3A_207 = tpu.memref_squeeze %dma_wait3A_206 : memref<1x80xi32, #tpu.memory_space<vmem>> -> memref<80xi32, #tpu.memory_space<vmem>>
      %dma_wait3A_208 = arith.constant 0 : i32
      %dma_wait3A_209 = arith.constant 0 : i32
      %dma_wait3A_210 = tpu.memref_slice %arg13[%dma_wait3A_208, %dma_wait3A_209] : memref<10240x64xf32, #tpu.memory_space<vmem_shared>> -> memref<10240x64xf32, #tpu.memory_space<vmem_shared>>
      tpu.wait_indirect_dma semaphore(%arg21 : memref<!tpu.dma_semaphore, #tpu.memory_space<semaphore_mem>>) src(%arg10 : memref<80x64xf32, #tpu.memory_space<vmem>>) dst(%dma_wait3A_210 : memref<10240x64xf32, #tpu.memory_space<vmem_shared>>)
      %add3A_211 = arith.constant 4 : i32
      %add3A_212 = arith.addi %add3A_192, %add3A_211 : i32
      %lt3A_213 = arith.constant 125 : i32
      %lt3A_214 = arith.cmpi slt, %add3A_212, %lt3A_213 : i32
      %convert_element_type3A_215 = arith.extui %lt3A_214 : i1 to i32
      %cond3A_216 = arith.constant 0 : i32
      %cond3A_217 = arith.cmpi ne, %convert_element_type3A_215, %cond3A_216 : i32
      scf.if %cond3A_217 {
        %add3A_248 = arith.constant 4 : i32
        %add3A_249 = arith.addi %add3A_192, %add3A_248 : i32
        %dma_start3A_250 = arith.constant 0 : i32
        %dma_start3A_251 = tpu.memref_slice %arg6[%add3A_249, %dma_start3A_250] : memref<125x80xi32, #tpu.memory_space<vmem>> -> memref<1x80xi32, #tpu.memory_space<vmem>>
        %dma_start3A_252 = tpu.memref_squeeze %dma_start3A_251 : memref<1x80xi32, #tpu.memory_space<vmem>> -> memref<80xi32, #tpu.memory_space<vmem>>
        %dma_start3A_253 = arith.constant 0 : i32
        %dma_start3A_254 = arith.constant 0 : i32
        %dma_start3A_255 = tpu.memref_slice %arg4[%dma_start3A_253, %dma_start3A_254] : memref<10000x64xf32, #tpu.memory_space<hbm>> -> memref<10000x64xf32, #tpu.memory_space<hbm>>
        tpu.enqueue_indirect_dma source(%dma_start3A_255 : memref<10000x64xf32, #tpu.memory_space<hbm>>) target(%arg10 : memref<80x64xf32, #tpu.memory_space<vmem>>) offsets(%dma_start3A_252 : memref<80xi32, #tpu.memory_space<vmem>>) semaphore(%arg17 : memref<!tpu.dma_semaphore, #tpu.memory_space<semaphore_mem>>)
      } else {
      }
      %mul3A_218 = arith.constant 4 : i32
      %mul3A_219 = arith.muli %scan3A_132, %mul3A_218 : i32
      %add3A_220 = arith.constant 3 : i32
      %add3A_221 = arith.addi %mul3A_219, %add3A_220 : i32
      %dma_wait3A_222 = arith.constant 0 : i32
      %dma_wait3A_223 = tpu.memref_slice %arg6[%add3A_221, %dma_wait3A_222] : memref<125x80xi32, #tpu.memory_space<vmem>> -> memref<1x80xi32, #tpu.memory_space<vmem>>
      %dma_wait3A_224 = tpu.memref_squeeze %dma_wait3A_223 : memref<1x80xi32, #tpu.memory_space<vmem>> -> memref<80xi32, #tpu.memory_space<vmem>>
      %dma_wait3A_225 = arith.constant 0 : i32
      %dma_wait3A_226 = arith.constant 0 : i32
      %dma_wait3A_227 = tpu.memref_slice %arg4[%dma_wait3A_225, %dma_wait3A_226] : memref<10000x64xf32, #tpu.memory_space<hbm>> -> memref<10000x64xf32, #tpu.memory_space<hbm>>
      tpu.wait_indirect_dma semaphore(%arg18 : memref<!tpu.dma_semaphore, #tpu.memory_space<semaphore_mem>>) src(%dma_wait3A_227 : memref<10000x64xf32, #tpu.memory_space<hbm>>) dst(%arg11 : memref<80x64xf32, #tpu.memory_space<vmem>>)
      %dma_start3A_228 = arith.constant 0 : i32
      %dma_start3A_229 = tpu.memref_slice %arg7[%add3A_221, %dma_start3A_228] : memref<125x80xi32, #tpu.memory_space<vmem>> -> memref<1x80xi32, #tpu.memory_space<vmem>>
      %dma_start3A_230 = tpu.memref_squeeze %dma_start3A_229 : memref<1x80xi32, #tpu.memory_space<vmem>> -> memref<80xi32, #tpu.memory_space<vmem>>
      %dma_start3A_231 = arith.constant 0 : i32
      %dma_start3A_232 = arith.constant 0 : i32
      %dma_start3A_233 = tpu.memref_slice %arg13[%dma_start3A_231, %dma_start3A_232] : memref<10240x64xf32, #tpu.memory_space<vmem_shared>> -> memref<10240x64xf32, #tpu.memory_space<vmem_shared>>
      tpu.enqueue_indirect_dma source(%arg11 : memref<80x64xf32, #tpu.memory_space<vmem>>) target(%dma_start3A_233 : memref<10240x64xf32, #tpu.memory_space<vmem_shared>>) offsets(%dma_start3A_230 : memref<80xi32, #tpu.memory_space<vmem>>) semaphore(%arg22 : memref<!tpu.dma_semaphore, #tpu.memory_space<semaphore_mem>>) {add = true}
      %dma_wait3A_234 = arith.constant 0 : i32
      %dma_wait3A_235 = tpu.memref_slice %arg7[%add3A_221, %dma_wait3A_234] : memref<125x80xi32, #tpu.memory_space<vmem>> -> memref<1x80xi32, #tpu.memory_space<vmem>>
      %dma_wait3A_236 = tpu.memref_squeeze %dma_wait3A_235 : memref<1x80xi32, #tpu.memory_space<vmem>> -> memref<80xi32, #tpu.memory_space<vmem>>
      %dma_wait3A_237 = arith.constant 0 : i32
      %dma_wait3A_238 = arith.constant 0 : i32
      %dma_wait3A_239 = tpu.memref_slice %arg13[%dma_wait3A_237, %dma_wait3A_238] : memref<10240x64xf32, #tpu.memory_space<vmem_shared>> -> memref<10240x64xf32, #tpu.memory_space<vmem_shared>>
      tpu.wait_indirect_dma semaphore(%arg22 : memref<!tpu.dma_semaphore, #tpu.memory_space<semaphore_mem>>) src(%arg11 : memref<80x64xf32, #tpu.memory_space<vmem>>) dst(%dma_wait3A_239 : memref<10240x64xf32, #tpu.memory_space<vmem_shared>>)
      %add3A_240 = arith.constant 4 : i32
      %add3A_241 = arith.addi %add3A_221, %add3A_240 : i32
      %lt3A_242 = arith.constant 125 : i32
      %lt3A_243 = arith.cmpi slt, %add3A_241, %lt3A_242 : i32
      %convert_element_type3A_244 = arith.extui %lt3A_243 : i1 to i32
      %cond3A_245 = arith.constant 0 : i32
      %cond3A_246 = arith.cmpi ne, %convert_element_type3A_244, %cond3A_245 : i32
      scf.if %cond3A_246 {
        %add3A_248 = arith.constant 4 : i32
        %add3A_249 = arith.addi %add3A_221, %add3A_248 : i32
        %dma_start3A_250 = arith.constant 0 : i32
        %dma_start3A_251 = tpu.memref_slice %arg6[%add3A_249, %dma_start3A_250] : memref<125x80xi32, #tpu.memory_space<vmem>> -> memref<1x80xi32, #tpu.memory_space<vmem>>
        %dma_start3A_252 = tpu.memref_squeeze %dma_start3A_251 : memref<1x80xi32, #tpu.memory_space<vmem>> -> memref<80xi32, #tpu.memory_space<vmem>>
        %dma_start3A_253 = arith.constant 0 : i32
        %dma_start3A_254 = arith.constant 0 : i32
        %dma_start3A_255 = tpu.memref_slice %arg4[%dma_start3A_253, %dma_start3A_254] : memref<10000x64xf32, #tpu.memory_space<hbm>> -> memref<10000x64xf32, #tpu.memory_space<hbm>>
        tpu.enqueue_indirect_dma source(%dma_start3A_255 : memref<10000x64xf32, #tpu.memory_space<hbm>>) target(%arg11 : memref<80x64xf32, #tpu.memory_space<vmem>>) offsets(%dma_start3A_252 : memref<80xi32, #tpu.memory_space<vmem>>) semaphore(%arg18 : memref<!tpu.dma_semaphore, #tpu.memory_space<semaphore_mem>>)
      } else {
      }
      %scan3A_247 = arith.constant 0 : i32
      scf.yield %scan3A_247 : i32
    }
    %scan3A_101 = arith.constant 31 : i32
    %dma_wait3A_102 = arith.constant 124 : i32
    %dma_wait3A_103 = arith.constant 0 : i32
    %dma_wait3A_104 = tpu.memref_slice %arg6[%dma_wait3A_102, %dma_wait3A_103] : memref<125x80xi32, #tpu.memory_space<vmem>> -> memref<1x80xi32, #tpu.memory_space<vmem>>
    %dma_wait3A_105 = tpu.memref_squeeze %dma_wait3A_104 : memref<1x80xi32, #tpu.memory_space<vmem>> -> memref<80xi32, #tpu.memory_space<vmem>>
    %dma_wait3A_106 = arith.constant 0 : i32
    %dma_wait3A_107 = arith.constant 0 : i32
    %dma_wait3A_108 = tpu.memref_slice %arg4[%dma_wait3A_106, %dma_wait3A_107] : memref<10000x64xf32, #tpu.memory_space<hbm>> -> memref<10000x64xf32, #tpu.memory_space<hbm>>
    tpu.wait_indirect_dma semaphore(%arg15 : memref<!tpu.dma_semaphore, #tpu.memory_space<semaphore_mem>>) src(%dma_wait3A_108 : memref<10000x64xf32, #tpu.memory_space<hbm>>) dst(%arg8 : memref<80x64xf32, #tpu.memory_space<vmem>>)
    %dma_start3A_109 = arith.constant 124 : i32
    %dma_start3A_110 = arith.constant 0 : i32
    %dma_start3A_111 = tpu.memref_slice %arg7[%dma_start3A_109, %dma_start3A_110] : memref<125x80xi32, #tpu.memory_space<vmem>> -> memref<1x80xi32, #tpu.memory_space<vmem>>
    %dma_start3A_112 = tpu.memref_squeeze %dma_start3A_111 : memref<1x80xi32, #tpu.memory_space<vmem>> -> memref<80xi32, #tpu.memory_space<vmem>>
    %dma_start3A_113 = arith.constant 0 : i32
    %dma_start3A_114 = arith.constant 0 : i32
    %dma_start3A_115 = tpu.memref_slice %arg13[%dma_start3A_113, %dma_start3A_114] : memref<10240x64xf32, #tpu.memory_space<vmem_shared>> -> memref<10240x64xf32, #tpu.memory_space<vmem_shared>>
    tpu.enqueue_indirect_dma source(%arg8 : memref<80x64xf32, #tpu.memory_space<vmem>>) target(%dma_start3A_115 : memref<10240x64xf32, #tpu.memory_space<vmem_shared>>) offsets(%dma_start3A_112 : memref<80xi32, #tpu.memory_space<vmem>>) semaphore(%arg19 : memref<!tpu.dma_semaphore, #tpu.memory_space<semaphore_mem>>) {add = true}
    %dma_wait3A_116 = arith.constant 124 : i32
    %dma_wait3A_117 = arith.constant 0 : i32
    %dma_wait3A_118 = tpu.memref_slice %arg7[%dma_wait3A_116, %dma_wait3A_117] : memref<125x80xi32, #tpu.memory_space<vmem>> -> memref<1x80xi32, #tpu.memory_space<vmem>>
    %dma_wait3A_119 = tpu.memref_squeeze %dma_wait3A_118 : memref<1x80xi32, #tpu.memory_space<vmem>> -> memref<80xi32, #tpu.memory_space<vmem>>
    %dma_wait3A_120 = arith.constant 0 : i32
    %dma_wait3A_121 = arith.constant 0 : i32
    %dma_wait3A_122 = tpu.memref_slice %arg13[%dma_wait3A_120, %dma_wait3A_121] : memref<10240x64xf32, #tpu.memory_space<vmem_shared>> -> memref<10240x64xf32, #tpu.memory_space<vmem_shared>>
    tpu.wait_indirect_dma semaphore(%arg19 : memref<!tpu.dma_semaphore, #tpu.memory_space<semaphore_mem>>) src(%arg8 : memref<80x64xf32, #tpu.memory_space<vmem>>) dst(%dma_wait3A_122 : memref<10240x64xf32, #tpu.memory_space<vmem_shared>>)
    %barrier3A_123 = arith.constant 0 : index
    tpu.barrier barrier_id(%barrier3A_123)
    %mul3A_124 = arith.constant 640 : i32
    %mul3A_125 = arith.muli %arg1, %mul3A_124 : i32
    %multiple_of3A = tpu.assume_multiple %mul3A_125, 8 : i32
    %mul3A_126 = arith.constant 10240 : i32
    %mul3A_127 = arith.muli %arg0, %mul3A_126 : i32
    %mul3A_128 = arith.constant 640 : i32
    %mul3A_129 = arith.muli %arg1, %mul3A_128 : i32
    %add3A_130 = arith.addi %mul3A_127, %mul3A_129 : i32
    %multiple_of3A_131 = tpu.assume_multiple %add3A_130, 8 : i32
    "tpu.region"() ({
      %run_scoped3A = tpu.sem_alloc : memref<!tpu.dma_semaphore, #tpu.memory_space<semaphore_mem>>
      %dma_start3A_132 = arith.constant 0 : i32
      %dma_start3A_133 = tpu.memref_slice %arg5[%multiple_of3A_131, %dma_start3A_132] : memref<20480x64xf32, #tpu.memory_space<hbm>> -> memref<640x64xf32, #tpu.memory_space<hbm>>
      %dma_start3A_134 = arith.constant 0 : i32
      %dma_start3A_135 = tpu.memref_slice %arg13[%multiple_of3A, %dma_start3A_134] : memref<10240x64xf32, #tpu.memory_space<vmem_shared>> -> memref<640x64xf32, #tpu.memory_space<vmem_shared>>
      tpu.enqueue_dma source(%dma_start3A_135 : memref<640x64xf32, #tpu.memory_space<vmem_shared>>) target(%dma_start3A_133 : memref<640x64xf32, #tpu.memory_space<hbm>>) target_semaphore(%run_scoped3A : memref<!tpu.dma_semaphore, #tpu.memory_space<semaphore_mem>>)
      %dma_wait3A_136 = arith.constant 0 : i32
      %dma_wait3A_137 = tpu.memref_slice %arg5[%multiple_of3A_131, %dma_wait3A_136] : memref<20480x64xf32, #tpu.memory_space<hbm>> -> memref<640x64xf32, #tpu.memory_space<hbm>>
      %dma_wait3A_138 = arith.constant 0 : i32
      %dma_wait3A_139 = tpu.memref_slice %arg13[%multiple_of3A, %dma_wait3A_138] : memref<10240x64xf32, #tpu.memory_space<vmem_shared>> -> memref<640x64xf32, #tpu.memory_space<vmem_shared>>
      tpu.wait_dma2 semaphore(%run_scoped3A : memref<!tpu.dma_semaphore, #tpu.memory_space<semaphore_mem>>) src(%dma_wait3A_139 : memref<640x64xf32, #tpu.memory_space<vmem_shared>>) dst(%dma_wait3A_137 : memref<640x64xf32, #tpu.memory_space<hbm>>)
      tpu.yield
    }) : () -> ()
    return
  }
}

#map = affine_map<(d0, d1) -> (0, 0)>
module attributes {stable_mosaic.version = 14 : i64} {
  func.func @gcn_prop_128(%arg0: i32, %arg1: i32, %arg2: memref<4000x80xi32, #tpu.memory_space<hbm>>, %arg3: memref<4000x80xi32, #tpu.memory_space<hbm>>, %arg4: memref<10000x128xf32, #tpu.memory_space<hbm>>, %arg5: memref<20480x128xf32, #tpu.memory_space<hbm>>, %arg6: memref<63x80xi32, #tpu.memory_space<vmem>>, %arg7: memref<63x80xi32, #tpu.memory_space<vmem>>, %arg8: memref<80x128xf32, #tpu.memory_space<vmem>>, %arg9: memref<80x128xf32, #tpu.memory_space<vmem>>, %arg10: memref<80x128xf32, #tpu.memory_space<vmem>>, %arg11: memref<32x128xf32, #tpu.memory_space<vmem>>, %arg12: memref<10240x128xf32, #tpu.memory_space<vmem_shared>>, %arg13: memref<!tpu.dma_semaphore, #tpu.memory_space<semaphore_mem>>, %arg14: memref<!tpu.dma_semaphore, #tpu.memory_space<semaphore_mem>>, %arg15: memref<!tpu.dma_semaphore, #tpu.memory_space<semaphore_mem>>, %arg16: memref<!tpu.dma_semaphore, #tpu.memory_space<semaphore_mem>>, %arg17: memref<!tpu.dma_semaphore, #tpu.memory_space<semaphore_mem>>, %arg18: memref<!tpu.dma_semaphore, #tpu.memory_space<semaphore_mem>>, %arg19: memref<!tpu.dma_semaphore, #tpu.memory_space<semaphore_mem>>) attributes {dimension_semantics = [#tpu.dimension_semantics<core_parallel>, #tpu.dimension_semantics<subcore_parallel>], iteration_bounds = array<i64: 2, 16>, scalar_prefetch = 0 : i64, scratch_operands = 14 : i64, tpu.core_type = #tpu.core_type<sc_vector_subcore>, window_params = [{transform_indices = #map}, {transform_indices = #map}, {transform_indices = #map}, {transform_indices = #map}]} {
    %mul3A = arith.constant 2 : i32
    %mul3A_0 = arith.muli %arg1, %mul3A : i32
    %add3A = arith.addi %mul3A_0, %arg0 : i32
    %mul3A_1 = arith.constant 125 : i32
    %mul3A_2 = arith.muli %add3A, %mul3A_1 : i32
    %add3A_3 = arith.constant 0 : i32
    %add3A_4 = arith.addi %mul3A_2, %add3A_3 : i32
    %dma_start3A = arith.constant 0 : i32
    %dma_start3A_5 = arith.constant 0 : i32
    %dma_start3A_6 = tpu.memref_slice %arg6[%dma_start3A, %dma_start3A_5] : memref<63x80xi32, #tpu.memory_space<vmem>> -> memref<63x80xi32, #tpu.memory_space<vmem>>
    %dma_start3A_7 = arith.constant 0 : i32
    %dma_start3A_8 = tpu.memref_slice %arg2[%add3A_4, %dma_start3A_7] : memref<4000x80xi32, #tpu.memory_space<hbm>> -> memref<63x80xi32, #tpu.memory_space<hbm>>
    %dma_start3A_9 = arith.constant 0 : i32
    %dma_start3A_10 = arith.constant 0 : i32
    %dma_start3A_11 = tpu.memref_slice %arg6[%dma_start3A_9, %dma_start3A_10] : memref<63x80xi32, #tpu.memory_space<vmem>> -> memref<63x80xi32, #tpu.memory_space<vmem>>
    %dma_start3A_12 = arith.constant 0 : i32
    %dma_start3A_13 = tpu.memref_slice %arg2[%add3A_4, %dma_start3A_12] : memref<4000x80xi32, #tpu.memory_space<hbm>> -> memref<63x80xi32, #tpu.memory_space<hbm>>
    tpu.enqueue_dma source(%dma_start3A_13 : memref<63x80xi32, #tpu.memory_space<hbm>>) target(%dma_start3A_11 : memref<63x80xi32, #tpu.memory_space<vmem>>) target_semaphore(%arg13 : memref<!tpu.dma_semaphore, #tpu.memory_space<semaphore_mem>>)
    %dma_start3A_14 = arith.constant 0 : i32
    %dma_start3A_15 = arith.constant 0 : i32
    %dma_start3A_16 = tpu.memref_slice %arg7[%dma_start3A_14, %dma_start3A_15] : memref<63x80xi32, #tpu.memory_space<vmem>> -> memref<63x80xi32, #tpu.memory_space<vmem>>
    %dma_start3A_17 = arith.constant 0 : i32
    %dma_start3A_18 = tpu.memref_slice %arg3[%add3A_4, %dma_start3A_17] : memref<4000x80xi32, #tpu.memory_space<hbm>> -> memref<63x80xi32, #tpu.memory_space<hbm>>
    %dma_start3A_19 = arith.constant 0 : i32
    %dma_start3A_20 = arith.constant 0 : i32
    %dma_start3A_21 = tpu.memref_slice %arg7[%dma_start3A_19, %dma_start3A_20] : memref<63x80xi32, #tpu.memory_space<vmem>> -> memref<63x80xi32, #tpu.memory_space<vmem>>
    %dma_start3A_22 = arith.constant 0 : i32
    %dma_start3A_23 = tpu.memref_slice %arg3[%add3A_4, %dma_start3A_22] : memref<4000x80xi32, #tpu.memory_space<hbm>> -> memref<63x80xi32, #tpu.memory_space<hbm>>
    tpu.enqueue_dma source(%dma_start3A_23 : memref<63x80xi32, #tpu.memory_space<hbm>>) target(%dma_start3A_21 : memref<63x80xi32, #tpu.memory_space<vmem>>) target_semaphore(%arg13 : memref<!tpu.dma_semaphore, #tpu.memory_space<semaphore_mem>>)
    %scan3A = arith.constant 0 : i32
    %scan3A_24 = arith.constant 0 : i32
    %scan3A_25 = arith.constant 32 : i32
    %scan3A_26 = arith.addi %scan3A_24, %scan3A_25 : i32
    %scan3A_27 = arith.constant 1 : i32
    %scan3A_28 = scf.for %scan3A_222 = %scan3A_24 to %scan3A_26 step %scan3A_27 iter_args(%scan3A_223 = %scan3A) -> (i32)  : i32 {
      %broadcast_in_dim3A = arith.constant 0.000000e+00 : f32
      %broadcast_in_dim3A_224 = vector.broadcast %broadcast_in_dim3A : f32 to vector<16xf32>
      %swap3A = arith.index_cast %scan3A_222 : i32 to index
      %swap3A_225 = arith.constant 0 : index
      %swap3A_226 = tpu.vector_load %arg11[%swap3A, %swap3A_225] {strides = array<i32>} : memref<32x128xf32, #tpu.memory_space<vmem>>, vector<1x16xf32>,
      %swap3A_227 = vector.shape_cast %swap3A_226 : vector<1x16xf32> to vector<16xf32>
      %swap3A_228 = vector.shape_cast %broadcast_in_dim3A_224 : vector<16xf32> to vector<1x16xf32>
      tpu.vector_store %arg11[%swap3A, %swap3A_225], %swap3A_228 {strides = array<i32>} : memref<32x128xf32, #tpu.memory_space<vmem>>, vector<1x16xf32>,
      %broadcast_in_dim3A_229 = arith.constant 0.000000e+00 : f32
      %broadcast_in_dim3A_230 = vector.broadcast %broadcast_in_dim3A_229 : f32 to vector<16xf32>
      %swap3A_231 = arith.index_cast %scan3A_222 : i32 to index
      %swap3A_232 = arith.constant 16 : index
      %swap3A_233 = tpu.vector_load %arg11[%swap3A_231, %swap3A_232] {strides = array<i32>} : memref<32x128xf32, #tpu.memory_space<vmem>>, vector<1x16xf32>,
      %swap3A_234 = vector.shape_cast %swap3A_233 : vector<1x16xf32> to vector<16xf32>
      %swap3A_235 = vector.shape_cast %broadcast_in_dim3A_230 : vector<16xf32> to vector<1x16xf32>
      tpu.vector_store %arg11[%swap3A_231, %swap3A_232], %swap3A_235 {strides = array<i32>} : memref<32x128xf32, #tpu.memory_space<vmem>>, vector<1x16xf32>,
      %broadcast_in_dim3A_236 = arith.constant 0.000000e+00 : f32
      %broadcast_in_dim3A_237 = vector.broadcast %broadcast_in_dim3A_236 : f32 to vector<16xf32>
      %swap3A_238 = arith.index_cast %scan3A_222 : i32 to index
      %swap3A_239 = arith.constant 32 : index
      %swap3A_240 = tpu.vector_load %arg11[%swap3A_238, %swap3A_239] {strides = array<i32>} : memref<32x128xf32, #tpu.memory_space<vmem>>, vector<1x16xf32>,
      %swap3A_241 = vector.shape_cast %swap3A_240 : vector<1x16xf32> to vector<16xf32>
      %swap3A_242 = vector.shape_cast %broadcast_in_dim3A_237 : vector<16xf32> to vector<1x16xf32>
      tpu.vector_store %arg11[%swap3A_238, %swap3A_239], %swap3A_242 {strides = array<i32>} : memref<32x128xf32, #tpu.memory_space<vmem>>, vector<1x16xf32>,
      %broadcast_in_dim3A_243 = arith.constant 0.000000e+00 : f32
      %broadcast_in_dim3A_244 = vector.broadcast %broadcast_in_dim3A_243 : f32 to vector<16xf32>
      %swap3A_245 = arith.index_cast %scan3A_222 : i32 to index
      %swap3A_246 = arith.constant 48 : index
      %swap3A_247 = tpu.vector_load %arg11[%swap3A_245, %swap3A_246] {strides = array<i32>} : memref<32x128xf32, #tpu.memory_space<vmem>>, vector<1x16xf32>,
      %swap3A_248 = vector.shape_cast %swap3A_247 : vector<1x16xf32> to vector<16xf32>
      %swap3A_249 = vector.shape_cast %broadcast_in_dim3A_244 : vector<16xf32> to vector<1x16xf32>
      tpu.vector_store %arg11[%swap3A_245, %swap3A_246], %swap3A_249 {strides = array<i32>} : memref<32x128xf32, #tpu.memory_space<vmem>>, vector<1x16xf32>,
      %broadcast_in_dim3A_250 = arith.constant 0.000000e+00 : f32
      %broadcast_in_dim3A_251 = vector.broadcast %broadcast_in_dim3A_250 : f32 to vector<16xf32>
      %swap3A_252 = arith.index_cast %scan3A_222 : i32 to index
      %swap3A_253 = arith.constant 64 : index
      %swap3A_254 = tpu.vector_load %arg11[%swap3A_252, %swap3A_253] {strides = array<i32>} : memref<32x128xf32, #tpu.memory_space<vmem>>, vector<1x16xf32>,
      %swap3A_255 = vector.shape_cast %swap3A_254 : vector<1x16xf32> to vector<16xf32>
      %swap3A_256 = vector.shape_cast %broadcast_in_dim3A_251 : vector<16xf32> to vector<1x16xf32>
      tpu.vector_store %arg11[%swap3A_252, %swap3A_253], %swap3A_256 {strides = array<i32>} : memref<32x128xf32, #tpu.memory_space<vmem>>, vector<1x16xf32>,
      %broadcast_in_dim3A_257 = arith.constant 0.000000e+00 : f32
      %broadcast_in_dim3A_258 = vector.broadcast %broadcast_in_dim3A_257 : f32 to vector<16xf32>
      %swap3A_259 = arith.index_cast %scan3A_222 : i32 to index
      %swap3A_260 = arith.constant 80 : index
      %swap3A_261 = tpu.vector_load %arg11[%swap3A_259, %swap3A_260] {strides = array<i32>} : memref<32x128xf32, #tpu.memory_space<vmem>>, vector<1x16xf32>,
      %swap3A_262 = vector.shape_cast %swap3A_261 : vector<1x16xf32> to vector<16xf32>
      %swap3A_263 = vector.shape_cast %broadcast_in_dim3A_258 : vector<16xf32> to vector<1x16xf32>
      tpu.vector_store %arg11[%swap3A_259, %swap3A_260], %swap3A_263 {strides = array<i32>} : memref<32x128xf32, #tpu.memory_space<vmem>>, vector<1x16xf32>,
      %broadcast_in_dim3A_264 = arith.constant 0.000000e+00 : f32
      %broadcast_in_dim3A_265 = vector.broadcast %broadcast_in_dim3A_264 : f32 to vector<16xf32>
      %swap3A_266 = arith.index_cast %scan3A_222 : i32 to index
      %swap3A_267 = arith.constant 96 : index
      %swap3A_268 = tpu.vector_load %arg11[%swap3A_266, %swap3A_267] {strides = array<i32>} : memref<32x128xf32, #tpu.memory_space<vmem>>, vector<1x16xf32>,
      %swap3A_269 = vector.shape_cast %swap3A_268 : vector<1x16xf32> to vector<16xf32>
      %swap3A_270 = vector.shape_cast %broadcast_in_dim3A_265 : vector<16xf32> to vector<1x16xf32>
      tpu.vector_store %arg11[%swap3A_266, %swap3A_267], %swap3A_270 {strides = array<i32>} : memref<32x128xf32, #tpu.memory_space<vmem>>, vector<1x16xf32>,
      %broadcast_in_dim3A_271 = arith.constant 0.000000e+00 : f32
      %broadcast_in_dim3A_272 = vector.broadcast %broadcast_in_dim3A_271 : f32 to vector<16xf32>
      %swap3A_273 = arith.index_cast %scan3A_222 : i32 to index
      %swap3A_274 = arith.constant 112 : index
      %swap3A_275 = tpu.vector_load %arg11[%swap3A_273, %swap3A_274] {strides = array<i32>} : memref<32x128xf32, #tpu.memory_space<vmem>>, vector<1x16xf32>,
      %swap3A_276 = vector.shape_cast %swap3A_275 : vector<1x16xf32> to vector<16xf32>
      %swap3A_277 = vector.shape_cast %broadcast_in_dim3A_272 : vector<16xf32> to vector<1x16xf32>
      tpu.vector_store %arg11[%swap3A_273, %swap3A_274], %swap3A_277 {strides = array<i32>} : memref<32x128xf32, #tpu.memory_space<vmem>>, vector<1x16xf32>,
      %scan3A_278 = arith.constant 0 : i32
      scf.yield %scan3A_278 : i32
    }
    %scan3A_29 = arith.constant 32 : i32
    %scan3A_30 = arith.constant 0 : i32
    %scan3A_31 = arith.constant 0 : i32
    %scan3A_32 = arith.constant 20 : i32
    %scan3A_33 = arith.addi %scan3A_31, %scan3A_32 : i32
    %scan3A_34 = arith.constant 1 : i32
    %scan3A_35 = scf.for %scan3A_222 = %scan3A_31 to %scan3A_33 step %scan3A_34 iter_args(%scan3A_223 = %scan3A_30) -> (i32)  : i32 {
      %mul3A_224 = arith.constant 640 : i32
      %mul3A_225 = arith.muli %arg1, %mul3A_224 : i32
      %mul3A_226 = arith.constant 32 : i32
      %mul3A_227 = arith.muli %scan3A_222, %mul3A_226 : i32
      %add3A_228 = arith.addi %mul3A_225, %mul3A_227 : i32
      %multiple_of3A_229 = tpu.assume_multiple %add3A_228, 8 : i32
      %dma_start3A_230 = arith.constant 0 : i32
      %dma_start3A_231 = tpu.memref_slice %arg12[%multiple_of3A_229, %dma_start3A_230] : memref<10240x128xf32, #tpu.memory_space<vmem_shared>> -> memref<32x128xf32, #tpu.memory_space<vmem_shared>>
      %dma_start3A_232 = arith.constant 0 : i32
      %dma_start3A_233 = tpu.memref_slice %arg12[%multiple_of3A_229, %dma_start3A_232] : memref<10240x128xf32, #tpu.memory_space<vmem_shared>> -> memref<32x128xf32, #tpu.memory_space<vmem_shared>>
      tpu.enqueue_dma source(%arg11 : memref<32x128xf32, #tpu.memory_space<vmem>>) target(%dma_start3A_233 : memref<32x128xf32, #tpu.memory_space<vmem_shared>>) target_semaphore(%arg17 : memref<!tpu.dma_semaphore, #tpu.memory_space<semaphore_mem>>)
      %scan3A_234 = arith.constant 0 : i32
      scf.yield %scan3A_234 : i32
    }
    %scan3A_36 = arith.constant 20 : i32
    %scan3A_37 = arith.constant 0 : i32
    %scan3A_38 = arith.constant 0 : i32
    %scan3A_39 = arith.constant 20 : i32
    %scan3A_40 = arith.addi %scan3A_38, %scan3A_39 : i32
    %scan3A_41 = arith.constant 1 : i32
    %scan3A_42 = scf.for %scan3A_222 = %scan3A_38 to %scan3A_40 step %scan3A_41 iter_args(%scan3A_223 = %scan3A_37) -> (i32)  : i32 {
      %mul3A_224 = arith.constant 640 : i32
      %mul3A_225 = arith.muli %arg1, %mul3A_224 : i32
      %mul3A_226 = arith.constant 32 : i32
      %mul3A_227 = arith.muli %scan3A_222, %mul3A_226 : i32
      %add3A_228 = arith.addi %mul3A_225, %mul3A_227 : i32
      %multiple_of3A_229 = tpu.assume_multiple %add3A_228, 8 : i32
      %dma_wait3A_230 = arith.constant 0 : i32
      %dma_wait3A_231 = tpu.memref_slice %arg12[%multiple_of3A_229, %dma_wait3A_230] : memref<10240x128xf32, #tpu.memory_space<vmem_shared>> -> memref<32x128xf32, #tpu.memory_space<vmem_shared>>
      %dma_wait3A_232 = arith.constant 0 : i32
      %dma_wait3A_233 = tpu.memref_slice %arg12[%multiple_of3A_229, %dma_wait3A_232] : memref<10240x128xf32, #tpu.memory_space<vmem_shared>> -> memref<32x128xf32, #tpu.memory_space<vmem_shared>>
      tpu.wait_dma2 semaphore(%arg17 : memref<!tpu.dma_semaphore, #tpu.memory_space<semaphore_mem>>) src(%arg11 : memref<32x128xf32, #tpu.memory_space<vmem>>) dst(%dma_wait3A_233 : memref<32x128xf32, #tpu.memory_space<vmem_shared>>)
      %scan3A_234 = arith.constant 0 : i32
      scf.yield %scan3A_234 : i32
    }
    %scan3A_43 = arith.constant 20 : i32
    %dma_wait3A = arith.constant 0 : i32
    %dma_wait3A_44 = arith.constant 0 : i32
    %dma_wait3A_45 = tpu.memref_slice %arg6[%dma_wait3A, %dma_wait3A_44] : memref<63x80xi32, #tpu.memory_space<vmem>> -> memref<63x80xi32, #tpu.memory_space<vmem>>
    %dma_wait3A_46 = arith.constant 0 : i32
    %dma_wait3A_47 = arith.constant 0 : i32
    %dma_wait3A_48 = tpu.memref_slice %arg2[%dma_wait3A_46, %dma_wait3A_47] : memref<4000x80xi32, #tpu.memory_space<hbm>> -> memref<63x80xi32, #tpu.memory_space<hbm>>
    %dma_wait3A_49 = arith.constant 0 : i32
    %dma_wait3A_50 = arith.constant 0 : i32
    %dma_wait3A_51 = tpu.memref_slice %arg6[%dma_wait3A_49, %dma_wait3A_50] : memref<63x80xi32, #tpu.memory_space<vmem>> -> memref<63x80xi32, #tpu.memory_space<vmem>>
    %dma_wait3A_52 = arith.constant 0 : i32
    %dma_wait3A_53 = arith.constant 0 : i32
    %dma_wait3A_54 = tpu.memref_slice %arg2[%dma_wait3A_52, %dma_wait3A_53] : memref<4000x80xi32, #tpu.memory_space<hbm>> -> memref<63x80xi32, #tpu.memory_space<hbm>>
    tpu.wait_dma2 semaphore(%arg13 : memref<!tpu.dma_semaphore, #tpu.memory_space<semaphore_mem>>) src(%dma_wait3A_54 : memref<63x80xi32, #tpu.memory_space<hbm>>) dst(%dma_wait3A_51 : memref<63x80xi32, #tpu.memory_space<vmem>>)
    %dma_wait3A_55 = arith.constant 0 : i32
    %dma_wait3A_56 = arith.constant 0 : i32
    %dma_wait3A_57 = tpu.memref_slice %arg7[%dma_wait3A_55, %dma_wait3A_56] : memref<63x80xi32, #tpu.memory_space<vmem>> -> memref<63x80xi32, #tpu.memory_space<vmem>>
    %dma_wait3A_58 = arith.constant 0 : i32
    %dma_wait3A_59 = arith.constant 0 : i32
    %dma_wait3A_60 = tpu.memref_slice %arg3[%dma_wait3A_58, %dma_wait3A_59] : memref<4000x80xi32, #tpu.memory_space<hbm>> -> memref<63x80xi32, #tpu.memory_space<hbm>>
    %dma_wait3A_61 = arith.constant 0 : i32
    %dma_wait3A_62 = arith.constant 0 : i32
    %dma_wait3A_63 = tpu.memref_slice %arg7[%dma_wait3A_61, %dma_wait3A_62] : memref<63x80xi32, #tpu.memory_space<vmem>> -> memref<63x80xi32, #tpu.memory_space<vmem>>
    %dma_wait3A_64 = arith.constant 0 : i32
    %dma_wait3A_65 = arith.constant 0 : i32
    %dma_wait3A_66 = tpu.memref_slice %arg3[%dma_wait3A_64, %dma_wait3A_65] : memref<4000x80xi32, #tpu.memory_space<hbm>> -> memref<63x80xi32, #tpu.memory_space<hbm>>
    tpu.wait_dma2 semaphore(%arg13 : memref<!tpu.dma_semaphore, #tpu.memory_space<semaphore_mem>>) src(%dma_wait3A_66 : memref<63x80xi32, #tpu.memory_space<hbm>>) dst(%dma_wait3A_63 : memref<63x80xi32, #tpu.memory_space<vmem>>)
    %dma_start3A_67 = arith.constant 0 : i32
    %dma_start3A_68 = arith.constant 0 : i32
    %dma_start3A_69 = tpu.memref_slice %arg6[%dma_start3A_67, %dma_start3A_68] : memref<63x80xi32, #tpu.memory_space<vmem>> -> memref<1x80xi32, #tpu.memory_space<vmem>>
    %dma_start3A_70 = tpu.memref_squeeze %dma_start3A_69 : memref<1x80xi32, #tpu.memory_space<vmem>> -> memref<80xi32, #tpu.memory_space<vmem>>
    %dma_start3A_71 = arith.constant 0 : i32
    %dma_start3A_72 = arith.constant 0 : i32
    %dma_start3A_73 = tpu.memref_slice %arg4[%dma_start3A_71, %dma_start3A_72] : memref<10000x128xf32, #tpu.memory_space<hbm>> -> memref<10000x128xf32, #tpu.memory_space<hbm>>
    tpu.enqueue_indirect_dma source(%dma_start3A_73 : memref<10000x128xf32, #tpu.memory_space<hbm>>) target(%arg8 : memref<80x128xf32, #tpu.memory_space<vmem>>) offsets(%dma_start3A_70 : memref<80xi32, #tpu.memory_space<vmem>>) semaphore(%arg14 : memref<!tpu.dma_semaphore, #tpu.memory_space<semaphore_mem>>)
    %dma_start3A_74 = arith.constant 1 : i32
    %dma_start3A_75 = arith.constant 0 : i32
    %dma_start3A_76 = tpu.memref_slice %arg6[%dma_start3A_74, %dma_start3A_75] : memref<63x80xi32, #tpu.memory_space<vmem>> -> memref<1x80xi32, #tpu.memory_space<vmem>>
    %dma_start3A_77 = tpu.memref_squeeze %dma_start3A_76 : memref<1x80xi32, #tpu.memory_space<vmem>> -> memref<80xi32, #tpu.memory_space<vmem>>
    %dma_start3A_78 = arith.constant 0 : i32
    %dma_start3A_79 = arith.constant 0 : i32
    %dma_start3A_80 = tpu.memref_slice %arg4[%dma_start3A_78, %dma_start3A_79] : memref<10000x128xf32, #tpu.memory_space<hbm>> -> memref<10000x128xf32, #tpu.memory_space<hbm>>
    tpu.enqueue_indirect_dma source(%dma_start3A_80 : memref<10000x128xf32, #tpu.memory_space<hbm>>) target(%arg9 : memref<80x128xf32, #tpu.memory_space<vmem>>) offsets(%dma_start3A_77 : memref<80xi32, #tpu.memory_space<vmem>>) semaphore(%arg15 : memref<!tpu.dma_semaphore, #tpu.memory_space<semaphore_mem>>)
    %dma_start3A_81 = arith.constant 2 : i32
    %dma_start3A_82 = arith.constant 0 : i32
    %dma_start3A_83 = tpu.memref_slice %arg6[%dma_start3A_81, %dma_start3A_82] : memref<63x80xi32, #tpu.memory_space<vmem>> -> memref<1x80xi32, #tpu.memory_space<vmem>>
    %dma_start3A_84 = tpu.memref_squeeze %dma_start3A_83 : memref<1x80xi32, #tpu.memory_space<vmem>> -> memref<80xi32, #tpu.memory_space<vmem>>
    %dma_start3A_85 = arith.constant 0 : i32
    %dma_start3A_86 = arith.constant 0 : i32
    %dma_start3A_87 = tpu.memref_slice %arg4[%dma_start3A_85, %dma_start3A_86] : memref<10000x128xf32, #tpu.memory_space<hbm>> -> memref<10000x128xf32, #tpu.memory_space<hbm>>
    tpu.enqueue_indirect_dma source(%dma_start3A_87 : memref<10000x128xf32, #tpu.memory_space<hbm>>) target(%arg10 : memref<80x128xf32, #tpu.memory_space<vmem>>) offsets(%dma_start3A_84 : memref<80xi32, #tpu.memory_space<vmem>>) semaphore(%arg16 : memref<!tpu.dma_semaphore, #tpu.memory_space<semaphore_mem>>)
    %barrier3A = arith.constant 0 : index
    tpu.barrier barrier_id(%barrier3A)
    %scan3A_88 = arith.constant 0 : i32
    %scan3A_89 = arith.constant 0 : i32
    %scan3A_90 = arith.constant 21 : i32
    %scan3A_91 = arith.addi %scan3A_89, %scan3A_90 : i32
    %scan3A_92 = arith.constant 1 : i32
    %scan3A_93 = scf.for %scan3A_222 = %scan3A_89 to %scan3A_91 step %scan3A_92 iter_args(%scan3A_223 = %scan3A_88) -> (i32)  : i32 {
      %mul3A_224 = arith.constant 3 : i32
      %mul3A_225 = arith.muli %scan3A_222, %mul3A_224 : i32
      %add3A_226 = arith.constant 0 : i32
      %add3A_227 = arith.addi %mul3A_225, %add3A_226 : i32
      %dma_wait3A_228 = arith.constant 0 : i32
      %dma_wait3A_229 = tpu.memref_slice %arg6[%add3A_227, %dma_wait3A_228] : memref<63x80xi32, #tpu.memory_space<vmem>> -> memref<1x80xi32, #tpu.memory_space<vmem>>
      %dma_wait3A_230 = tpu.memref_squeeze %dma_wait3A_229 : memref<1x80xi32, #tpu.memory_space<vmem>> -> memref<80xi32, #tpu.memory_space<vmem>>
      %dma_wait3A_231 = arith.constant 0 : i32
      %dma_wait3A_232 = arith.constant 0 : i32
      %dma_wait3A_233 = tpu.memref_slice %arg4[%dma_wait3A_231, %dma_wait3A_232] : memref<10000x128xf32, #tpu.memory_space<hbm>> -> memref<10000x128xf32, #tpu.memory_space<hbm>>
      tpu.wait_indirect_dma semaphore(%arg14 : memref<!tpu.dma_semaphore, #tpu.memory_space<semaphore_mem>>) src(%dma_wait3A_233 : memref<10000x128xf32, #tpu.memory_space<hbm>>) dst(%arg8 : memref<80x128xf32, #tpu.memory_space<vmem>>)
      %dma_start3A_234 = arith.constant 0 : i32
      %dma_start3A_235 = tpu.memref_slice %arg7[%add3A_227, %dma_start3A_234] : memref<63x80xi32, #tpu.memory_space<vmem>> -> memref<1x80xi32, #tpu.memory_space<vmem>>
      %dma_start3A_236 = tpu.memref_squeeze %dma_start3A_235 : memref<1x80xi32, #tpu.memory_space<vmem>> -> memref<80xi32, #tpu.memory_space<vmem>>
      %dma_start3A_237 = arith.constant 0 : i32
      %dma_start3A_238 = arith.constant 0 : i32
      %dma_start3A_239 = tpu.memref_slice %arg12[%dma_start3A_237, %dma_start3A_238] : memref<10240x128xf32, #tpu.memory_space<vmem_shared>> -> memref<10240x128xf32, #tpu.memory_space<vmem_shared>>
      tpu.enqueue_indirect_dma source(%arg8 : memref<80x128xf32, #tpu.memory_space<vmem>>) target(%dma_start3A_239 : memref<10240x128xf32, #tpu.memory_space<vmem_shared>>) offsets(%dma_start3A_236 : memref<80xi32, #tpu.memory_space<vmem>>) semaphore(%arg17 : memref<!tpu.dma_semaphore, #tpu.memory_space<semaphore_mem>>) {add = true}
      %dma_wait3A_240 = arith.constant 0 : i32
      %dma_wait3A_241 = tpu.memref_slice %arg7[%add3A_227, %dma_wait3A_240] : memref<63x80xi32, #tpu.memory_space<vmem>> -> memref<1x80xi32, #tpu.memory_space<vmem>>
      %dma_wait3A_242 = tpu.memref_squeeze %dma_wait3A_241 : memref<1x80xi32, #tpu.memory_space<vmem>> -> memref<80xi32, #tpu.memory_space<vmem>>
      %dma_wait3A_243 = arith.constant 0 : i32
      %dma_wait3A_244 = arith.constant 0 : i32
      %dma_wait3A_245 = tpu.memref_slice %arg12[%dma_wait3A_243, %dma_wait3A_244] : memref<10240x128xf32, #tpu.memory_space<vmem_shared>> -> memref<10240x128xf32, #tpu.memory_space<vmem_shared>>
      tpu.wait_indirect_dma semaphore(%arg17 : memref<!tpu.dma_semaphore, #tpu.memory_space<semaphore_mem>>) src(%arg8 : memref<80x128xf32, #tpu.memory_space<vmem>>) dst(%dma_wait3A_245 : memref<10240x128xf32, #tpu.memory_space<vmem_shared>>)
      %add3A_246 = arith.constant 3 : i32
      %add3A_247 = arith.addi %add3A_227, %add3A_246 : i32
      %lt3A = arith.constant 63 : i32
      %lt3A_248 = arith.cmpi slt, %add3A_247, %lt3A : i32
      %convert_element_type3A = arith.extui %lt3A_248 : i1 to i32
      %cond3A = arith.constant 0 : i32
      %cond3A_249 = arith.cmpi ne, %convert_element_type3A, %cond3A : i32
      scf.if %cond3A_249 {
        %add3A_309 = arith.constant 3 : i32
        %add3A_310 = arith.addi %add3A_227, %add3A_309 : i32
        %dma_start3A_311 = arith.constant 0 : i32
        %dma_start3A_312 = tpu.memref_slice %arg6[%add3A_310, %dma_start3A_311] : memref<63x80xi32, #tpu.memory_space<vmem>> -> memref<1x80xi32, #tpu.memory_space<vmem>>
        %dma_start3A_313 = tpu.memref_squeeze %dma_start3A_312 : memref<1x80xi32, #tpu.memory_space<vmem>> -> memref<80xi32, #tpu.memory_space<vmem>>
        %dma_start3A_314 = arith.constant 0 : i32
        %dma_start3A_315 = arith.constant 0 : i32
        %dma_start3A_316 = tpu.memref_slice %arg4[%dma_start3A_314, %dma_start3A_315] : memref<10000x128xf32, #tpu.memory_space<hbm>> -> memref<10000x128xf32, #tpu.memory_space<hbm>>
        tpu.enqueue_indirect_dma source(%dma_start3A_316 : memref<10000x128xf32, #tpu.memory_space<hbm>>) target(%arg8 : memref<80x128xf32, #tpu.memory_space<vmem>>) offsets(%dma_start3A_313 : memref<80xi32, #tpu.memory_space<vmem>>) semaphore(%arg14 : memref<!tpu.dma_semaphore, #tpu.memory_space<semaphore_mem>>)
      } else {
      }
      %mul3A_250 = arith.constant 3 : i32
      %mul3A_251 = arith.muli %scan3A_222, %mul3A_250 : i32
      %add3A_252 = arith.constant 1 : i32
      %add3A_253 = arith.addi %mul3A_251, %add3A_252 : i32
      %dma_wait3A_254 = arith.constant 0 : i32
      %dma_wait3A_255 = tpu.memref_slice %arg6[%add3A_253, %dma_wait3A_254] : memref<63x80xi32, #tpu.memory_space<vmem>> -> memref<1x80xi32, #tpu.memory_space<vmem>>
      %dma_wait3A_256 = tpu.memref_squeeze %dma_wait3A_255 : memref<1x80xi32, #tpu.memory_space<vmem>> -> memref<80xi32, #tpu.memory_space<vmem>>
      %dma_wait3A_257 = arith.constant 0 : i32
      %dma_wait3A_258 = arith.constant 0 : i32
      %dma_wait3A_259 = tpu.memref_slice %arg4[%dma_wait3A_257, %dma_wait3A_258] : memref<10000x128xf32, #tpu.memory_space<hbm>> -> memref<10000x128xf32, #tpu.memory_space<hbm>>
      tpu.wait_indirect_dma semaphore(%arg15 : memref<!tpu.dma_semaphore, #tpu.memory_space<semaphore_mem>>) src(%dma_wait3A_259 : memref<10000x128xf32, #tpu.memory_space<hbm>>) dst(%arg9 : memref<80x128xf32, #tpu.memory_space<vmem>>)
      %dma_start3A_260 = arith.constant 0 : i32
      %dma_start3A_261 = tpu.memref_slice %arg7[%add3A_253, %dma_start3A_260] : memref<63x80xi32, #tpu.memory_space<vmem>> -> memref<1x80xi32, #tpu.memory_space<vmem>>
      %dma_start3A_262 = tpu.memref_squeeze %dma_start3A_261 : memref<1x80xi32, #tpu.memory_space<vmem>> -> memref<80xi32, #tpu.memory_space<vmem>>
      %dma_start3A_263 = arith.constant 0 : i32
      %dma_start3A_264 = arith.constant 0 : i32
      %dma_start3A_265 = tpu.memref_slice %arg12[%dma_start3A_263, %dma_start3A_264] : memref<10240x128xf32, #tpu.memory_space<vmem_shared>> -> memref<10240x128xf32, #tpu.memory_space<vmem_shared>>
      tpu.enqueue_indirect_dma source(%arg9 : memref<80x128xf32, #tpu.memory_space<vmem>>) target(%dma_start3A_265 : memref<10240x128xf32, #tpu.memory_space<vmem_shared>>) offsets(%dma_start3A_262 : memref<80xi32, #tpu.memory_space<vmem>>) semaphore(%arg18 : memref<!tpu.dma_semaphore, #tpu.memory_space<semaphore_mem>>) {add = true}
      %dma_wait3A_266 = arith.constant 0 : i32
      %dma_wait3A_267 = tpu.memref_slice %arg7[%add3A_253, %dma_wait3A_266] : memref<63x80xi32, #tpu.memory_space<vmem>> -> memref<1x80xi32, #tpu.memory_space<vmem>>
      %dma_wait3A_268 = tpu.memref_squeeze %dma_wait3A_267 : memref<1x80xi32, #tpu.memory_space<vmem>> -> memref<80xi32, #tpu.memory_space<vmem>>
      %dma_wait3A_269 = arith.constant 0 : i32
      %dma_wait3A_270 = arith.constant 0 : i32
      %dma_wait3A_271 = tpu.memref_slice %arg12[%dma_wait3A_269, %dma_wait3A_270] : memref<10240x128xf32, #tpu.memory_space<vmem_shared>> -> memref<10240x128xf32, #tpu.memory_space<vmem_shared>>
      tpu.wait_indirect_dma semaphore(%arg18 : memref<!tpu.dma_semaphore, #tpu.memory_space<semaphore_mem>>) src(%arg9 : memref<80x128xf32, #tpu.memory_space<vmem>>) dst(%dma_wait3A_271 : memref<10240x128xf32, #tpu.memory_space<vmem_shared>>)
      %add3A_272 = arith.constant 3 : i32
      %add3A_273 = arith.addi %add3A_253, %add3A_272 : i32
      %lt3A_274 = arith.constant 63 : i32
      %lt3A_275 = arith.cmpi slt, %add3A_273, %lt3A_274 : i32
      %convert_element_type3A_276 = arith.extui %lt3A_275 : i1 to i32
      %cond3A_277 = arith.constant 0 : i32
      %cond3A_278 = arith.cmpi ne, %convert_element_type3A_276, %cond3A_277 : i32
      scf.if %cond3A_278 {
        %add3A_309 = arith.constant 3 : i32
        %add3A_310 = arith.addi %add3A_253, %add3A_309 : i32
        %dma_start3A_311 = arith.constant 0 : i32
        %dma_start3A_312 = tpu.memref_slice %arg6[%add3A_310, %dma_start3A_311] : memref<63x80xi32, #tpu.memory_space<vmem>> -> memref<1x80xi32, #tpu.memory_space<vmem>>
        %dma_start3A_313 = tpu.memref_squeeze %dma_start3A_312 : memref<1x80xi32, #tpu.memory_space<vmem>> -> memref<80xi32, #tpu.memory_space<vmem>>
        %dma_start3A_314 = arith.constant 0 : i32
        %dma_start3A_315 = arith.constant 0 : i32
        %dma_start3A_316 = tpu.memref_slice %arg4[%dma_start3A_314, %dma_start3A_315] : memref<10000x128xf32, #tpu.memory_space<hbm>> -> memref<10000x128xf32, #tpu.memory_space<hbm>>
        tpu.enqueue_indirect_dma source(%dma_start3A_316 : memref<10000x128xf32, #tpu.memory_space<hbm>>) target(%arg9 : memref<80x128xf32, #tpu.memory_space<vmem>>) offsets(%dma_start3A_313 : memref<80xi32, #tpu.memory_space<vmem>>) semaphore(%arg15 : memref<!tpu.dma_semaphore, #tpu.memory_space<semaphore_mem>>)
      } else {
      }
      %mul3A_279 = arith.constant 3 : i32
      %mul3A_280 = arith.muli %scan3A_222, %mul3A_279 : i32
      %add3A_281 = arith.constant 2 : i32
      %add3A_282 = arith.addi %mul3A_280, %add3A_281 : i32
      %dma_wait3A_283 = arith.constant 0 : i32
      %dma_wait3A_284 = tpu.memref_slice %arg6[%add3A_282, %dma_wait3A_283] : memref<63x80xi32, #tpu.memory_space<vmem>> -> memref<1x80xi32, #tpu.memory_space<vmem>>
      %dma_wait3A_285 = tpu.memref_squeeze %dma_wait3A_284 : memref<1x80xi32, #tpu.memory_space<vmem>> -> memref<80xi32, #tpu.memory_space<vmem>>
      %dma_wait3A_286 = arith.constant 0 : i32
      %dma_wait3A_287 = arith.constant 0 : i32
      %dma_wait3A_288 = tpu.memref_slice %arg4[%dma_wait3A_286, %dma_wait3A_287] : memref<10000x128xf32, #tpu.memory_space<hbm>> -> memref<10000x128xf32, #tpu.memory_space<hbm>>
      tpu.wait_indirect_dma semaphore(%arg16 : memref<!tpu.dma_semaphore, #tpu.memory_space<semaphore_mem>>) src(%dma_wait3A_288 : memref<10000x128xf32, #tpu.memory_space<hbm>>) dst(%arg10 : memref<80x128xf32, #tpu.memory_space<vmem>>)
      %dma_start3A_289 = arith.constant 0 : i32
      %dma_start3A_290 = tpu.memref_slice %arg7[%add3A_282, %dma_start3A_289] : memref<63x80xi32, #tpu.memory_space<vmem>> -> memref<1x80xi32, #tpu.memory_space<vmem>>
      %dma_start3A_291 = tpu.memref_squeeze %dma_start3A_290 : memref<1x80xi32, #tpu.memory_space<vmem>> -> memref<80xi32, #tpu.memory_space<vmem>>
      %dma_start3A_292 = arith.constant 0 : i32
      %dma_start3A_293 = arith.constant 0 : i32
      %dma_start3A_294 = tpu.memref_slice %arg12[%dma_start3A_292, %dma_start3A_293] : memref<10240x128xf32, #tpu.memory_space<vmem_shared>> -> memref<10240x128xf32, #tpu.memory_space<vmem_shared>>
      tpu.enqueue_indirect_dma source(%arg10 : memref<80x128xf32, #tpu.memory_space<vmem>>) target(%dma_start3A_294 : memref<10240x128xf32, #tpu.memory_space<vmem_shared>>) offsets(%dma_start3A_291 : memref<80xi32, #tpu.memory_space<vmem>>) semaphore(%arg19 : memref<!tpu.dma_semaphore, #tpu.memory_space<semaphore_mem>>) {add = true}
      %dma_wait3A_295 = arith.constant 0 : i32
      %dma_wait3A_296 = tpu.memref_slice %arg7[%add3A_282, %dma_wait3A_295] : memref<63x80xi32, #tpu.memory_space<vmem>> -> memref<1x80xi32, #tpu.memory_space<vmem>>
      %dma_wait3A_297 = tpu.memref_squeeze %dma_wait3A_296 : memref<1x80xi32, #tpu.memory_space<vmem>> -> memref<80xi32, #tpu.memory_space<vmem>>
      %dma_wait3A_298 = arith.constant 0 : i32
      %dma_wait3A_299 = arith.constant 0 : i32
      %dma_wait3A_300 = tpu.memref_slice %arg12[%dma_wait3A_298, %dma_wait3A_299] : memref<10240x128xf32, #tpu.memory_space<vmem_shared>> -> memref<10240x128xf32, #tpu.memory_space<vmem_shared>>
      tpu.wait_indirect_dma semaphore(%arg19 : memref<!tpu.dma_semaphore, #tpu.memory_space<semaphore_mem>>) src(%arg10 : memref<80x128xf32, #tpu.memory_space<vmem>>) dst(%dma_wait3A_300 : memref<10240x128xf32, #tpu.memory_space<vmem_shared>>)
      %add3A_301 = arith.constant 3 : i32
      %add3A_302 = arith.addi %add3A_282, %add3A_301 : i32
      %lt3A_303 = arith.constant 63 : i32
      %lt3A_304 = arith.cmpi slt, %add3A_302, %lt3A_303 : i32
      %convert_element_type3A_305 = arith.extui %lt3A_304 : i1 to i32
      %cond3A_306 = arith.constant 0 : i32
      %cond3A_307 = arith.cmpi ne, %convert_element_type3A_305, %cond3A_306 : i32
      scf.if %cond3A_307 {
        %add3A_309 = arith.constant 3 : i32
        %add3A_310 = arith.addi %add3A_282, %add3A_309 : i32
        %dma_start3A_311 = arith.constant 0 : i32
        %dma_start3A_312 = tpu.memref_slice %arg6[%add3A_310, %dma_start3A_311] : memref<63x80xi32, #tpu.memory_space<vmem>> -> memref<1x80xi32, #tpu.memory_space<vmem>>
        %dma_start3A_313 = tpu.memref_squeeze %dma_start3A_312 : memref<1x80xi32, #tpu.memory_space<vmem>> -> memref<80xi32, #tpu.memory_space<vmem>>
        %dma_start3A_314 = arith.constant 0 : i32
        %dma_start3A_315 = arith.constant 0 : i32
        %dma_start3A_316 = tpu.memref_slice %arg4[%dma_start3A_314, %dma_start3A_315] : memref<10000x128xf32, #tpu.memory_space<hbm>> -> memref<10000x128xf32, #tpu.memory_space<hbm>>
        tpu.enqueue_indirect_dma source(%dma_start3A_316 : memref<10000x128xf32, #tpu.memory_space<hbm>>) target(%arg10 : memref<80x128xf32, #tpu.memory_space<vmem>>) offsets(%dma_start3A_313 : memref<80xi32, #tpu.memory_space<vmem>>) semaphore(%arg16 : memref<!tpu.dma_semaphore, #tpu.memory_space<semaphore_mem>>)
      } else {
      }
      %scan3A_308 = arith.constant 0 : i32
      scf.yield %scan3A_308 : i32
    }
    %scan3A_94 = arith.constant 21 : i32
    %mul3A_95 = arith.constant 125 : i32
    %mul3A_96 = arith.muli %add3A, %mul3A_95 : i32
    %add3A_97 = arith.constant 63 : i32
    %add3A_98 = arith.addi %mul3A_96, %add3A_97 : i32
    %dma_start3A_99 = arith.constant 0 : i32
    %dma_start3A_100 = arith.constant 0 : i32
    %dma_start3A_101 = tpu.memref_slice %arg6[%dma_start3A_99, %dma_start3A_100] : memref<63x80xi32, #tpu.memory_space<vmem>> -> memref<62x80xi32, #tpu.memory_space<vmem>>
    %dma_start3A_102 = arith.constant 0 : i32
    %dma_start3A_103 = tpu.memref_slice %arg2[%add3A_98, %dma_start3A_102] : memref<4000x80xi32, #tpu.memory_space<hbm>> -> memref<62x80xi32, #tpu.memory_space<hbm>>
    %dma_start3A_104 = arith.constant 0 : i32
    %dma_start3A_105 = arith.constant 0 : i32
    %dma_start3A_106 = tpu.memref_slice %arg6[%dma_start3A_104, %dma_start3A_105] : memref<63x80xi32, #tpu.memory_space<vmem>> -> memref<62x80xi32, #tpu.memory_space<vmem>>
    %dma_start3A_107 = arith.constant 0 : i32
    %dma_start3A_108 = tpu.memref_slice %arg2[%add3A_98, %dma_start3A_107] : memref<4000x80xi32, #tpu.memory_space<hbm>> -> memref<62x80xi32, #tpu.memory_space<hbm>>
    tpu.enqueue_dma source(%dma_start3A_108 : memref<62x80xi32, #tpu.memory_space<hbm>>) target(%dma_start3A_106 : memref<62x80xi32, #tpu.memory_space<vmem>>) target_semaphore(%arg13 : memref<!tpu.dma_semaphore, #tpu.memory_space<semaphore_mem>>)
    %dma_start3A_109 = arith.constant 0 : i32
    %dma_start3A_110 = arith.constant 0 : i32
    %dma_start3A_111 = tpu.memref_slice %arg7[%dma_start3A_109, %dma_start3A_110] : memref<63x80xi32, #tpu.memory_space<vmem>> -> memref<62x80xi32, #tpu.memory_space<vmem>>
    %dma_start3A_112 = arith.constant 0 : i32
    %dma_start3A_113 = tpu.memref_slice %arg3[%add3A_98, %dma_start3A_112] : memref<4000x80xi32, #tpu.memory_space<hbm>> -> memref<62x80xi32, #tpu.memory_space<hbm>>
    %dma_start3A_114 = arith.constant 0 : i32
    %dma_start3A_115 = arith.constant 0 : i32
    %dma_start3A_116 = tpu.memref_slice %arg7[%dma_start3A_114, %dma_start3A_115] : memref<63x80xi32, #tpu.memory_space<vmem>> -> memref<62x80xi32, #tpu.memory_space<vmem>>
    %dma_start3A_117 = arith.constant 0 : i32
    %dma_start3A_118 = tpu.memref_slice %arg3[%add3A_98, %dma_start3A_117] : memref<4000x80xi32, #tpu.memory_space<hbm>> -> memref<62x80xi32, #tpu.memory_space<hbm>>
    tpu.enqueue_dma source(%dma_start3A_118 : memref<62x80xi32, #tpu.memory_space<hbm>>) target(%dma_start3A_116 : memref<62x80xi32, #tpu.memory_space<vmem>>) target_semaphore(%arg13 : memref<!tpu.dma_semaphore, #tpu.memory_space<semaphore_mem>>)
    %dma_wait3A_119 = arith.constant 0 : i32
    %dma_wait3A_120 = arith.constant 0 : i32
    %dma_wait3A_121 = tpu.memref_slice %arg6[%dma_wait3A_119, %dma_wait3A_120] : memref<63x80xi32, #tpu.memory_space<vmem>> -> memref<62x80xi32, #tpu.memory_space<vmem>>
    %dma_wait3A_122 = arith.constant 0 : i32
    %dma_wait3A_123 = arith.constant 0 : i32
    %dma_wait3A_124 = tpu.memref_slice %arg2[%dma_wait3A_122, %dma_wait3A_123] : memref<4000x80xi32, #tpu.memory_space<hbm>> -> memref<62x80xi32, #tpu.memory_space<hbm>>
    %dma_wait3A_125 = arith.constant 0 : i32
    %dma_wait3A_126 = arith.constant 0 : i32
    %dma_wait3A_127 = tpu.memref_slice %arg6[%dma_wait3A_125, %dma_wait3A_126] : memref<63x80xi32, #tpu.memory_space<vmem>> -> memref<62x80xi32, #tpu.memory_space<vmem>>
    %dma_wait3A_128 = arith.constant 0 : i32
    %dma_wait3A_129 = arith.constant 0 : i32
    %dma_wait3A_130 = tpu.memref_slice %arg2[%dma_wait3A_128, %dma_wait3A_129] : memref<4000x80xi32, #tpu.memory_space<hbm>> -> memref<62x80xi32, #tpu.memory_space<hbm>>
    tpu.wait_dma2 semaphore(%arg13 : memref<!tpu.dma_semaphore, #tpu.memory_space<semaphore_mem>>) src(%dma_wait3A_130 : memref<62x80xi32, #tpu.memory_space<hbm>>) dst(%dma_wait3A_127 : memref<62x80xi32, #tpu.memory_space<vmem>>)
    %dma_wait3A_131 = arith.constant 0 : i32
    %dma_wait3A_132 = arith.constant 0 : i32
    %dma_wait3A_133 = tpu.memref_slice %arg7[%dma_wait3A_131, %dma_wait3A_132] : memref<63x80xi32, #tpu.memory_space<vmem>> -> memref<62x80xi32, #tpu.memory_space<vmem>>
    %dma_wait3A_134 = arith.constant 0 : i32
    %dma_wait3A_135 = arith.constant 0 : i32
    %dma_wait3A_136 = tpu.memref_slice %arg3[%dma_wait3A_134, %dma_wait3A_135] : memref<4000x80xi32, #tpu.memory_space<hbm>> -> memref<62x80xi32, #tpu.memory_space<hbm>>
    %dma_wait3A_137 = arith.constant 0 : i32
    %dma_wait3A_138 = arith.constant 0 : i32
    %dma_wait3A_139 = tpu.memref_slice %arg7[%dma_wait3A_137, %dma_wait3A_138] : memref<63x80xi32, #tpu.memory_space<vmem>> -> memref<62x80xi32, #tpu.memory_space<vmem>>
    %dma_wait3A_140 = arith.constant 0 : i32
    %dma_wait3A_141 = arith.constant 0 : i32
    %dma_wait3A_142 = tpu.memref_slice %arg3[%dma_wait3A_140, %dma_wait3A_141] : memref<4000x80xi32, #tpu.memory_space<hbm>> -> memref<62x80xi32, #tpu.memory_space<hbm>>
    tpu.wait_dma2 semaphore(%arg13 : memref<!tpu.dma_semaphore, #tpu.memory_space<semaphore_mem>>) src(%dma_wait3A_142 : memref<62x80xi32, #tpu.memory_space<hbm>>) dst(%dma_wait3A_139 : memref<62x80xi32, #tpu.memory_space<vmem>>)
    %dma_start3A_143 = arith.constant 0 : i32
    %dma_start3A_144 = arith.constant 0 : i32
    %dma_start3A_145 = tpu.memref_slice %arg6[%dma_start3A_143, %dma_start3A_144] : memref<63x80xi32, #tpu.memory_space<vmem>> -> memref<1x80xi32, #tpu.memory_space<vmem>>
    %dma_start3A_146 = tpu.memref_squeeze %dma_start3A_145 : memref<1x80xi32, #tpu.memory_space<vmem>> -> memref<80xi32, #tpu.memory_space<vmem>>
    %dma_start3A_147 = arith.constant 0 : i32
    %dma_start3A_148 = arith.constant 0 : i32
    %dma_start3A_149 = tpu.memref_slice %arg4[%dma_start3A_147, %dma_start3A_148] : memref<10000x128xf32, #tpu.memory_space<hbm>> -> memref<10000x128xf32, #tpu.memory_space<hbm>>
    tpu.enqueue_indirect_dma source(%dma_start3A_149 : memref<10000x128xf32, #tpu.memory_space<hbm>>) target(%arg8 : memref<80x128xf32, #tpu.memory_space<vmem>>) offsets(%dma_start3A_146 : memref<80xi32, #tpu.memory_space<vmem>>) semaphore(%arg14 : memref<!tpu.dma_semaphore, #tpu.memory_space<semaphore_mem>>)
    %dma_start3A_150 = arith.constant 1 : i32
    %dma_start3A_151 = arith.constant 0 : i32
    %dma_start3A_152 = tpu.memref_slice %arg6[%dma_start3A_150, %dma_start3A_151] : memref<63x80xi32, #tpu.memory_space<vmem>> -> memref<1x80xi32, #tpu.memory_space<vmem>>
    %dma_start3A_153 = tpu.memref_squeeze %dma_start3A_152 : memref<1x80xi32, #tpu.memory_space<vmem>> -> memref<80xi32, #tpu.memory_space<vmem>>
    %dma_start3A_154 = arith.constant 0 : i32
    %dma_start3A_155 = arith.constant 0 : i32
    %dma_start3A_156 = tpu.memref_slice %arg4[%dma_start3A_154, %dma_start3A_155] : memref<10000x128xf32, #tpu.memory_space<hbm>> -> memref<10000x128xf32, #tpu.memory_space<hbm>>
    tpu.enqueue_indirect_dma source(%dma_start3A_156 : memref<10000x128xf32, #tpu.memory_space<hbm>>) target(%arg9 : memref<80x128xf32, #tpu.memory_space<vmem>>) offsets(%dma_start3A_153 : memref<80xi32, #tpu.memory_space<vmem>>) semaphore(%arg15 : memref<!tpu.dma_semaphore, #tpu.memory_space<semaphore_mem>>)
    %dma_start3A_157 = arith.constant 2 : i32
    %dma_start3A_158 = arith.constant 0 : i32
    %dma_start3A_159 = tpu.memref_slice %arg6[%dma_start3A_157, %dma_start3A_158] : memref<63x80xi32, #tpu.memory_space<vmem>> -> memref<1x80xi32, #tpu.memory_space<vmem>>
    %dma_start3A_160 = tpu.memref_squeeze %dma_start3A_159 : memref<1x80xi32, #tpu.memory_space<vmem>> -> memref<80xi32, #tpu.memory_space<vmem>>
    %dma_start3A_161 = arith.constant 0 : i32
    %dma_start3A_162 = arith.constant 0 : i32
    %dma_start3A_163 = tpu.memref_slice %arg4[%dma_start3A_161, %dma_start3A_162] : memref<10000x128xf32, #tpu.memory_space<hbm>> -> memref<10000x128xf32, #tpu.memory_space<hbm>>
    tpu.enqueue_indirect_dma source(%dma_start3A_163 : memref<10000x128xf32, #tpu.memory_space<hbm>>) target(%arg10 : memref<80x128xf32, #tpu.memory_space<vmem>>) offsets(%dma_start3A_160 : memref<80xi32, #tpu.memory_space<vmem>>) semaphore(%arg16 : memref<!tpu.dma_semaphore, #tpu.memory_space<semaphore_mem>>)
    %scan3A_164 = arith.constant 0 : i32
    %scan3A_165 = arith.constant 0 : i32
    %scan3A_166 = arith.constant 20 : i32
    %scan3A_167 = arith.addi %scan3A_165, %scan3A_166 : i32
    %scan3A_168 = arith.constant 1 : i32
    %scan3A_169 = scf.for %scan3A_222 = %scan3A_165 to %scan3A_167 step %scan3A_168 iter_args(%scan3A_223 = %scan3A_164) -> (i32)  : i32 {
      %mul3A_224 = arith.constant 3 : i32
      %mul3A_225 = arith.muli %scan3A_222, %mul3A_224 : i32
      %add3A_226 = arith.constant 0 : i32
      %add3A_227 = arith.addi %mul3A_225, %add3A_226 : i32
      %dma_wait3A_228 = arith.constant 0 : i32
      %dma_wait3A_229 = tpu.memref_slice %arg6[%add3A_227, %dma_wait3A_228] : memref<63x80xi32, #tpu.memory_space<vmem>> -> memref<1x80xi32, #tpu.memory_space<vmem>>
      %dma_wait3A_230 = tpu.memref_squeeze %dma_wait3A_229 : memref<1x80xi32, #tpu.memory_space<vmem>> -> memref<80xi32, #tpu.memory_space<vmem>>
      %dma_wait3A_231 = arith.constant 0 : i32
      %dma_wait3A_232 = arith.constant 0 : i32
      %dma_wait3A_233 = tpu.memref_slice %arg4[%dma_wait3A_231, %dma_wait3A_232] : memref<10000x128xf32, #tpu.memory_space<hbm>> -> memref<10000x128xf32, #tpu.memory_space<hbm>>
      tpu.wait_indirect_dma semaphore(%arg14 : memref<!tpu.dma_semaphore, #tpu.memory_space<semaphore_mem>>) src(%dma_wait3A_233 : memref<10000x128xf32, #tpu.memory_space<hbm>>) dst(%arg8 : memref<80x128xf32, #tpu.memory_space<vmem>>)
      %dma_start3A_234 = arith.constant 0 : i32
      %dma_start3A_235 = tpu.memref_slice %arg7[%add3A_227, %dma_start3A_234] : memref<63x80xi32, #tpu.memory_space<vmem>> -> memref<1x80xi32, #tpu.memory_space<vmem>>
      %dma_start3A_236 = tpu.memref_squeeze %dma_start3A_235 : memref<1x80xi32, #tpu.memory_space<vmem>> -> memref<80xi32, #tpu.memory_space<vmem>>
      %dma_start3A_237 = arith.constant 0 : i32
      %dma_start3A_238 = arith.constant 0 : i32
      %dma_start3A_239 = tpu.memref_slice %arg12[%dma_start3A_237, %dma_start3A_238] : memref<10240x128xf32, #tpu.memory_space<vmem_shared>> -> memref<10240x128xf32, #tpu.memory_space<vmem_shared>>
      tpu.enqueue_indirect_dma source(%arg8 : memref<80x128xf32, #tpu.memory_space<vmem>>) target(%dma_start3A_239 : memref<10240x128xf32, #tpu.memory_space<vmem_shared>>) offsets(%dma_start3A_236 : memref<80xi32, #tpu.memory_space<vmem>>) semaphore(%arg17 : memref<!tpu.dma_semaphore, #tpu.memory_space<semaphore_mem>>) {add = true}
      %dma_wait3A_240 = arith.constant 0 : i32
      %dma_wait3A_241 = tpu.memref_slice %arg7[%add3A_227, %dma_wait3A_240] : memref<63x80xi32, #tpu.memory_space<vmem>> -> memref<1x80xi32, #tpu.memory_space<vmem>>
      %dma_wait3A_242 = tpu.memref_squeeze %dma_wait3A_241 : memref<1x80xi32, #tpu.memory_space<vmem>> -> memref<80xi32, #tpu.memory_space<vmem>>
      %dma_wait3A_243 = arith.constant 0 : i32
      %dma_wait3A_244 = arith.constant 0 : i32
      %dma_wait3A_245 = tpu.memref_slice %arg12[%dma_wait3A_243, %dma_wait3A_244] : memref<10240x128xf32, #tpu.memory_space<vmem_shared>> -> memref<10240x128xf32, #tpu.memory_space<vmem_shared>>
      tpu.wait_indirect_dma semaphore(%arg17 : memref<!tpu.dma_semaphore, #tpu.memory_space<semaphore_mem>>) src(%arg8 : memref<80x128xf32, #tpu.memory_space<vmem>>) dst(%dma_wait3A_245 : memref<10240x128xf32, #tpu.memory_space<vmem_shared>>)
      %add3A_246 = arith.constant 3 : i32
      %add3A_247 = arith.addi %add3A_227, %add3A_246 : i32
      %lt3A = arith.constant 62 : i32
      %lt3A_248 = arith.cmpi slt, %add3A_247, %lt3A : i32
      %convert_element_type3A = arith.extui %lt3A_248 : i1 to i32
      %cond3A = arith.constant 0 : i32
      %cond3A_249 = arith.cmpi ne, %convert_element_type3A, %cond3A : i32
      scf.if %cond3A_249 {
        %add3A_309 = arith.constant 3 : i32
        %add3A_310 = arith.addi %add3A_227, %add3A_309 : i32
        %dma_start3A_311 = arith.constant 0 : i32
        %dma_start3A_312 = tpu.memref_slice %arg6[%add3A_310, %dma_start3A_311] : memref<63x80xi32, #tpu.memory_space<vmem>> -> memref<1x80xi32, #tpu.memory_space<vmem>>
        %dma_start3A_313 = tpu.memref_squeeze %dma_start3A_312 : memref<1x80xi32, #tpu.memory_space<vmem>> -> memref<80xi32, #tpu.memory_space<vmem>>
        %dma_start3A_314 = arith.constant 0 : i32
        %dma_start3A_315 = arith.constant 0 : i32
        %dma_start3A_316 = tpu.memref_slice %arg4[%dma_start3A_314, %dma_start3A_315] : memref<10000x128xf32, #tpu.memory_space<hbm>> -> memref<10000x128xf32, #tpu.memory_space<hbm>>
        tpu.enqueue_indirect_dma source(%dma_start3A_316 : memref<10000x128xf32, #tpu.memory_space<hbm>>) target(%arg8 : memref<80x128xf32, #tpu.memory_space<vmem>>) offsets(%dma_start3A_313 : memref<80xi32, #tpu.memory_space<vmem>>) semaphore(%arg14 : memref<!tpu.dma_semaphore, #tpu.memory_space<semaphore_mem>>)
      } else {
      }
      %mul3A_250 = arith.constant 3 : i32
      %mul3A_251 = arith.muli %scan3A_222, %mul3A_250 : i32
      %add3A_252 = arith.constant 1 : i32
      %add3A_253 = arith.addi %mul3A_251, %add3A_252 : i32
      %dma_wait3A_254 = arith.constant 0 : i32
      %dma_wait3A_255 = tpu.memref_slice %arg6[%add3A_253, %dma_wait3A_254] : memref<63x80xi32, #tpu.memory_space<vmem>> -> memref<1x80xi32, #tpu.memory_space<vmem>>
      %dma_wait3A_256 = tpu.memref_squeeze %dma_wait3A_255 : memref<1x80xi32, #tpu.memory_space<vmem>> -> memref<80xi32, #tpu.memory_space<vmem>>
      %dma_wait3A_257 = arith.constant 0 : i32
      %dma_wait3A_258 = arith.constant 0 : i32
      %dma_wait3A_259 = tpu.memref_slice %arg4[%dma_wait3A_257, %dma_wait3A_258] : memref<10000x128xf32, #tpu.memory_space<hbm>> -> memref<10000x128xf32, #tpu.memory_space<hbm>>
      tpu.wait_indirect_dma semaphore(%arg15 : memref<!tpu.dma_semaphore, #tpu.memory_space<semaphore_mem>>) src(%dma_wait3A_259 : memref<10000x128xf32, #tpu.memory_space<hbm>>) dst(%arg9 : memref<80x128xf32, #tpu.memory_space<vmem>>)
      %dma_start3A_260 = arith.constant 0 : i32
      %dma_start3A_261 = tpu.memref_slice %arg7[%add3A_253, %dma_start3A_260] : memref<63x80xi32, #tpu.memory_space<vmem>> -> memref<1x80xi32, #tpu.memory_space<vmem>>
      %dma_start3A_262 = tpu.memref_squeeze %dma_start3A_261 : memref<1x80xi32, #tpu.memory_space<vmem>> -> memref<80xi32, #tpu.memory_space<vmem>>
      %dma_start3A_263 = arith.constant 0 : i32
      %dma_start3A_264 = arith.constant 0 : i32
      %dma_start3A_265 = tpu.memref_slice %arg12[%dma_start3A_263, %dma_start3A_264] : memref<10240x128xf32, #tpu.memory_space<vmem_shared>> -> memref<10240x128xf32, #tpu.memory_space<vmem_shared>>
      tpu.enqueue_indirect_dma source(%arg9 : memref<80x128xf32, #tpu.memory_space<vmem>>) target(%dma_start3A_265 : memref<10240x128xf32, #tpu.memory_space<vmem_shared>>) offsets(%dma_start3A_262 : memref<80xi32, #tpu.memory_space<vmem>>) semaphore(%arg18 : memref<!tpu.dma_semaphore, #tpu.memory_space<semaphore_mem>>) {add = true}
      %dma_wait3A_266 = arith.constant 0 : i32
      %dma_wait3A_267 = tpu.memref_slice %arg7[%add3A_253, %dma_wait3A_266] : memref<63x80xi32, #tpu.memory_space<vmem>> -> memref<1x80xi32, #tpu.memory_space<vmem>>
      %dma_wait3A_268 = tpu.memref_squeeze %dma_wait3A_267 : memref<1x80xi32, #tpu.memory_space<vmem>> -> memref<80xi32, #tpu.memory_space<vmem>>
      %dma_wait3A_269 = arith.constant 0 : i32
      %dma_wait3A_270 = arith.constant 0 : i32
      %dma_wait3A_271 = tpu.memref_slice %arg12[%dma_wait3A_269, %dma_wait3A_270] : memref<10240x128xf32, #tpu.memory_space<vmem_shared>> -> memref<10240x128xf32, #tpu.memory_space<vmem_shared>>
      tpu.wait_indirect_dma semaphore(%arg18 : memref<!tpu.dma_semaphore, #tpu.memory_space<semaphore_mem>>) src(%arg9 : memref<80x128xf32, #tpu.memory_space<vmem>>) dst(%dma_wait3A_271 : memref<10240x128xf32, #tpu.memory_space<vmem_shared>>)
      %add3A_272 = arith.constant 3 : i32
      %add3A_273 = arith.addi %add3A_253, %add3A_272 : i32
      %lt3A_274 = arith.constant 62 : i32
      %lt3A_275 = arith.cmpi slt, %add3A_273, %lt3A_274 : i32
      %convert_element_type3A_276 = arith.extui %lt3A_275 : i1 to i32
      %cond3A_277 = arith.constant 0 : i32
      %cond3A_278 = arith.cmpi ne, %convert_element_type3A_276, %cond3A_277 : i32
      scf.if %cond3A_278 {
        %add3A_309 = arith.constant 3 : i32
        %add3A_310 = arith.addi %add3A_253, %add3A_309 : i32
        %dma_start3A_311 = arith.constant 0 : i32
        %dma_start3A_312 = tpu.memref_slice %arg6[%add3A_310, %dma_start3A_311] : memref<63x80xi32, #tpu.memory_space<vmem>> -> memref<1x80xi32, #tpu.memory_space<vmem>>
        %dma_start3A_313 = tpu.memref_squeeze %dma_start3A_312 : memref<1x80xi32, #tpu.memory_space<vmem>> -> memref<80xi32, #tpu.memory_space<vmem>>
        %dma_start3A_314 = arith.constant 0 : i32
        %dma_start3A_315 = arith.constant 0 : i32
        %dma_start3A_316 = tpu.memref_slice %arg4[%dma_start3A_314, %dma_start3A_315] : memref<10000x128xf32, #tpu.memory_space<hbm>> -> memref<10000x128xf32, #tpu.memory_space<hbm>>
        tpu.enqueue_indirect_dma source(%dma_start3A_316 : memref<10000x128xf32, #tpu.memory_space<hbm>>) target(%arg9 : memref<80x128xf32, #tpu.memory_space<vmem>>) offsets(%dma_start3A_313 : memref<80xi32, #tpu.memory_space<vmem>>) semaphore(%arg15 : memref<!tpu.dma_semaphore, #tpu.memory_space<semaphore_mem>>)
      } else {
      }
      %mul3A_279 = arith.constant 3 : i32
      %mul3A_280 = arith.muli %scan3A_222, %mul3A_279 : i32
      %add3A_281 = arith.constant 2 : i32
      %add3A_282 = arith.addi %mul3A_280, %add3A_281 : i32
      %dma_wait3A_283 = arith.constant 0 : i32
      %dma_wait3A_284 = tpu.memref_slice %arg6[%add3A_282, %dma_wait3A_283] : memref<63x80xi32, #tpu.memory_space<vmem>> -> memref<1x80xi32, #tpu.memory_space<vmem>>
      %dma_wait3A_285 = tpu.memref_squeeze %dma_wait3A_284 : memref<1x80xi32, #tpu.memory_space<vmem>> -> memref<80xi32, #tpu.memory_space<vmem>>
      %dma_wait3A_286 = arith.constant 0 : i32
      %dma_wait3A_287 = arith.constant 0 : i32
      %dma_wait3A_288 = tpu.memref_slice %arg4[%dma_wait3A_286, %dma_wait3A_287] : memref<10000x128xf32, #tpu.memory_space<hbm>> -> memref<10000x128xf32, #tpu.memory_space<hbm>>
      tpu.wait_indirect_dma semaphore(%arg16 : memref<!tpu.dma_semaphore, #tpu.memory_space<semaphore_mem>>) src(%dma_wait3A_288 : memref<10000x128xf32, #tpu.memory_space<hbm>>) dst(%arg10 : memref<80x128xf32, #tpu.memory_space<vmem>>)
      %dma_start3A_289 = arith.constant 0 : i32
      %dma_start3A_290 = tpu.memref_slice %arg7[%add3A_282, %dma_start3A_289] : memref<63x80xi32, #tpu.memory_space<vmem>> -> memref<1x80xi32, #tpu.memory_space<vmem>>
      %dma_start3A_291 = tpu.memref_squeeze %dma_start3A_290 : memref<1x80xi32, #tpu.memory_space<vmem>> -> memref<80xi32, #tpu.memory_space<vmem>>
      %dma_start3A_292 = arith.constant 0 : i32
      %dma_start3A_293 = arith.constant 0 : i32
      %dma_start3A_294 = tpu.memref_slice %arg12[%dma_start3A_292, %dma_start3A_293] : memref<10240x128xf32, #tpu.memory_space<vmem_shared>> -> memref<10240x128xf32, #tpu.memory_space<vmem_shared>>
      tpu.enqueue_indirect_dma source(%arg10 : memref<80x128xf32, #tpu.memory_space<vmem>>) target(%dma_start3A_294 : memref<10240x128xf32, #tpu.memory_space<vmem_shared>>) offsets(%dma_start3A_291 : memref<80xi32, #tpu.memory_space<vmem>>) semaphore(%arg19 : memref<!tpu.dma_semaphore, #tpu.memory_space<semaphore_mem>>) {add = true}
      %dma_wait3A_295 = arith.constant 0 : i32
      %dma_wait3A_296 = tpu.memref_slice %arg7[%add3A_282, %dma_wait3A_295] : memref<63x80xi32, #tpu.memory_space<vmem>> -> memref<1x80xi32, #tpu.memory_space<vmem>>
      %dma_wait3A_297 = tpu.memref_squeeze %dma_wait3A_296 : memref<1x80xi32, #tpu.memory_space<vmem>> -> memref<80xi32, #tpu.memory_space<vmem>>
      %dma_wait3A_298 = arith.constant 0 : i32
      %dma_wait3A_299 = arith.constant 0 : i32
      %dma_wait3A_300 = tpu.memref_slice %arg12[%dma_wait3A_298, %dma_wait3A_299] : memref<10240x128xf32, #tpu.memory_space<vmem_shared>> -> memref<10240x128xf32, #tpu.memory_space<vmem_shared>>
      tpu.wait_indirect_dma semaphore(%arg19 : memref<!tpu.dma_semaphore, #tpu.memory_space<semaphore_mem>>) src(%arg10 : memref<80x128xf32, #tpu.memory_space<vmem>>) dst(%dma_wait3A_300 : memref<10240x128xf32, #tpu.memory_space<vmem_shared>>)
      %add3A_301 = arith.constant 3 : i32
      %add3A_302 = arith.addi %add3A_282, %add3A_301 : i32
      %lt3A_303 = arith.constant 62 : i32
      %lt3A_304 = arith.cmpi slt, %add3A_302, %lt3A_303 : i32
      %convert_element_type3A_305 = arith.extui %lt3A_304 : i1 to i32
      %cond3A_306 = arith.constant 0 : i32
      %cond3A_307 = arith.cmpi ne, %convert_element_type3A_305, %cond3A_306 : i32
      scf.if %cond3A_307 {
        %add3A_309 = arith.constant 3 : i32
        %add3A_310 = arith.addi %add3A_282, %add3A_309 : i32
        %dma_start3A_311 = arith.constant 0 : i32
        %dma_start3A_312 = tpu.memref_slice %arg6[%add3A_310, %dma_start3A_311] : memref<63x80xi32, #tpu.memory_space<vmem>> -> memref<1x80xi32, #tpu.memory_space<vmem>>
        %dma_start3A_313 = tpu.memref_squeeze %dma_start3A_312 : memref<1x80xi32, #tpu.memory_space<vmem>> -> memref<80xi32, #tpu.memory_space<vmem>>
        %dma_start3A_314 = arith.constant 0 : i32
        %dma_start3A_315 = arith.constant 0 : i32
        %dma_start3A_316 = tpu.memref_slice %arg4[%dma_start3A_314, %dma_start3A_315] : memref<10000x128xf32, #tpu.memory_space<hbm>> -> memref<10000x128xf32, #tpu.memory_space<hbm>>
        tpu.enqueue_indirect_dma source(%dma_start3A_316 : memref<10000x128xf32, #tpu.memory_space<hbm>>) target(%arg10 : memref<80x128xf32, #tpu.memory_space<vmem>>) offsets(%dma_start3A_313 : memref<80xi32, #tpu.memory_space<vmem>>) semaphore(%arg16 : memref<!tpu.dma_semaphore, #tpu.memory_space<semaphore_mem>>)
      } else {
      }
      %scan3A_308 = arith.constant 0 : i32
      scf.yield %scan3A_308 : i32
    }
    %scan3A_170 = arith.constant 20 : i32
    %dma_wait3A_171 = arith.constant 60 : i32
    %dma_wait3A_172 = arith.constant 0 : i32
    %dma_wait3A_173 = tpu.memref_slice %arg6[%dma_wait3A_171, %dma_wait3A_172] : memref<63x80xi32, #tpu.memory_space<vmem>> -> memref<1x80xi32, #tpu.memory_space<vmem>>
    %dma_wait3A_174 = tpu.memref_squeeze %dma_wait3A_173 : memref<1x80xi32, #tpu.memory_space<vmem>> -> memref<80xi32, #tpu.memory_space<vmem>>
    %dma_wait3A_175 = arith.constant 0 : i32
    %dma_wait3A_176 = arith.constant 0 : i32
    %dma_wait3A_177 = tpu.memref_slice %arg4[%dma_wait3A_175, %dma_wait3A_176] : memref<10000x128xf32, #tpu.memory_space<hbm>> -> memref<10000x128xf32, #tpu.memory_space<hbm>>
    tpu.wait_indirect_dma semaphore(%arg14 : memref<!tpu.dma_semaphore, #tpu.memory_space<semaphore_mem>>) src(%dma_wait3A_177 : memref<10000x128xf32, #tpu.memory_space<hbm>>) dst(%arg8 : memref<80x128xf32, #tpu.memory_space<vmem>>)
    %dma_start3A_178 = arith.constant 60 : i32
    %dma_start3A_179 = arith.constant 0 : i32
    %dma_start3A_180 = tpu.memref_slice %arg7[%dma_start3A_178, %dma_start3A_179] : memref<63x80xi32, #tpu.memory_space<vmem>> -> memref<1x80xi32, #tpu.memory_space<vmem>>
    %dma_start3A_181 = tpu.memref_squeeze %dma_start3A_180 : memref<1x80xi32, #tpu.memory_space<vmem>> -> memref<80xi32, #tpu.memory_space<vmem>>
    %dma_start3A_182 = arith.constant 0 : i32
    %dma_start3A_183 = arith.constant 0 : i32
    %dma_start3A_184 = tpu.memref_slice %arg12[%dma_start3A_182, %dma_start3A_183] : memref<10240x128xf32, #tpu.memory_space<vmem_shared>> -> memref<10240x128xf32, #tpu.memory_space<vmem_shared>>
    tpu.enqueue_indirect_dma source(%arg8 : memref<80x128xf32, #tpu.memory_space<vmem>>) target(%dma_start3A_184 : memref<10240x128xf32, #tpu.memory_space<vmem_shared>>) offsets(%dma_start3A_181 : memref<80xi32, #tpu.memory_space<vmem>>) semaphore(%arg17 : memref<!tpu.dma_semaphore, #tpu.memory_space<semaphore_mem>>) {add = true}
    %dma_wait3A_185 = arith.constant 60 : i32
    %dma_wait3A_186 = arith.constant 0 : i32
    %dma_wait3A_187 = tpu.memref_slice %arg7[%dma_wait3A_185, %dma_wait3A_186] : memref<63x80xi32, #tpu.memory_space<vmem>> -> memref<1x80xi32, #tpu.memory_space<vmem>>
    %dma_wait3A_188 = tpu.memref_squeeze %dma_wait3A_187 : memref<1x80xi32, #tpu.memory_space<vmem>> -> memref<80xi32, #tpu.memory_space<vmem>>
    %dma_wait3A_189 = arith.constant 0 : i32
    %dma_wait3A_190 = arith.constant 0 : i32
    %dma_wait3A_191 = tpu.memref_slice %arg12[%dma_wait3A_189, %dma_wait3A_190] : memref<10240x128xf32, #tpu.memory_space<vmem_shared>> -> memref<10240x128xf32, #tpu.memory_space<vmem_shared>>
    tpu.wait_indirect_dma semaphore(%arg17 : memref<!tpu.dma_semaphore, #tpu.memory_space<semaphore_mem>>) src(%arg8 : memref<80x128xf32, #tpu.memory_space<vmem>>) dst(%dma_wait3A_191 : memref<10240x128xf32, #tpu.memory_space<vmem_shared>>)
    %dma_wait3A_192 = arith.constant 61 : i32
    %dma_wait3A_193 = arith.constant 0 : i32
    %dma_wait3A_194 = tpu.memref_slice %arg6[%dma_wait3A_192, %dma_wait3A_193] : memref<63x80xi32, #tpu.memory_space<vmem>> -> memref<1x80xi32, #tpu.memory_space<vmem>>
    %dma_wait3A_195 = tpu.memref_squeeze %dma_wait3A_194 : memref<1x80xi32, #tpu.memory_space<vmem>> -> memref<80xi32, #tpu.memory_space<vmem>>
    %dma_wait3A_196 = arith.constant 0 : i32
    %dma_wait3A_197 = arith.constant 0 : i32
    %dma_wait3A_198 = tpu.memref_slice %arg4[%dma_wait3A_196, %dma_wait3A_197] : memref<10000x128xf32, #tpu.memory_space<hbm>> -> memref<10000x128xf32, #tpu.memory_space<hbm>>
    tpu.wait_indirect_dma semaphore(%arg15 : memref<!tpu.dma_semaphore, #tpu.memory_space<semaphore_mem>>) src(%dma_wait3A_198 : memref<10000x128xf32, #tpu.memory_space<hbm>>) dst(%arg9 : memref<80x128xf32, #tpu.memory_space<vmem>>)
    %dma_start3A_199 = arith.constant 61 : i32
    %dma_start3A_200 = arith.constant 0 : i32
    %dma_start3A_201 = tpu.memref_slice %arg7[%dma_start3A_199, %dma_start3A_200] : memref<63x80xi32, #tpu.memory_space<vmem>> -> memref<1x80xi32, #tpu.memory_space<vmem>>
    %dma_start3A_202 = tpu.memref_squeeze %dma_start3A_201 : memref<1x80xi32, #tpu.memory_space<vmem>> -> memref<80xi32, #tpu.memory_space<vmem>>
    %dma_start3A_203 = arith.constant 0 : i32
    %dma_start3A_204 = arith.constant 0 : i32
    %dma_start3A_205 = tpu.memref_slice %arg12[%dma_start3A_203, %dma_start3A_204] : memref<10240x128xf32, #tpu.memory_space<vmem_shared>> -> memref<10240x128xf32, #tpu.memory_space<vmem_shared>>
    tpu.enqueue_indirect_dma source(%arg9 : memref<80x128xf32, #tpu.memory_space<vmem>>) target(%dma_start3A_205 : memref<10240x128xf32, #tpu.memory_space<vmem_shared>>) offsets(%dma_start3A_202 : memref<80xi32, #tpu.memory_space<vmem>>) semaphore(%arg18 : memref<!tpu.dma_semaphore, #tpu.memory_space<semaphore_mem>>) {add = true}
    %dma_wait3A_206 = arith.constant 61 : i32
    %dma_wait3A_207 = arith.constant 0 : i32
    %dma_wait3A_208 = tpu.memref_slice %arg7[%dma_wait3A_206, %dma_wait3A_207] : memref<63x80xi32, #tpu.memory_space<vmem>> -> memref<1x80xi32, #tpu.memory_space<vmem>>
    %dma_wait3A_209 = tpu.memref_squeeze %dma_wait3A_208 : memref<1x80xi32, #tpu.memory_space<vmem>> -> memref<80xi32, #tpu.memory_space<vmem>>
    %dma_wait3A_210 = arith.constant 0 : i32
    %dma_wait3A_211 = arith.constant 0 : i32
    %dma_wait3A_212 = tpu.memref_slice %arg12[%dma_wait3A_210, %dma_wait3A_211] : memref<10240x128xf32, #tpu.memory_space<vmem_shared>> -> memref<10240x128xf32, #tpu.memory_space<vmem_shared>>
    tpu.wait_indirect_dma semaphore(%arg18 : memref<!tpu.dma_semaphore, #tpu.memory_space<semaphore_mem>>) src(%arg9 : memref<80x128xf32, #tpu.memory_space<vmem>>) dst(%dma_wait3A_212 : memref<10240x128xf32, #tpu.memory_space<vmem_shared>>)
    %barrier3A_213 = arith.constant 0 : index
    tpu.barrier barrier_id(%barrier3A_213)
    %mul3A_214 = arith.constant 640 : i32
    %mul3A_215 = arith.muli %arg1, %mul3A_214 : i32
    %multiple_of3A = tpu.assume_multiple %mul3A_215, 8 : i32
    %mul3A_216 = arith.constant 10240 : i32
    %mul3A_217 = arith.muli %arg0, %mul3A_216 : i32
    %mul3A_218 = arith.constant 640 : i32
    %mul3A_219 = arith.muli %arg1, %mul3A_218 : i32
    %add3A_220 = arith.addi %mul3A_217, %mul3A_219 : i32
    %multiple_of3A_221 = tpu.assume_multiple %add3A_220, 8 : i32
    "tpu.region"() ({
      %run_scoped3A = tpu.sem_alloc : memref<!tpu.dma_semaphore, #tpu.memory_space<semaphore_mem>>
      %dma_start3A_222 = arith.constant 0 : i32
      %dma_start3A_223 = tpu.memref_slice %arg5[%multiple_of3A_221, %dma_start3A_222] : memref<20480x128xf32, #tpu.memory_space<hbm>> -> memref<640x128xf32, #tpu.memory_space<hbm>>
      %dma_start3A_224 = arith.constant 0 : i32
      %dma_start3A_225 = tpu.memref_slice %arg12[%multiple_of3A, %dma_start3A_224] : memref<10240x128xf32, #tpu.memory_space<vmem_shared>> -> memref<640x128xf32, #tpu.memory_space<vmem_shared>>
      tpu.enqueue_dma source(%dma_start3A_225 : memref<640x128xf32, #tpu.memory_space<vmem_shared>>) target(%dma_start3A_223 : memref<640x128xf32, #tpu.memory_space<hbm>>) target_semaphore(%run_scoped3A : memref<!tpu.dma_semaphore, #tpu.memory_space<semaphore_mem>>)
      %dma_wait3A_226 = arith.constant 0 : i32
      %dma_wait3A_227 = tpu.memref_slice %arg5[%multiple_of3A_221, %dma_wait3A_226] : memref<20480x128xf32, #tpu.memory_space<hbm>> -> memref<640x128xf32, #tpu.memory_space<hbm>>
      %dma_wait3A_228 = arith.constant 0 : i32
      %dma_wait3A_229 = tpu.memref_slice %arg12[%multiple_of3A, %dma_wait3A_228] : memref<10240x128xf32, #tpu.memory_space<vmem_shared>> -> memref<640x128xf32, #tpu.memory_space<vmem_shared>>
      tpu.wait_dma2 semaphore(%run_scoped3A : memref<!tpu.dma_semaphore, #tpu.memory_space<semaphore_mem>>) src(%dma_wait3A_229 : memref<640x128xf32, #tpu.memory_space<vmem_shared>>) dst(%dma_wait3A_227 : memref<640x128xf32, #tpu.memory_space<hbm>>)
      tpu.yield
    }) : () -> ()
    return
  }
}

module attributes {stable_mosaic.version = 14 : i64} {
  func.func @_k1_body(%arg0: memref<10000x128xf32, #tpu.memory_space<vmem>>, %arg1: memref<128x128xf32, #tpu.memory_space<vmem>>, %arg2: memref<20480x16xf32, #tpu.memory_space<vmem>>, %arg3: memref<10000x128xf32, #tpu.memory_space<vmem>>, %arg4: memref<10000x1xf32, #tpu.memory_space<vmem>>) attributes {dimension_semantics = [], scalar_prefetch = 0 : i64, scratch_operands = 0 : i64, tpu.core_type = #tpu.core_type<tc>} {
    %get3A = arith.constant 0 : index
    %get3A_0 = arith.constant 0 : index
    %get3A_1 = vector.load %arg2[%get3A, %get3A_0] : memref<20480x16xf32, #tpu.memory_space<vmem>>, vector<10000x1xf32>
    %get3A_2 = arith.constant 10240 : index
    %get3A_3 = arith.constant 0 : index
    %get3A_4 = vector.load %arg2[%get3A_2, %get3A_3] : memref<20480x16xf32, #tpu.memory_space<vmem>>, vector<10000x1xf32>
    %add3A = arith.addf %get3A_1, %get3A_4 : vector<10000x1xf32>
    %add3A_5 = arith.constant 1.000000e+00 : f32
    %add3A_6 = vector.broadcast %add3A_5 : f32 to vector<10000x1xf32>
    %add3A_7 = arith.addf %add3A, %add3A_6 : vector<10000x1xf32>
    %rsqrt3A = math.rsqrt %add3A_7 : vector<10000x1xf32>
    %swap3A = arith.constant 0 : index
    %swap3A_8 = arith.constant 0 : index
    %swap3A_9 = vector.load %arg4[%swap3A, %swap3A_8] : memref<10000x1xf32, #tpu.memory_space<vmem>>, vector<10000x1xf32>
    tpu.vector_store %arg4[%swap3A, %swap3A_8], %rsqrt3A {strides = array<i32>} : memref<10000x1xf32, #tpu.memory_space<vmem>>, vector<10000x1xf32>,
    %get3A_10 = arith.constant 0 : index
    %get3A_11 = arith.constant 0 : index
    %get3A_12 = vector.load %arg0[%get3A_10, %get3A_11] : memref<10000x128xf32, #tpu.memory_space<vmem>>, vector<10000x128xf32>
    %get3A_13 = arith.constant 0 : index
    %get3A_14 = arith.constant 0 : index
    %get3A_15 = vector.load %arg1[%get3A_13, %get3A_14] : memref<128x128xf32, #tpu.memory_space<vmem>>, vector<128x128xf32>
    %dot_general3A = arith.constant dense<0.000000e+00> : vector<10000x128xf32>
    %dot_general3A_16 = tpu.matmul %get3A_12, %get3A_15, %dot_general3A {dimension_numbers = #tpu.dot_dimension_numbers<[1], [0], [0], [1], [0, 0, 1, 1], [], []>, transpose_lhs_hint = false} : vector<10000x128xf32>, vector<128x128xf32>, vector<10000x128xf32> -> vector<10000x128xf32>
    %mul3A = vector.broadcast %rsqrt3A : vector<10000x1xf32> to vector<10000x128xf32>
    %mul3A_17 = arith.mulf %dot_general3A_16, %mul3A : vector<10000x128xf32>
    %swap3A_18 = arith.constant 0 : index
    %swap3A_19 = arith.constant 0 : index
    %swap3A_20 = vector.load %arg3[%swap3A_18, %swap3A_19] : memref<10000x128xf32, #tpu.memory_space<vmem>>, vector<10000x128xf32>
    tpu.vector_store %arg3[%swap3A_18, %swap3A_19], %mul3A_17 {strides = array<i32>} : memref<10000x128xf32, #tpu.memory_space<vmem>>, vector<10000x128xf32>,
    return
  }
}

module attributes {stable_mosaic.version = 14 : i64} {
  func.func @_k2_body(%arg0: memref<20480x128xf32, #tpu.memory_space<vmem>>, %arg1: memref<10000x128xf32, #tpu.memory_space<vmem>>, %arg2: memref<10000x1xf32, #tpu.memory_space<vmem>>, %arg3: memref<1x128xf32, #tpu.memory_space<vmem>>, %arg4: memref<128x64xf32, #tpu.memory_space<vmem>>, %arg5: memref<10000x64xf32, #tpu.memory_space<vmem>>) attributes {dimension_semantics = [], scalar_prefetch = 0 : i64, scratch_operands = 0 : i64, tpu.core_type = #tpu.core_type<tc>} {
    %get3A = arith.constant 0 : index
    %get3A_0 = arith.constant 0 : index
    %get3A_1 = vector.load %arg2[%get3A, %get3A_0] : memref<10000x1xf32, #tpu.memory_space<vmem>>, vector<10000x1xf32>
    %get3A_2 = arith.constant 0 : index
    %get3A_3 = arith.constant 0 : index
    %get3A_4 = vector.load %arg0[%get3A_2, %get3A_3] : memref<20480x128xf32, #tpu.memory_space<vmem>>, vector<10000x128xf32>
    %get3A_5 = arith.constant 10240 : index
    %get3A_6 = arith.constant 0 : index
    %get3A_7 = vector.load %arg0[%get3A_5, %get3A_6] : memref<20480x128xf32, #tpu.memory_space<vmem>>, vector<10000x128xf32>
    %add3A = arith.addf %get3A_4, %get3A_7 : vector<10000x128xf32>
    %get3A_8 = arith.constant 0 : index
    %get3A_9 = arith.constant 0 : index
    %get3A_10 = vector.load %arg1[%get3A_8, %get3A_9] : memref<10000x128xf32, #tpu.memory_space<vmem>>, vector<10000x128xf32>
    %add3A_11 = arith.addf %add3A, %get3A_10 : vector<10000x128xf32>
    %mul3A = vector.broadcast %get3A_1 : vector<10000x1xf32> to vector<10000x128xf32>
    %mul3A_12 = arith.mulf %mul3A, %add3A_11 : vector<10000x128xf32>
    %get3A_13 = arith.constant 0 : index
    %get3A_14 = arith.constant 0 : index
    %get3A_15 = vector.load %arg3[%get3A_13, %get3A_14] : memref<1x128xf32, #tpu.memory_space<vmem>>, vector<1x128xf32>
    %add3A_16 = vector.broadcast %get3A_15 : vector<1x128xf32> to vector<10000x128xf32>
    %add3A_17 = arith.addf %mul3A_12, %add3A_16 : vector<10000x128xf32>
    %max3A = arith.constant 0.000000e+00 : f32
    %max3A_18 = vector.broadcast %max3A : f32 to vector<10000x128xf32>
    %max3A_19 = arith.maximumf %add3A_17, %max3A_18 : vector<10000x128xf32>
    %get3A_20 = arith.constant 0 : index
    %get3A_21 = arith.constant 0 : index
    %get3A_22 = vector.load %arg4[%get3A_20, %get3A_21] : memref<128x64xf32, #tpu.memory_space<vmem>>, vector<128x64xf32>
    %dot_general3A = arith.constant dense<0.000000e+00> : vector<10000x64xf32>
    %dot_general3A_23 = tpu.matmul %max3A_19, %get3A_22, %dot_general3A {dimension_numbers = #tpu.dot_dimension_numbers<[1], [0], [0], [1], [0, 0, 1, 1], [], []>, transpose_lhs_hint = false} : vector<10000x128xf32>, vector<128x64xf32>, vector<10000x64xf32> -> vector<10000x64xf32>
    %mul3A_24 = vector.broadcast %get3A_1 : vector<10000x1xf32> to vector<10000x64xf32>
    %mul3A_25 = arith.mulf %dot_general3A_23, %mul3A_24 : vector<10000x64xf32>
    %swap3A = arith.constant 0 : index
    %swap3A_26 = arith.constant 0 : index
    %swap3A_27 = vector.load %arg5[%swap3A, %swap3A_26] : memref<10000x64xf32, #tpu.memory_space<vmem>>, vector<10000x64xf32>
    tpu.vector_store %arg5[%swap3A, %swap3A_26], %mul3A_25 {strides = array<i32>} : memref<10000x64xf32, #tpu.memory_space<vmem>>, vector<10000x64xf32>,
    return
  }
}

module attributes {stable_mosaic.version = 14 : i64} {
  func.func @_k3_body(%arg0: memref<20480x64xf32, #tpu.memory_space<vmem>>, %arg1: memref<10000x64xf32, #tpu.memory_space<vmem>>, %arg2: memref<10000x1xf32, #tpu.memory_space<vmem>>, %arg3: memref<1x64xf32, #tpu.memory_space<vmem>>, %arg4: memref<10000x64xf32, #tpu.memory_space<vmem>>) attributes {dimension_semantics = [], scalar_prefetch = 0 : i64, scratch_operands = 0 : i64, tpu.core_type = #tpu.core_type<tc>} {
    %get3A = arith.constant 0 : index
    %get3A_0 = arith.constant 0 : index
    %get3A_1 = vector.load %arg2[%get3A, %get3A_0] : memref<10000x1xf32, #tpu.memory_space<vmem>>, vector<10000x1xf32>
    %get3A_2 = arith.constant 0 : index
    %get3A_3 = arith.constant 0 : index
    %get3A_4 = vector.load %arg0[%get3A_2, %get3A_3] : memref<20480x64xf32, #tpu.memory_space<vmem>>, vector<10000x64xf32>
    %get3A_5 = arith.constant 10240 : index
    %get3A_6 = arith.constant 0 : index
    %get3A_7 = vector.load %arg0[%get3A_5, %get3A_6] : memref<20480x64xf32, #tpu.memory_space<vmem>>, vector<10000x64xf32>
    %add3A = arith.addf %get3A_4, %get3A_7 : vector<10000x64xf32>
    %get3A_8 = arith.constant 0 : index
    %get3A_9 = arith.constant 0 : index
    %get3A_10 = vector.load %arg1[%get3A_8, %get3A_9] : memref<10000x64xf32, #tpu.memory_space<vmem>>, vector<10000x64xf32>
    %add3A_11 = arith.addf %add3A, %get3A_10 : vector<10000x64xf32>
    %mul3A = vector.broadcast %get3A_1 : vector<10000x1xf32> to vector<10000x64xf32>
    %mul3A_12 = arith.mulf %mul3A, %add3A_11 : vector<10000x64xf32>
    %get3A_13 = arith.constant 0 : index
    %get3A_14 = arith.constant 0 : index
    %get3A_15 = vector.load %arg3[%get3A_13, %get3A_14] : memref<1x64xf32, #tpu.memory_space<vmem>>, vector<1x64xf32>
    %add3A_16 = vector.broadcast %get3A_15 : vector<1x64xf32> to vector<10000x64xf32>
    %add3A_17 = arith.addf %mul3A_12, %add3A_16 : vector<10000x64xf32>
    %max3A = arith.constant 0.000000e+00 : f32
    %max3A_18 = vector.broadcast %max3A : f32 to vector<10000x64xf32>
    %max3A_19 = arith.maximumf %add3A_17, %max3A_18 : vector<10000x64xf32>
    %mul3A_20 = vector.broadcast %get3A_1 : vector<10000x1xf32> to vector<10000x64xf32>
    %mul3A_21 = arith.mulf %max3A_19, %mul3A_20 : vector<10000x64xf32>
    %swap3A = arith.constant 0 : index
    %swap3A_22 = arith.constant 0 : index
    %swap3A_23 = vector.load %arg4[%swap3A, %swap3A_22] : memref<10000x64xf32, #tpu.memory_space<vmem>>, vector<10000x64xf32>
    tpu.vector_store %arg4[%swap3A, %swap3A_22], %mul3A_21 {strides = array<i32>} : memref<10000x64xf32, #tpu.memory_space<vmem>>, vector<10000x64xf32>,
    return
  }
}

module attributes {stable_mosaic.version = 14 : i64} {
  func.func @_k4_body(%arg0: memref<20480x64xf32, #tpu.memory_space<vmem>>, %arg1: memref<10000x64xf32, #tpu.memory_space<vmem>>, %arg2: memref<10000x1xf32, #tpu.memory_space<vmem>>, %arg3: memref<64x128xf32, #tpu.memory_space<vmem>>, %arg4: memref<1x128xf32, #tpu.memory_space<vmem>>, %arg5: memref<1x10000xi32, #tpu.memory_space<vmem>>, %arg6: memref<128x128xf32, #tpu.memory_space<vmem>>) attributes {dimension_semantics = [], scalar_prefetch = 0 : i64, scratch_operands = 0 : i64, tpu.core_type = #tpu.core_type<tc>} {
    %get3A = arith.constant 0 : index
    %get3A_0 = arith.constant 0 : index
    %get3A_1 = vector.load %arg2[%get3A, %get3A_0] : memref<10000x1xf32, #tpu.memory_space<vmem>>, vector<10000x1xf32>
    %get3A_2 = arith.constant 0 : index
    %get3A_3 = arith.constant 0 : index
    %get3A_4 = vector.load %arg0[%get3A_2, %get3A_3] : memref<20480x64xf32, #tpu.memory_space<vmem>>, vector<10000x64xf32>
    %get3A_5 = arith.constant 10240 : index
    %get3A_6 = arith.constant 0 : index
    %get3A_7 = vector.load %arg0[%get3A_5, %get3A_6] : memref<20480x64xf32, #tpu.memory_space<vmem>>, vector<10000x64xf32>
    %add3A = arith.addf %get3A_4, %get3A_7 : vector<10000x64xf32>
    %get3A_8 = arith.constant 0 : index
    %get3A_9 = arith.constant 0 : index
    %get3A_10 = vector.load %arg1[%get3A_8, %get3A_9] : memref<10000x64xf32, #tpu.memory_space<vmem>>, vector<10000x64xf32>
    %add3A_11 = arith.addf %add3A, %get3A_10 : vector<10000x64xf32>
    %mul3A = vector.broadcast %get3A_1 : vector<10000x1xf32> to vector<10000x64xf32>
    %mul3A_12 = arith.mulf %mul3A, %add3A_11 : vector<10000x64xf32>
    %get3A_13 = arith.constant 0 : index
    %get3A_14 = arith.constant 0 : index
    %get3A_15 = vector.load %arg3[%get3A_13, %get3A_14] : memref<64x128xf32, #tpu.memory_space<vmem>>, vector<64x128xf32>
    %dot_general3A = arith.constant dense<0.000000e+00> : vector<10000x128xf32>
    %dot_general3A_16 = tpu.matmul %mul3A_12, %get3A_15, %dot_general3A {dimension_numbers = #tpu.dot_dimension_numbers<[1], [0], [0], [1], [0, 0, 1, 1], [], []>, transpose_lhs_hint = false} : vector<10000x64xf32>, vector<64x128xf32>, vector<10000x128xf32> -> vector<10000x128xf32>
    %get3A_17 = arith.constant 0 : index
    %get3A_18 = arith.constant 0 : index
    %get3A_19 = vector.load %arg4[%get3A_17, %get3A_18] : memref<1x128xf32, #tpu.memory_space<vmem>>, vector<1x128xf32>
    %add3A_20 = vector.broadcast %get3A_19 : vector<1x128xf32> to vector<10000x128xf32>
    %add3A_21 = arith.addf %dot_general3A_16, %add3A_20 : vector<10000x128xf32>
    %max3A = arith.constant 0.000000e+00 : f32
    %max3A_22 = vector.broadcast %max3A : f32 to vector<10000x128xf32>
    %max3A_23 = arith.maximumf %add3A_21, %max3A_22 : vector<10000x128xf32>
    %iota3A = tpu.iota {dimensions = array<i32: 0>} : vector<128x10000xi32>
    %get3A_24 = arith.constant 0 : index
    %get3A_25 = arith.constant 0 : index
    %get3A_26 = vector.load %arg5[%get3A_24, %get3A_25] : memref<1x10000xi32, #tpu.memory_space<vmem>>, vector<1x10000xi32>
    %eq3A = vector.broadcast %get3A_26 : vector<1x10000xi32> to vector<128x10000xi32>
    %eq3A_27 = arith.cmpi eq, %iota3A, %eq3A : vector<128x10000xi32>
    %convert_element_type3A = arith.extui %eq3A_27 : vector<128x10000xi1> to vector<128x10000xi32>
    %convert_element_type3A_28 = arith.sitofp %convert_element_type3A : vector<128x10000xi32> to vector<128x10000xf32>
    %dot_general3A_29 = arith.constant dense<0.000000e+00> : vector<128x128xf32>
    %dot_general3A_30 = tpu.matmul %convert_element_type3A_28, %max3A_23, %dot_general3A_29 {dimension_numbers = #tpu.dot_dimension_numbers<[1], [0], [0], [1], [0, 0, 1, 1], [], []>, transpose_lhs_hint = false} : vector<128x10000xf32>, vector<10000x128xf32>, vector<128x128xf32> -> vector<128x128xf32>
    %reduce_sum3A = arith.constant dense<0.000000e+00> : vector<128xf32>
    %reduce_sum3A_31 = vector.multi_reduction <add>, %convert_element_type3A_28, %reduce_sum3A [1] : vector<128x10000xf32> to vector<128xf32>
    %broadcast_in_dim3A = vector.shape_cast %reduce_sum3A_31 : vector<128xf32> to vector<128x1xf32>
    %max3A_32 = arith.constant 1.000000e+00 : f32
    %max3A_33 = vector.broadcast %max3A_32 : f32 to vector<128x1xf32>
    %max3A_34 = arith.maximumf %broadcast_in_dim3A, %max3A_33 : vector<128x1xf32>
    %div3A = vector.broadcast %max3A_34 : vector<128x1xf32> to vector<128x128xf32>
    %div3A_35 = arith.divf %dot_general3A_30, %div3A : vector<128x128xf32>
    %swap3A = arith.constant 0 : index
    %swap3A_36 = arith.constant 0 : index
    %swap3A_37 = vector.load %arg6[%swap3A, %swap3A_36] : memref<128x128xf32, #tpu.memory_space<vmem>>, vector<128x128xf32>
    tpu.vector_store %arg6[%swap3A, %swap3A_36], %div3A_35 {strides = array<i32>} : memref<128x128xf32, #tpu.memory_space<vmem>>, vector<128x128xf32>,
    return
  }
}

</mosaic_0001>

<sc_bundles>
// kernel: gcn_deg.3.cloned.1.call-start
scs
__scs_entry_jumppad:
0x0: {  	(pc) =	sbr.rel $0x88, $3  }
0x1: {  	(tag) =	ssettag $0x0;
	lr =	simm.s32 $0x1  }
0x2: {  	[smem:$0x3F98] =	sst lr;
	_ =	strace $0xD0000000  }
0x3: {  	_ = 	snop  }
0x4: {  	_ = 	snop  }
0x5: {  	_ = 	snop  }
0x6: {  	_ = 	snop  }
0x7: {  	_ = 	snop  }
__scs_overlays_trampoline_lowered:
0x8: {  	[smem:$0x3FA7] =	sst s0  }
0x9: {  	[smem:$0x3FA8] =	sst s1  }
0xa: {  	[smem:$0x3FA9] =	sst s2  }
0xb: {  	[smem:$0x3FAA] =	sst s3  }
0xc: {  	[smem:$0x3FAB] =	sst s4  }
0xd: {  	[smem:$0x3FAC] =	sst s5  }
0xe: {  	[smem:$0x3FAD] =	sst s6  }
0xf: {  	[smem:$0x3FAE] =	sst s7  }
0x10: {  	[smem:$0x3FAF] =	sst s8  }
0x11: {  	[smem:$0x3FB0] =	sst s9;
	s0 =	simm.s32 @!p0 $0x0  }
0x12: {  	s1 =	sld [smem:$0x3F96];
	s0 =	simm.s32 @p0 $0x1  }
0x13: {  	[smem:$0x3FB1] =	sst s0;
	s0 =	simm.s32 @!p1 $0x0  }
0x14: {  	s2 =	sld [smem:$0x3F95];
	s0 =	simm.s32 @p1 $0x1  }
0x15: {  	[smem:$0x3FB2] =	sst s0;
	s0 =	simm.s32 @!p2 $0x0  }
0x16: {  	s3 =	sld [smem:$0x3FDB];
	s0 =	simm.s32 @p2 $0x1  }
0x17: {  	s4 =	simm.s32 $0x1BF5;
	[smem:$0x3FB4] =	sst s0  }
0x18: {  	s0 =	sld [smem:$0x3F97];
	_ =	swait.ge [sflag:s4], $0x0  }
0x19: {  	s7 =	sld [smem:$0x3F98]  }
0x1a: {  	s8 =	sadd.s32 $0xFFFFE003, lr  }
0x1b: {  	s9 =	sadd.s32 $0xFFFFFEF7, lr;
	s5 =	simm.s32 $0xFFFFFFFF;
	p2 =	slt.u32 s8, $0xFFFFF086  }
0x1c: {  	p1 =	slt.u32 s9, $0xF7A;
	s5 =	simm.s32 @!p2 $0x0  }
0x1d: {  	s5 =	simm.s32 @p1 $0x1;
	p0 =	seq.s32 s7, s2  }
0x1e: {  	s7 =	smul.u32 @!p0 $0xF7A, s2;
	p2 =	seq.s32 @!p0 s5, $0x0  }
0x1f: {  	s9 =	smul.u32 $0xF7A, s1;
	s8 =	simm.s32 @!p0 $0x1BF5;
	p2 =	por !p2, p0  }
0x20: {  	[sflag:s8] =	ssyncset.s32 @!p0 $0xFFFFF086;
	s6 =	sadd.s32 @!p0 s3, s7;
	s7 =	simm.s32 @!p0 $0x108  }
0x21: {  	s3 =	sadd.s32 s3, s9;
	s6 =	sadd.s32 @!p0 $0x88, s6;
	s7 =	simm.s32 @p2 $0x1082  }
0x22: {  	[simem:s7], [sflag:s8] =	dma.local @!p0 [hbm:s6], $0xF7A  }
0x23: {  	s9 =	sor.u32 $0xD0000000, s2;
	s6 =	simm.s32 $0x108;
	_ =	swait.ge @!p0 [sflag:s8], $0x0  }
0x24: {  	s3 =	sadd.s32 $0x88, s3;
	s6 =	simm.s32 @!p1 $0x1082;
	[sflag:s4] =	ssyncset.s32 $0xFFFFF086  }
0x25: {  	[simem:s6], [sflag:s4] =	dma.local [hbm:s3], $0xF7A  }
0x26: {  	[smem:$0x3F98] =	sst s1;
	(tag) =	ssettag s2;
	_ =	strace s9  }
0x27: {  	s1 =	sld [smem:$0x3FA8]  }
0x28: {  	s2 =	sld [smem:$0x3FA9]  }
0x29: {  	s4 =	sld [smem:$0x3FAB]  }
0x2a: {  	p0 =	seq.s32 s5, $0x0;
	s5 =	sld [smem:$0x3FAC]  }
0x2b: {  	s6 =	sld [smem:$0x3FAD]  }
0x2c: {  	s7 =	sld [smem:$0x3FAE]  }
0x2d: {  	s3 =	simm.s32 $0x108;
	s8 =	sld [smem:$0x3FAF]  }
0x2e: {  	s3 =	simm.s32 @!p0 $0x1082;
	s9 =	sld [smem:$0x3FB0]  }
0x2f: {  	lr =	sadd.s32 s0, s3;
	s0 =	sld [smem:$0x3FA7]  }
0x30: {  	s3 =	sld [smem:$0x3FAA]  }
0x31: {  	[smem:$0x3FB3] =	sst s10  }
0x32: {  	s10 =	sld [smem:$0x3FB1];
	_ =	sdelay $0x3  }
0x33: {  	p0 =	seq.s32 s10, $0x1;
	s10 =	sld [smem:$0x3FB3];
	_ =	sdelay $0x3  }
0x34: {  	[smem:$0x3FB3] =	sst s10  }
0x35: {  	s10 =	sld [smem:$0x3FB2];
	_ =	sdelay $0x3  }
0x36: {  	p1 =	seq.s32 s10, $0x1;
	s10 =	sld [smem:$0x3FB3];
	_ =	sdelay $0x3  }
0x37: {  	[smem:$0x3FB3] =	sst s10  }
0x38: {  	s10 =	sld [smem:$0x3FB4]  }
0x39: {  	_ = 	snop;
	(pc) =	sbr.ind lr, $3  }
0x3a: {  	_ = 	snop  }
0x3b: {  	_ = 	snop  }
0x3c: {  	p2 =	seq.s32 s10, $0x1;
	s10 =	sld [smem:$0x3FB3]  }
0x3d: {  	_ =	shalt  }
0x3e: {  	_ =	shalt  }
0x3f: {  	_ =	shalt  }
0x40: {  	_ =	shalt  }
0x41: {  	_ =	shalt  }
0x42: {  	_ =	shalt  }
0x43: {  	_ =	shalt  }
0x44: {  	_ =	shalt  }
0x45: {  	_ =	shalt  }
0x46: {  	_ =	shalt  }
0x47: {  	_ =	shalt  }
0x48: {  	_ =	shalt  }
0x49: {  	_ =	shalt  }
0x4a: {  	_ =	shalt  }
0x4b: {  	_ =	shalt  }
0x4c: {  	_ =	shalt  }
0x4d: {  	_ =	shalt  }
0x4e: {  	_ =	shalt  }
0x4f: {  	_ =	shalt  }
0x50: {  	_ =	shalt  }
0x51: {  	_ =	shalt  }
0x52: {  	_ =	shalt  }
0x53: {  	_ =	shalt  }
0x54: {  	_ =	shalt  }
0x55: {  	_ =	shalt  }
0x56: {  	_ =	shalt  }
0x57: {  	_ =	shalt  }
0x58: {  	_ =	shalt  }
0x59: {  	_ =	shalt  }
0x5a: {  	_ =	shalt  }
0x5b: {  	_ =	shalt  }
0x5c: {  	_ =	shalt  }
0x5d: {  	_ =	shalt  }
0x5e: {  	_ =	shalt  }
0x5f: {  	_ =	shalt  }
0x60: {  	_ =	shalt  }
0x61: {  	_ =	shalt  }
0x62: {  	_ =	shalt  }
0x63: {  	_ =	shalt  }
0x64: {  	_ =	shalt  }
0x65: {  	_ =	shalt  }
0x66: {  	_ =	shalt  }
0x67: {  	_ =	shalt  }
0x68: {  	_ =	shalt  }
0x69: {  	_ =	shalt  }
0x6a: {  	_ =	shalt  }
0x6b: {  	_ =	shalt  }
0x6c: {  	_ =	shalt  }
0x6d: {  	_ =	shalt  }
0x6e: {  	_ =	shalt  }
0x6f: {  	_ =	shalt  }
0x70: {  	_ =	shalt  }
0x71: {  	_ =	shalt  }
0x72: {  	_ =	shalt  }
0x73: {  	_ =	shalt  }
0x74: {  	_ =	shalt  }
0x75: {  	_ =	shalt  }
0x76: {  	_ =	shalt  }
0x77: {  	_ =	shalt  }
0x78: {  	_ =	shalt  }
0x79: {  	_ =	shalt  }
0x7a: {  	_ =	shalt  }
0x7b: {  	_ =	shalt  }
0x7c: {  	_ =	shalt  }
0x7d: {  	_ =	shalt  }
0x7e: {  	_ =	shalt  }
0x7f: {  	_ =	shalt  }
0x80: {  	_ =	shalt  }
0x81: {  	_ =	shalt  }
0x82: {  	_ =	shalt  }
0x83: {  	_ =	shalt  }
0x84: {  	_ =	shalt  }
0x85: {  	_ =	shalt  }
0x86: {  	_ =	shalt  }
0x87: {  	_ =	shalt  }
.Lfunc_end0:
.L_simem_size_0:
called_computation_lowered:
.L_overlay_start_0:
0x88: {  	s2 =	sld [smem:$0x3FD9]  }
0x89: {  	s3 =	sld [smem:$0x3FFE];
	_ =	sdelay $0x1  }
0x8a: {  	s1 =	srdreg.scid  }
0x8b: {  	s0 =	sand.u32 $0x1, s1  }
0x8c: {  	s16 =	sshll.u32 s0, $0xA;
	s2 =	sadd.s32 s3, s2  }
0x8d: {  	s2 =	sadd.s32 s2, s16  }
0x8e: {  	[smem:$0x3FBF] =	sst s2  }
0x8f: {  	_ = 	snop  }
0x90: {  	(tm) =	ssettm $0x1  }
0x91: {  	s17 =	sld [smem:$0x3FFB];
	_ =	sdelay $0x3  }
0x92: {  	_ =	strace s17  }
0x93: {  	s2 =	sld [smem:$0x3FFC];
	_ =	sdelay $0x3  }
0x94: {  	_ =	strace s2  }
0x95: {  	s2 =	sld [smem:$0x3FFD];
	_ =	sdelay $0x3  }
0x96: {  	_ =	strace s2  }
0x97: {  	_ =	strace $0x8FFFFFFF  }
0x98: {  	s18 =	sld [smem:$0x3FDB];
	_ =	sdelay $0x1  }
0x99: {  	s19 =	simm.s32 $_scs_section_size  }
0x9a: {  	s4 =	simm.s32 $_size__tile_overlayer_lowered;
	s5 =	simm.s32 $_tile_overlayer_lowered  }
0x9b: {  	s22 =	simm.s32 $0x1BFF;
	s21 =	sshll.u32 s5, $0x1;
	s2 =	sadd.s32 s19, s18  }
0x9c: {  	s6 =	simm.s32 $0x0;
	s20 =	sshll.u32 s4, $0x1;
	s4 =	sadd.s32 s21, s2  }
0x9d: {  	[timem:s6], [sflag:s22] =	dma.local [hbm:s4], s20  }
0x9e: {  	_ =	swait.ge [sflag:s22], s20  }
0x9f: {  	s3 =	ssub.s32 $0x0, s20;
	[sflag:s22] =	ssyncset.done $0x0  }
0xa0: {  	[sflag:s22] =	ssyncadd.s32 s3;
	_ =	sdelay $0x1  }
0xa1: {  	s23 =	simm.s32 $0x1B8B  }
0xa2: {  	_ =	swait.ge [sflag:s23], $0x1  }
0xa3: {  	[sflag:s23] =	ssyncset.done $0x0  }
0xa4: {  	s25 =	simm.s32 $0x1B8E;
	s24 =	sld [smem:$0x3FFE];
	[sflag:s23] =	ssyncadd.s32 $0xFFFFFFFF  }
0xa5: {  	s26 =	simm.s32 $execute0_lowered;
	[smem:$0x3FD2] =	sst s25  }
0xa6: {  	s4 =	sshll.u32 s26, $0x1;
	_ =	strace $0x80000046;
	[dreg:$0x1] =	wrdreg $0xFFFFFFFF  }
0xa7: {  	s28 =	simm.s32 $_size_execute0_lowered;
	s2 =	sadd.s32 s2, s4;
	[dreg:$0x0] =	wrdreg $0x0  }
0xa8: {  	s4 =	sshll.u32 s28, $0x1;
	[dreg:$0x2] =	wrdreg s2  }
0xa9: {  	[dreg:$0x3] =	wrdreg s4  }
0xaa: {  	[dreg:$0x4] =	wrdreg $0xC0  }
0xab: {  	_ =	task [dreg:s6], $0x5FFFF  }
0xac: {  	[dreg:$0x1] =	wrdreg $0xFFFFFFFF  }
0xad: {  	[dreg:$0x0] =	wrdreg $0x60  }
0xae: {  	[dreg:$0x2] =	wrdreg s24  }
0xaf: {  	[dreg:$0x3] =	wrdreg $0x2E100  }
0xb0: {  	[dreg:$0x4] =	wrdreg $0x9  }
0xb1: {  	_ =	task.clear_ibuf [dreg:s6], $0x5FFFF;
	_ =	strace $0x90000046  }
0xb2: {  	s29 =	simm.s32 $0x9;
	_ =	strace $0x80000048  }
0xb3: {  	_ =	swait.ge [sflag:s29], $0x1  }
0xb4: {  	[sflag:s29] =	ssyncadd.s32 $0xFFFFFFFF  }
0xb5: {  	_ =	strace $0x90000048  }
0xb6: {  	_ =	sfence  }
0xb7: {  	s30 =	sld [smem:$0x0];
	_ =	sdelay $0x2  }
0xb8: {  	s31 =	sshll.u32 s1, $0xD;
	s1 =	sshrl.u32 s1, $0x2  }
0xb9: {  	s3 =	sand.u32 $0x4000, s31;
	s1 =	sadd.s32 s1, s30  }
0xba: {  	s0 =	sor.u32 s3, s0;
	s1 =	sshll.u32 s1, $0x11  }
0xbb: {  	s0 =	sor.u32 s1, s0  }
0xbc: {  	s0 =	sadd.s32 $0x8F2B, s0  }
0xbd: {  	[sflag:s0] =	ssyncadd.remote.s32 $0x1  }
0xbe: {  	_ =	sfence.sel $0xFFFF  }
0xbf: {  	[dreg:$0x0] =	wrdreg $0xFFFFFFFF;
	(pc) =	sbr.abs _section_cstart, $3  }
0xc0: {  	[dreg:$0x1] =	wrdreg $0xFFFFFFFF  }
0xc1: {  	_ =	task.clear_ibuf [dreg:s6], $0x2FFFF;
	_ =	strace $0x9FFFFFFF  }
0xc2: {  	(tm) =	ssettm $0x7FFFFFFF  }
0xc3: {  	_ =	shalt  }
tec
execute0_lowered:
.L_overlay_start_1:
0x0: {  	(tag) =	ssettag $0x1  }
0x1: {  	s0 =	srdreg.scid  }
0x2: {  	s6 =	stileid.u32;
	s3 =	rddreg [dreg:$0x0]  }
0x3: {  	s2 =	rddreg [dreg:$0x1];
	s5 =	simm.s32 $0x0;
	s28 =	simm.s32 $0x2C10  }
0x4: {  	s29 =	simm.s32 $0x2;
	s30 =	simm.s32 $0x1;
	s31 =	simm.s32 $0x50  }
0x5: {  	s0 =	sand.u32 $0x1, s0;
	s1 =	sshll.u32 s6, $0x1;
	s23 =	smul.u32 $0x500, s6  }
0x6: {  	[smem:$0x7FF] =	sst s5;
	s6 =	smul.u32 $0xA000, s6;
	s1 =	sor.u32 s0, s1  }
0x7: {  	s4 =	smul.u32 $0x5000, s0;
	_ =	strace $0x80000047;
	s0 =	ssub.s32 $0x2, s0  }
0x8: {  	s1 =	smul.u32 $0x4E2, s1;
	s24 =	sshrl.u32 s0, $0x1;
	s25 =	sshrl.u32 s6, $0x2  }
0x9: {  	s4 =	sadd.s32 s23, s4;
	s0 =	ssub.s32 s0, s24;
	s5 =	sadd.s32 s25, s2  }
0xa: {  	s1 =	sadd.s32 s1, s3;
	s3 =	sadd.s32 s4, s3;
	s0 =	smax.u32 s0, $0x1  }
0xb: {  	s8 =	sadd.s32 $0x200, s5;
	s9 =	sadd.s32 $0x400, s5;
	s10 =	sadd.s32 $0x600, s5  }
0xc: {  	s11 =	sadd.s32 $0x800, s5;
	s12 =	sadd.s32 $0xA00, s5;
	s13 =	sadd.s32 $0xC00, s5  }
0xd: {  	s14 =	sadd.s32 $0xE00, s5;
	s15 =	sadd.s32 $0x1000, s5;
	s16 =	sadd.s32 $0x1200, s5  }
0xe: {  	s17 =	sadd.s32 $0x1400, s5;
	s18 =	sadd.s32 $0x1600, s5;
	s19 =	sadd.s32 $0x1800, s5  }
0xf: {  	s20 =	sadd.s32 $0x1A00, s5;
	s21 =	sadd.s32 $0x1C00, s5;
	s22 =	sadd.s32 $0x1E00, s5  }
0x10: {  	s23 =	sadd.s32 $0x2000, s5;
	s24 =	sadd.s32 $0x2200, s5;
	s25 =	sadd.s32 $0x2400, s5  }
0x11: {  	s1 =	sadd.s32 $0x2400, s1;
	s26 =	sadd.s32 $0x16000, s3;
	[dreg:$0x5] =	wrdreg s0  }
0x12: {  	s3 =	simm.s32 $0x3;
	s0 =	simm.s32 $0x0;
	[dreg:$0x3] =	wrdreg s1  }
0x13: {  	v0 =	vimm.f32 $1.000000000e+00;
	v1 =	vimm.f32 $0.0e+00;
	[dreg:$0x4] =	wrdreg s26;
	s26 =	sadd.s32 $0x2600, s5;
	s1 =	simm.s32 $0x2710  }
.LBB2_1:
0x14: {  	s4 =	simm.s32 $0x0;
	s6 =	rddreg [dreg:$0x3]  }
0x15: {  	[tilespmem:s4], [sflag:$0x1] =	stream.linear.gather [hbm4b:s6+s4], $0x2710, $0x38;
	[tilespmem:$0x5610] =	vst v63  }
0x16: {  	s4 =	simm.s32 $0x40;
	s6 =	simm.s32 $0x0  }
.LBB2_2:
0x17: {  	p0 =	sne.s32 s4, $0x13C0;
	[tilespmem:s6+$0x2710] =	vst v0;
	s6 =	smov.u32 s4;
	s4 =	sadd.s32 $0x40, s4  }
.Ltmp0:
0x18: {  	(pc) =	sbr.rel @p0 .LBB2_2-.Ltmp0, $2  }
0x19: {  	_ =	sdelay $0x2  }
0x1a: {  	s6 =	sshra.s32 s6, $0x2  }
0x1b: {  	[tilespmem:s6+$0x2710] =	vst v0  }
0x1c: {  	[tilespmem:$0x2C10] =	vst v1  }
0x1d: {  	[tilespmem:$0x2C20] =	vst v1  }
0x1e: {  	[tilespmem:$0x2C30] =	vst v1  }
0x1f: {  	[tilespmem:$0x2C40] =	vst v1  }
0x20: {  	[tilespmem:$0x2C50] =	vst v1  }
0x21: {  	[tilespmem:$0x2C60] =	vst v1  }
0x22: {  	[tilespmem:$0x2C70] =	vst v1  }
0x23: {  	[tilespmem:$0x2C80] =	vst v1  }
0x24: {  	[tilespmem:$0x2C90] =	vst v1  }
0x25: {  	[tilespmem:$0x2CA0] =	vst v1  }
0x26: {  	[tilespmem:$0x2CB0] =	vst v1  }
0x27: {  	[tilespmem:$0x2CC0] =	vst v1  }
0x28: {  	[tilespmem:$0x2CD0] =	vst v1  }
0x29: {  	[tilespmem:$0x2CE0] =	vst v1  }
0x2a: {  	[tilespmem:$0x2CF0] =	vst v1  }
0x2b: {  	[tilespmem:$0x2D00] =	vst v1  }
0x2c: {  	[tilespmem:$0x2D10] =	vst v1  }
0x2d: {  	[tilespmem:$0x2D20] =	vst v1  }
0x2e: {  	[tilespmem:$0x2D30] =	vst v1  }
0x2f: {  	[tilespmem:$0x2D40] =	vst v1  }
0x30: {  	[tilespmem:$0x2D50] =	vst v1  }
0x31: {  	[tilespmem:$0x2D60] =	vst v1  }
0x32: {  	[tilespmem:$0x2D70] =	vst v1  }
0x33: {  	[tilespmem:$0x2D80] =	vst v1  }
0x34: {  	[tilespmem:$0x2D90] =	vst v1  }
0x35: {  	[tilespmem:$0x2DA0] =	vst v1  }
0x36: {  	[tilespmem:$0x2DB0] =	vst v1  }
0x37: {  	[tilespmem:$0x2DC0] =	vst v1  }
0x38: {  	[tilespmem:$0x2DD0] =	vst v1  }
0x39: {  	[tilespmem:$0x2DE0] =	vst v1  }
0x3a: {  	[tilespmem:$0x2DF0] =	vst v1  }
0x3b: {  	[tilespmem:$0x2E00] =	vst v1  }
0x3c: {  	[spmem:s5] =	stream.linear.scatter [tilespmem:s28], [sflag:$0x2], $0x200, $0x38;
	[tilespmem:$0x5610] =	vst v63  }
0x3d: {  	_ = 	snop  }
0x3e: {  	[spmem:s8] =	stream.linear.scatter [tilespmem:s28], [sflag:$0x2], $0x200, $0x38;
	[tilespmem:$0x5610] =	vst v63  }
0x3f: {  	_ = 	snop  }
0x40: {  	[spmem:s9] =	stream.linear.scatter [tilespmem:s28], [sflag:$0x2], $0x200, $0x38;
	[tilespmem:$0x5610] =	vst v63  }
0x41: {  	_ = 	snop  }
0x42: {  	[spmem:s10] =	stream.linear.scatter [tilespmem:s28], [sflag:$0x2], $0x200, $0x38;
	[tilespmem:$0x5610] =	vst v63  }
0x43: {  	_ = 	snop  }
0x44: {  	[spmem:s11] =	stream.linear.scatter [tilespmem:s28], [sflag:$0x2], $0x200, $0x38;
	[tilespmem:$0x5610] =	vst v63  }
0x45: {  	_ = 	snop  }
0x46: {  	[spmem:s12] =	stream.linear.scatter [tilespmem:s28], [sflag:$0x2], $0x200, $0x38;
	[tilespmem:$0x5610] =	vst v63  }
0x47: {  	_ = 	snop  }
0x48: {  	[spmem:s13] =	stream.linear.scatter [tilespmem:s28], [sflag:$0x2], $0x200, $0x38;
	[tilespmem:$0x5610] =	vst v63  }
0x49: {  	_ = 	snop  }
0x4a: {  	[spmem:s14] =	stream.linear.scatter [tilespmem:s28], [sflag:$0x2], $0x200, $0x38;
	[tilespmem:$0x5610] =	vst v63  }
0x4b: {  	_ = 	snop  }
0x4c: {  	[spmem:s15] =	stream.linear.scatter [tilespmem:s28], [sflag:$0x2], $0x200, $0x38;
	[tilespmem:$0x5610] =	vst v63  }
0x4d: {  	_ = 	snop  }
0x4e: {  	[spmem:s16] =	stream.linear.scatter [tilespmem:s28], [sflag:$0x2], $0x200, $0x38;
	[tilespmem:$0x5610] =	vst v63  }
0x4f: {  	_ = 	snop  }
0x50: {  	[spmem:s17] =	stream.linear.scatter [tilespmem:s28], [sflag:$0x2], $0x200, $0x38;
	[tilespmem:$0x5610] =	vst v63  }
0x51: {  	_ = 	snop  }
0x52: {  	[spmem:s18] =	stream.linear.scatter [tilespmem:s28], [sflag:$0x2], $0x200, $0x38;
	[tilespmem:$0x5610] =	vst v63  }
0x53: {  	_ = 	snop  }
0x54: {  	[spmem:s19] =	stream.linear.scatter [tilespmem:s28], [sflag:$0x2], $0x200, $0x38;
	[tilespmem:$0x5610] =	vst v63  }
0x55: {  	_ = 	snop  }
0x56: {  	[spmem:s20] =	stream.linear.scatter [tilespmem:s28], [sflag:$0x2], $0x200, $0x38;
	[tilespmem:$0x5610] =	vst v63  }
0x57: {  	_ = 	snop  }
0x58: {  	[spmem:s21] =	stream.linear.scatter [tilespmem:s28], [sflag:$0x2], $0x200, $0x38;
	[tilespmem:$0x5610] =	vst v63  }
0x59: {  	_ = 	snop  }
0x5a: {  	[spmem:s22] =	stream.linear.scatter [tilespmem:s28], [sflag:$0x2], $0x200, $0x38;
	[tilespmem:$0x5610] =	vst v63  }
0x5b: {  	_ = 	snop  }
0x5c: {  	[spmem:s23] =	stream.linear.scatter [tilespmem:s28], [sflag:$0x2], $0x200, $0x38;
	[tilespmem:$0x5610] =	vst v63  }
0x5d: {  	_ = 	snop  }
0x5e: {  	[spmem:s24] =	stream.linear.scatter [tilespmem:s28], [sflag:$0x2], $0x200, $0x38;
	[tilespmem:$0x5610] =	vst v63  }
0x5f: {  	_ = 	snop  }
0x60: {  	[spmem:s25] =	stream.linear.scatter [tilespmem:s28], [sflag:$0x2], $0x200, $0x38;
	[tilespmem:$0x5610] =	vst v63  }
0x61: {  	_ = 	snop  }
0x62: {  	[spmem:s26] =	stream.linear.scatter [tilespmem:s28], [sflag:$0x2], $0x200, $0x38;
	[tilespmem:$0x5610] =	vst v63  }
0x63: {  	_ =	swait.ge [sflag:s29], $0x200  }
0x64: {  	[sflag:s29] =	ssyncset.done $0x0  }
0x65: {  	[sflag:s29] =	ssyncadd.s32 $0xFFFFFE00  }
0x66: {  	_ =	swait.ge [sflag:s29], $0x200  }
0x67: {  	[sflag:s29] =	ssyncset.done $0x0  }
0x68: {  	[sflag:s29] =	ssyncadd.s32 $0xFFFFFE00  }
0x69: {  	_ =	swait.ge [sflag:s29], $0x200  }
0x6a: {  	[sflag:s29] =	ssyncset.done $0x0  }
0x6b: {  	[sflag:s29] =	ssyncadd.s32 $0xFFFFFE00  }
0x6c: {  	_ =	swait.ge [sflag:s29], $0x200  }
0x6d: {  	[sflag:s29] =	ssyncset.done $0x0  }
0x6e: {  	[sflag:s29] =	ssyncadd.s32 $0xFFFFFE00  }
0x6f: {  	_ =	swait.ge [sflag:s29], $0x200  }
0x70: {  	[sflag:s29] =	ssyncset.done $0x0  }
0x71: {  	[sflag:s29] =	ssyncadd.s32 $0xFFFFFE00  }
0x72: {  	_ =	swait.ge [sflag:s29], $0x200  }
0x73: {  	[sflag:s29] =	ssyncset.done $0x0  }
0x74: {  	[sflag:s29] =	ssyncadd.s32 $0xFFFFFE00  }
0x75: {  	_ =	swait.ge [sflag:s29], $0x200  }
0x76: {  	[sflag:s29] =	ssyncset.done $0x0  }
0x77: {  	[sflag:s29] =	ssyncadd.s32 $0xFFFFFE00  }
0x78: {  	_ =	swait.ge [sflag:s29], $0x200  }
0x79: {  	[sflag:s29] =	ssyncset.done $0x0  }
0x7a: {  	[sflag:s29] =	ssyncadd.s32 $0xFFFFFE00  }
0x7b: {  	_ =	swait.ge [sflag:s29], $0x200  }
0x7c: {  	[sflag:s29] =	ssyncset.done $0x0  }
0x7d: {  	[sflag:s29] =	ssyncadd.s32 $0xFFFFFE00  }
0x7e: {  	_ =	swait.ge [sflag:s29], $0x200  }
0x7f: {  	[sflag:s29] =	ssyncset.done $0x0  }
0x80: {  	[sflag:s29] =	ssyncadd.s32 $0xFFFFFE00  }
0x81: {  	_ =	swait.ge [sflag:s29], $0x200  }
0x82: {  	[sflag:s29] =	ssyncset.done $0x0  }
0x83: {  	[sflag:s29] =	ssyncadd.s32 $0xFFFFFE00  }
0x84: {  	_ =	swait.ge [sflag:s29], $0x200  }
0x85: {  	[sflag:s29] =	ssyncset.done $0x0  }
0x86: {  	[sflag:s29] =	ssyncadd.s32 $0xFFFFFE00  }
0x87: {  	_ =	swait.ge [sflag:s29], $0x200  }
0x88: {  	[sflag:s29] =	ssyncset.done $0x0  }
0x89: {  	[sflag:s29] =	ssyncadd.s32 $0xFFFFFE00  }
0x8a: {  	_ =	swait.ge [sflag:s29], $0x200  }
0x8b: {  	[sflag:s29] =	ssyncset.done $0x0  }
0x8c: {  	[sflag:s29] =	ssyncadd.s32 $0xFFFFFE00  }
0x8d: {  	_ =	swait.ge [sflag:s29], $0x200  }
0x8e: {  	[sflag:s29] =	ssyncset.done $0x0  }
0x8f: {  	[sflag:s29] =	ssyncadd.s32 $0xFFFFFE00  }
0x90: {  	_ =	swait.ge [sflag:s29], $0x200  }
0x91: {  	[sflag:s29] =	ssyncset.done $0x0  }
0x92: {  	[sflag:s29] =	ssyncadd.s32 $0xFFFFFE00  }
0x93: {  	_ =	swait.ge [sflag:s29], $0x200  }
0x94: {  	[sflag:s29] =	ssyncset.done $0x0  }
0x95: {  	[sflag:s29] =	ssyncadd.s32 $0xFFFFFE00  }
0x96: {  	_ =	swait.ge [sflag:s29], $0x200  }
0x97: {  	[sflag:s29] =	ssyncset.done $0x0  }
0x98: {  	[sflag:s29] =	ssyncadd.s32 $0xFFFFFE00  }
0x99: {  	_ =	swait.ge [sflag:s29], $0x200  }
0x9a: {  	[sflag:s29] =	ssyncset.done $0x0  }
0x9b: {  	[sflag:s29] =	ssyncadd.s32 $0xFFFFFE00  }
0x9c: {  	_ =	swait.ge [sflag:s29], $0x200  }
0x9d: {  	[sflag:s29] =	ssyncset.done $0x0  }
0x9e: {  	[sflag:s29] =	ssyncadd.s32 $0xFFFFFE00  }
0x9f: {  	_ =	swait.ge [sflag:s30], $0x2710  }
0xa0: {  	[sflag:s30] =	ssyncset.done $0x0  }
0xa1: {  	[sflag:s30] =	ssyncadd.s32 $0xFFFFD8F0  }
0xa2: {  	s4 =	simm.s32 $0x0;
	[bflag:$0x0] =	sbarrier.arrive $0xFFFF  }
.LBB2_4:
0xa3: {  	p0 =	sne.s32 s4, $0x9B00  }
.Ltmp1:
0xa4: {  	_ = 	snop;
	(pc) =	sbr.rel @p0 .LBB2_4-.Ltmp1, $3  }
0xa5: {  	_ =	sdelay $0x1  }
0xa6: {  	s6 =	sshra.s32 s4, $0x2;
	s4 =	sadd.s32 $0x140, s4  }
0xa7: {  	[spmem:s2] =	stream.indirect.scatter.add.f32 [tilespmem:s1], [sflag:$0x2], $0x10, s6, s31, $0xb8;
	[tilespmem:$0x5610] =	vst v63  }
0xa8: {  	_ =	swait.ge [sflag:s29], $0x500  }
0xa9: {  	s4 =	simm.s32 $0x7C;
	[sflag:s29] =	ssyncset.done $0x0  }
.LBB2_6:
0xaa: {  	p0 =	sne.s32 s4, $0x1;
	s4 =	sadd.s32 $0xFFFFFFFF, s4;
	[sflag:s29] =	ssyncadd.s32 $0xFFFFFB00  }
.Ltmp2:
0xab: {  	(pc) =	sbr.rel @p0 .LBB2_6-.Ltmp2, $3  }
0xac: {  	_ =	sdelay $0x1  }
0xad: {  	_ =	swait.ge [sflag:s29], $0x500  }
0xae: {  	[sflag:s29] =	ssyncset.done $0x0  }
0xaf: {  	[sflag:s29] =	ssyncadd.s32 $0xFFFFFB00;
	s4 =	stileid.u32  }
0xb0: {  	s4 =	sshll.u32 s4, $0x6;
	[bflag:$0x0] =	sbarrier.arrive $0xFFFF  }
0xb1: {  	s6 =	sshrl.u32 s5, $0x3;
	s4 =	sor.u32 $0x1C03, s4;
	s7 =	rddreg [dreg:$0x4]  }
0xb2: {  	[hbm:s7], [sflag:s4] =	dma.local [spmem:s6], $0x500  }
0xb3: {  	_ =	swait.ge [sflag:s3], $0x500  }
0xb4: {  	s0 =	sadd.s32 $0x1, s0;
	s7 =	rddreg [dreg:$0x5]  }
0xb5: {  	p0 =	sne.s32 s0, s7  }
.Ltmp3:
0xb6: {  	_ = 	snop;
	(pc) =	sbr.rel @p0 .LBB2_1-.Ltmp3, $3  }
0xb7: {  	_ =	sdelay $0x1  }
0xb8: {  	[sflag:s3] =	ssyncset.done $0x0  }
0xb9: {  	[sflag:s3] =	ssyncadd.s32 $0xFFFFFB00  }
0xba: {  	_ =	sfence.sel $0x180000  }
0xbb: {  	[bflag:$0x0] =	sbarrier.arrive $0xFFFF  }
0xbc: {  	_ =	strace $0x90000047  }
0xbd: {  	s0 =	stileid.u32;
	[bflag:$0x2] =	sbarrier.arrive $0xFFFF  }
0xbe: {  	p0 =	sne.s32 s0, $0x0;
	s0 =	rddreg [dreg:$0x2]  }
0xbf: {  	s0 =	sadd.s32 @!p0 $0x100000, s0  }
0xc0: {  	[sflag:s0] =	ssyncadd.tile.s32 @!p0 $0x1;
	_ =	shalt  }
.Lfunc_end2:
_tile_overlayer_lowered:
.L_overlay_start_2:
0xc1: {  	(tag) =	ssettag $0x2  }
0xc2: {  	s0 =	rddreg [dreg:$0x0];
	s2 =	stileid.u32  }
0xc3: {  	s1 =	rddreg [dreg:$0x1];
	p0 =	sne.s32 s2, $0x0  }
0xc4: {  	s3 =	rddreg [dreg:$0x2];
	[bflag:$0x3] =	sbarrier.arrive $0xFFFF;
	s2 =	simm.s32 @!p0 $0x1C03  }
0xc5: {  	[timem:s3], [sflag:s2] =	dma.local @!p0 [hbm:s0], s1  }
0xc6: {  	s0 =	simm.s32 @!p0 $0x3  }
0xc7: {  	_ =	swait.ge @!p0 [sflag:s0], s1  }
0xc8: {  	s1 =	ssub.s32 @!p0 $0x0, s1;
	[sflag:s0] =	ssyncset.done @!p0 $0x0  }
0xc9: {  	[sflag:s0] =	ssyncadd.s32 @!p0 s1  }
0xca: {  	[bflag:$0x3] =	sbarrier.arrive $0xFFFF  }
0xcb: {  	_ =	shalt  }

// kernel: gcn_prop_128.3.cloned.1.call-start
scs
__scs_entry_jumppad:
0x0: {  	(pc) =	sbr.rel $0x88, $3  }
0x1: {  	(tag) =	ssettag $0x0;
	lr =	simm.s32 $0x1  }
0x2: {  	[smem:$0x3F98] =	sst lr;
	_ =	strace $0xD0000000  }
0x3: {  	_ = 	snop  }
0x4: {  	_ = 	snop  }
0x5: {  	_ = 	snop  }
0x6: {  	_ = 	snop  }
0x7: {  	_ = 	snop  }
__scs_overlays_trampoline_lowered:
0x8: {  	[smem:$0x3FA7] =	sst s0  }
0x9: {  	[smem:$0x3FA8] =	sst s1  }
0xa: {  	[smem:$0x3FA9] =	sst s2  }
0xb: {  	[smem:$0x3FAA] =	sst s3  }
0xc: {  	[smem:$0x3FAB] =	sst s4  }
0xd: {  	[smem:$0x3FAC] =	sst s5  }
0xe: {  	[smem:$0x3FAD] =	sst s6  }
0xf: {  	[smem:$0x3FAE] =	sst s7  }
0x10: {  	[smem:$0x3FAF] =	sst s8  }
0x11: {  	[smem:$0x3FB0] =	sst s9;
	s0 =	simm.s32 @!p0 $0x0  }
0x12: {  	s1 =	sld [smem:$0x3F96];
	s0 =	simm.s32 @p0 $0x1  }
0x13: {  	[smem:$0x3FB1] =	sst s0;
	s0 =	simm.s32 @!p1 $0x0  }
0x14: {  	s2 =	sld [smem:$0x3F95];
	s0 =	simm.s32 @p1 $0x1  }
0x15: {  	[smem:$0x3FB2] =	sst s0;
	s0 =	simm.s32 @!p2 $0x0  }
0x16: {  	s3 =	sld [smem:$0x3FDB];
	s0 =	simm.s32 @p2 $0x1  }
0x17: {  	s4 =	simm.s32 $0x1BF5;
	[smem:$0x3FB4] =	sst s0  }
0x18: {  	s0 =	sld [smem:$0x3F97];
	_ =	swait.ge [sflag:s4], $0x0  }
0x19: {  	s7 =	sld [smem:$0x3F98]  }
0x1a: {  	s8 =	sadd.s32 $0xFFFFE003, lr  }
0x1b: {  	s9 =	sadd.s32 $0xFFFFFEF7, lr;
	s5 =	simm.s32 $0xFFFFFFFF;
	p2 =	slt.u32 s8, $0xFFFFF086  }
0x1c: {  	p1 =	slt.u32 s9, $0xF7A;
	s5 =	simm.s32 @!p2 $0x0  }
0x1d: {  	s5 =	simm.s32 @p1 $0x1;
	p0 =	seq.s32 s7, s2  }
0x1e: {  	s7 =	smul.u32 @!p0 $0xF7A, s2;
	p2 =	seq.s32 @!p0 s5, $0x0  }
0x1f: {  	s9 =	smul.u32 $0xF7A, s1;
	s8 =	simm.s32 @!p0 $0x1BF5;
	p2 =	por !p2, p0  }
0x20: {  	[sflag:s8] =	ssyncset.s32 @!p0 $0xFFFFF086;
	s6 =	sadd.s32 @!p0 s3, s7;
	s7 =	simm.s32 @!p0 $0x108  }
0x21: {  	s3 =	sadd.s32 s3, s9;
	s6 =	sadd.s32 @!p0 $0x88, s6;
	s7 =	simm.s32 @p2 $0x1082  }
0x22: {  	[simem:s7], [sflag:s8] =	dma.local @!p0 [hbm:s6], $0xF7A  }
0x23: {  	s9 =	sor.u32 $0xD0000000, s2;
	s6 =	simm.s32 $0x108;
	_ =	swait.ge @!p0 [sflag:s8], $0x0  }
0x24: {  	s3 =	sadd.s32 $0x88, s3;
	s6 =	simm.s32 @!p1 $0x1082;
	[sflag:s4] =	ssyncset.s32 $0xFFFFF086  }
0x25: {  	[simem:s6], [sflag:s4] =	dma.local [hbm:s3], $0xF7A  }
0x26: {  	[smem:$0x3F98] =	sst s1;
	(tag) =	ssettag s2;
	_ =	strace s9  }
0x27: {  	s1 =	sld [smem:$0x3FA8]  }
0x28: {  	s2 =	sld [smem:$0x3FA9]  }
0x29: {  	s4 =	sld [smem:$0x3FAB]  }
0x2a: {  	p0 =	seq.s32 s5, $0x0;
	s5 =	sld [smem:$0x3FAC]  }
0x2b: {  	s6 =	sld [smem:$0x3FAD]  }
0x2c: {  	s7 =	sld [smem:$0x3FAE]  }
0x2d: {  	s3 =	simm.s32 $0x108;
	s8 =	sld [smem:$0x3FAF]  }
0x2e: {  	s3 =	simm.s32 @!p0 $0x1082;
	s9 =	sld [smem:$0x3FB0]  }
0x2f: {  	lr =	sadd.s32 s0, s3;
	s0 =	sld [smem:$0x3FA7]  }
0x30: {  	s3 =	sld [smem:$0x3FAA]  }
0x31: {  	[smem:$0x3FB3] =	sst s10  }
0x32: {  	s10 =	sld [smem:$0x3FB1];
	_ =	sdelay $0x3  }
0x33: {  	p0 =	seq.s32 s10, $0x1;
	s10 =	sld [smem:$0x3FB3];
	_ =	sdelay $0x3  }
0x34: {  	[smem:$0x3FB3] =	sst s10  }
0x35: {  	s10 =	sld [smem:$0x3FB2];
	_ =	sdelay $0x3  }
0x36: {  	p1 =	seq.s32 s10, $0x1;
	s10 =	sld [smem:$0x3FB3];
	_ =	sdelay $0x3  }
0x37: {  	[smem:$0x3FB3] =	sst s10  }
0x38: {  	s10 =	sld [smem:$0x3FB4]  }
0x39: {  	_ = 	snop;
	(pc) =	sbr.ind lr, $3  }
0x3a: {  	_ = 	snop  }
0x3b: {  	_ = 	snop  }
0x3c: {  	p2 =	seq.s32 s10, $0x1;
	s10 =	sld [smem:$0x3FB3]  }
0x3d: {  	_ =	shalt  }
0x3e: {  	_ =	shalt  }
0x3f: {  	_ =	shalt  }
0x40: {  	_ =	shalt  }
0x41: {  	_ =	shalt  }
0x42: {  	_ =	shalt  }
0x43: {  	_ =	shalt  }
0x44: {  	_ =	shalt  }
0x45: {  	_ =	shalt  }
0x46: {  	_ =	shalt  }
0x47: {  	_ =	shalt  }
0x48: {  	_ =	shalt  }
0x49: {  	_ =	shalt  }
0x4a: {  	_ =	shalt  }
0x4b: {  	_ =	shalt  }
0x4c: {  	_ =	shalt  }
0x4d: {  	_ =	shalt  }
0x4e: {  	_ =	shalt  }
0x4f: {  	_ =	shalt  }
0x50: {  	_ =	shalt  }
0x51: {  	_ =	shalt  }
0x52: {  	_ =	shalt  }
0x53: {  	_ =	shalt  }
0x54: {  	_ =	shalt  }
0x55: {  	_ =	shalt  }
0x56: {  	_ =	shalt  }
0x57: {  	_ =	shalt  }
0x58: {  	_ =	shalt  }
0x59: {  	_ =	shalt  }
0x5a: {  	_ =	shalt  }
0x5b: {  	_ =	shalt  }
0x5c: {  	_ =	shalt  }
0x5d: {  	_ =	shalt  }
0x5e: {  	_ =	shalt  }
0x5f: {  	_ =	shalt  }
0x60: {  	_ =	shalt  }
0x61: {  	_ =	shalt  }
0x62: {  	_ =	shalt  }
0x63: {  	_ =	shalt  }
0x64: {  	_ =	shalt  }
0x65: {  	_ =	shalt  }
0x66: {  	_ =	shalt  }
0x67: {  	_ =	shalt  }
0x68: {  	_ =	shalt  }
0x69: {  	_ =	shalt  }
0x6a: {  	_ =	shalt  }
0x6b: {  	_ =	shalt  }
0x6c: {  	_ =	shalt  }
0x6d: {  	_ =	shalt  }
0x6e: {  	_ =	shalt  }
0x6f: {  	_ =	shalt  }
0x70: {  	_ =	shalt  }
0x71: {  	_ =	shalt  }
0x72: {  	_ =	shalt  }
0x73: {  	_ =	shalt  }
0x74: {  	_ =	shalt  }
0x75: {  	_ =	shalt  }
0x76: {  	_ =	shalt  }
0x77: {  	_ =	shalt  }
0x78: {  	_ =	shalt  }
0x79: {  	_ =	shalt  }
0x7a: {  	_ =	shalt  }
0x7b: {  	_ =	shalt  }
0x7c: {  	_ =	shalt  }
0x7d: {  	_ =	shalt  }
0x7e: {  	_ =	shalt  }
0x7f: {  	_ =	shalt  }
0x80: {  	_ =	shalt  }
0x81: {  	_ =	shalt  }
0x82: {  	_ =	shalt  }
0x83: {  	_ =	shalt  }
0x84: {  	_ =	shalt  }
0x85: {  	_ =	shalt  }
0x86: {  	_ =	shalt  }
0x87: {  	_ =	shalt  }
.Lfunc_end0:
.L_simem_size_0:
called_computation.1_lowered:
.L_overlay_start_0:
0x88: {  	s2 =	sld [smem:$0x3FD9]  }
0x89: {  	s3 =	sld [smem:$0x3FFE];
	_ =	sdelay $0x1  }
0x8a: {  	s1 =	srdreg.scid  }
0x8b: {  	s0 =	sand.u32 $0x1, s1  }
0x8c: {  	s16 =	sshll.u32 s0, $0xA;
	s2 =	sadd.s32 s3, s2  }
0x8d: {  	s2 =	sadd.s32 s2, s16  }
0x8e: {  	[smem:$0x3FBF] =	sst s2  }
0x8f: {  	_ = 	snop  }
0x90: {  	(tm) =	ssettm $0x1  }
0x91: {  	s17 =	sld [smem:$0x3FFB];
	_ =	sdelay $0x3  }
0x92: {  	_ =	strace s17  }
0x93: {  	s2 =	sld [smem:$0x3FFC];
	_ =	sdelay $0x3  }
0x94: {  	_ =	strace s2  }
0x95: {  	s2 =	sld [smem:$0x3FFD];
	_ =	sdelay $0x3  }
0x96: {  	_ =	strace s2  }
0x97: {  	_ =	strace $0x8FFFFFFF  }
0x98: {  	s18 =	sld [smem:$0x3FDB];
	_ =	sdelay $0x1  }
0x99: {  	s19 =	simm.s32 $_scs_section_size  }
0x9a: {  	s4 =	simm.s32 $_size__tile_overlayer_lowered;
	s5 =	simm.s32 $_tile_overlayer_lowered  }
0x9b: {  	s22 =	simm.s32 $0x1BFF;
	s21 =	sshll.u32 s5, $0x1;
	s2 =	sadd.s32 s19, s18  }
0x9c: {  	s6 =	simm.s32 $0x0;
	s20 =	sshll.u32 s4, $0x1;
	s4 =	sadd.s32 s21, s2  }
0x9d: {  	[timem:s6], [sflag:s22] =	dma.local [hbm:s4], s20  }
0x9e: {  	_ =	swait.ge [sflag:s22], s20  }
0x9f: {  	s3 =	ssub.s32 $0x0, s20;
	[sflag:s22] =	ssyncset.done $0x0  }
0xa0: {  	[sflag:s22] =	ssyncadd.s32 s3;
	_ =	sdelay $0x1  }
0xa1: {  	s23 =	simm.s32 $0x1B8B  }
0xa2: {  	_ =	swait.ge [sflag:s23], $0x1  }
0xa3: {  	[sflag:s23] =	ssyncset.done $0x0  }
0xa4: {  	s25 =	simm.s32 $0x1B8E;
	s24 =	sld [smem:$0x3FFE];
	[sflag:s23] =	ssyncadd.s32 $0xFFFFFFFF  }
0xa5: {  	s26 =	simm.s32 $execute0_lowered;
	[smem:$0x3FD2] =	sst s25  }
0xa6: {  	s4 =	sshll.u32 s26, $0x1;
	_ =	strace $0x80000049;
	[dreg:$0x1] =	wrdreg $0xFFFFFFFF  }
0xa7: {  	s28 =	simm.s32 $_size_execute0_lowered;
	s2 =	sadd.s32 s2, s4;
	[dreg:$0x0] =	wrdreg $0x0  }
0xa8: {  	s4 =	sshll.u32 s28, $0x1;
	[dreg:$0x2] =	wrdreg s2  }
0xa9: {  	[dreg:$0x3] =	wrdreg s4  }
0xaa: {  	[dreg:$0x4] =	wrdreg $0xC0  }
0xab: {  	_ =	task [dreg:s6], $0x5FFFF  }
0xac: {  	[dreg:$0x1] =	wrdreg $0xFFFFFFFF  }
0xad: {  	[dreg:$0x0] =	wrdreg $0x60  }
0xae: {  	[dreg:$0x2] =	wrdreg s24  }
0xaf: {  	[dreg:$0x3] =	wrdreg $0xAF600  }
0xb0: {  	[dreg:$0x4] =	wrdreg $0x9  }
0xb1: {  	_ =	task.clear_ibuf [dreg:s6], $0x5FFFF;
	_ =	strace $0x90000049  }
0xb2: {  	s29 =	simm.s32 $0x9;
	_ =	strace $0x8000004B  }
0xb3: {  	_ =	swait.ge [sflag:s29], $0x1  }
0xb4: {  	[sflag:s29] =	ssyncadd.s32 $0xFFFFFFFF  }
0xb5: {  	_ =	strace $0x9000004B  }
0xb6: {  	_ =	sfence  }
0xb7: {  	s30 =	sld [smem:$0x0];
	_ =	sdelay $0x2  }
0xb8: {  	s31 =	sshll.u32 s1, $0xD;
	s1 =	sshrl.u32 s1, $0x2  }
0xb9: {  	s3 =	sand.u32 $0x4000, s31;
	s1 =	sadd.s32 s1, s30  }
0xba: {  	s0 =	sor.u32 s3, s0;
	s1 =	sshll.u32 s1, $0x11  }
0xbb: {  	s0 =	sor.u32 s1, s0  }
0xbc: {  	s0 =	sadd.s32 $0x8F2B, s0  }
0xbd: {  	[sflag:s0] =	ssyncadd.remote.s32 $0x1  }
0xbe: {  	_ =	sfence.sel $0xFFFF  }
0xbf: {  	[dreg:$0x0] =	wrdreg $0xFFFFFFFF;
	(pc) =	sbr.abs _section_cstart, $3  }
0xc0: {  	[dreg:$0x1] =	wrdreg $0xFFFFFFFF  }
0xc1: {  	_ =	task.clear_ibuf [dreg:s6], $0x2FFFF;
	_ =	strace $0x9FFFFFFF  }
0xc2: {  	(tm) =	ssettm $0x7FFFFFFF  }
0xc3: {  	_ =	shalt  }
tec
execute0_lowered:
.L_overlay_start_1:
0x0: {  	(tag) =	ssettag $0x1  }
0x1: {  	s0 =	rddreg [dreg:$0x0]  }
0x2: {  	s1 =	rddreg [dreg:$0x1]  }
0x3: {  	s3 =	simm.s32 $0x0;
	s2 =	srdreg.scid;
	s10 =	stileid.u32  }
0x4: {  	[smem:$0x7FF] =	sst s3;
	s6 =	smul.u32 $0x2800, s10  }
0x5: {  	s2 =	sand.u32 $0x1, s2;
	s4 =	sshll.u32 s10, $0x1;
	s26 =	smul.u32 $0x50000, s10  }
0x6: {  	s5 =	sadd.s32 $0xC200, s0;
	s23 =	smul.u32 $0x28000, s2;
	s7 =	sor.u32 s2, s4  }
0x7: {  	s8 =	sadd.s32 $0x2400, s0;
	_ =	strace $0x8000004A;
	s9 =	smul.u32 $0x4E2, s7  }
0x8: {  	s4 =	sadd.s32 $0x16000, s0;
	s2 =	ssub.s32 $0x2, s2;
	s24 =	smul.u32 $0x2710, s7  }
0x9: {  	s25 =	sshrl.u32 s2, $0x1;
	s13 =	sshrl.u32 s26, $0x2;
	s10 =	sadd.s32 s5, s9  }
0xa: {  	s2 =	ssub.s32 s2, s25;
	s12 =	sadd.s32 s8, s9;
	[dreg:$0x3] =	wrdreg s10  }
0xb: {  	s7 =	sadd.s32 s13, s1;
	s14 =	smax.u32 s2, $0x1;
	[dreg:$0x4] =	wrdreg s12  }
0xc: {  	s3 =	sadd.s32 s6, s23;
	s15 =	sadd.s32 $0x1000, s7;
	[dreg:$0x8] =	wrdreg s14  }
0xd: {  	s6 =	simm.s32 $0x50;
	s16 =	sadd.s32 $0x2000, s7;
	[dreg:$0x9] =	wrdreg s15  }
0xe: {  	s13 =	simm.s32 $0x3;
	s17 =	sadd.s32 $0x3000, s7;
	[dreg:$0xa] =	wrdreg s16  }
0xf: {  	s0 =	sadd.s32 s3, s0;
	s18 =	sadd.s32 $0x4000, s7;
	[dreg:$0xb] =	wrdreg s17  }
0x10: {  	s11 =	sshrl.u32 s24, $0x3;
	s19 =	sadd.s32 $0x5000, s7;
	[dreg:$0xc] =	wrdreg s18  }
0x11: {  	s20 =	sadd.s32 $0x6000, s7;
	s21 =	sadd.s32 $0x7000, s7;
	[dreg:$0xd] =	wrdreg s19  }
0x12: {  	s22 =	sadd.s32 $0x8000, s7;
	s23 =	sadd.s32 $0x9000, s7;
	[dreg:$0xe] =	wrdreg s20  }
0x13: {  	s24 =	sadd.s32 $0xA000, s7;
	s25 =	sadd.s32 $0xB000, s7;
	[dreg:$0xf] =	wrdreg s21  }
0x14: {  	s26 =	sadd.s32 $0xC000, s7;
	s28 =	sadd.s32 $0x10000, s7;
	[dreg:$0x10] =	wrdreg s22  }
0x15: {  	s29 =	sadd.s32 $0x11000, s7;
	s30 =	sadd.s32 $0x12000, s7;
	[dreg:$0x11] =	wrdreg s23  }
0x16: {  	s31 =	sadd.s32 $0x13000, s7;
	s2 =	simm.s32 $0x9F60;
	[dreg:$0x12] =	wrdreg s24  }
0x17: {  	s9 =	simm.s32 $0x4F60;
	s3 =	sadd.s32 $0x276, s11;
	[dreg:$0x13] =	wrdreg s25  }
0x18: {  	s0 =	sadd.s32 $0x3D200, s0;
	[dreg:$0x14] =	wrdreg s26;
	s24 =	sadd.s32 $0xD000, s7  }
0x19: {  	s25 =	sadd.s32 $0xE000, s7;
	s26 =	sadd.s32 $0xF000, s7;
	s10 =	simm.s32 $0xA0  }
0x1a: {  	s11 =	simm.s32 $0x7760;
	s12 =	simm.s32 $0x2;
	s14 =	simm.s32 $0x6  }
0x1b: {  	s15 =	simm.s32 $0x4;
	s16 =	simm.s32 $0x7;
	s17 =	simm.s32 $0x2670  }
0x1c: {  	s18 =	simm.s32 $0x26C0;
	s19 =	simm.s32 $0x8;
	s20 =	simm.s32 $0x0  }
0x1d: {  	s5 =	sadd.s32 s5, s3;
	s3 =	sadd.s32 s8, s3;
	[dreg:$0x7] =	wrdreg s0  }
0x1e: {  	s0 =	simm.s32 $0x13B0;
	s8 =	simm.s32 $0x2760;
	[dreg:$0x5] =	wrdreg s5  }
0x1f: {  	v0 =	vimm.f32 $0.0e+00;
	[dreg:$0x6] =	wrdreg s3;
	s3 =	simm.s32 $0x5;
	s5 =	simm.s32 $0x1  }
.LBB2_1:
0x20: {  	s21 =	simm.s32 $0x0;
	s22 =	rddreg [dreg:$0x3]  }
0x21: {  	[tilespmem:s21], [sflag:$0x1] =	stream.linear.gather [hbm4b:s22+s21], $0x13B0, $0x38;
	[tilespmem:$0x1EF60] =	vst v63  }
0x22: {  	s23 =	rddreg [dreg:$0x4]  }
0x23: {  	[tilespmem:s0], [sflag:$0x1] =	stream.linear.gather [hbm4b:s23+s21], $0x13B0, $0x38;
	[tilespmem:$0x1EF60] =	vst v63  }
0x24: {  	s22 =	simm.s32 $0x200;
	s21 =	simm.s32 $0x0  }
.LBB2_2:
0x25: {  	p0 =	sne.s32 s22, $0x3E00;
	[tilespmem:s21+$0x9FD0] =	vst v0  }
0x26: {  	[tilespmem:s21+$0x9F60] =	vst v0  }
0x27: {  	[tilespmem:s21+$0x9F70] =	vst v0  }
.Ltmp0:
0x28: {  	[tilespmem:s21+$0x9F80] =	vst v0;
	(pc) =	sbr.rel @p0 .LBB2_2-.Ltmp0, $4  }
0x29: {  	[tilespmem:s21+$0x9F90] =	vst v0  }
0x2a: {  	[tilespmem:s21+$0x9FA0] =	vst v0  }
0x2b: {  	[tilespmem:s21+$0x9FB0] =	vst v0  }
0x2c: {  	[tilespmem:s21+$0x9FC0] =	vst v0;
	s21 =	sshra.s32 s22, $0x2;
	s22 =	sadd.s32 $0x200, s22  }
0x2d: {  	[tilespmem:s21+$0x9FD0] =	vst v0  }
0x2e: {  	[tilespmem:s21+$0x9F60] =	vst v0  }
0x2f: {  	[tilespmem:s21+$0x9F70] =	vst v0  }
0x30: {  	[tilespmem:s21+$0x9F80] =	vst v0  }
0x31: {  	[tilespmem:s21+$0x9F90] =	vst v0  }
0x32: {  	[tilespmem:s21+$0x9FA0] =	vst v0  }
0x33: {  	[tilespmem:s21+$0x9FB0] =	vst v0  }
0x34: {  	[tilespmem:s21+$0x9FC0] =	vst v0  }
0x35: {  	[spmem:s7] =	stream.linear.scatter [tilespmem:s2], [sflag:$0x5], $0x1000, $0x38;
	[tilespmem:$0x1EF60] =	vst v63  }
0x36: {  	s22 =	rddreg [dreg:$0x9]  }
0x37: {  	[spmem:s22] =	stream.linear.scatter [tilespmem:s2], [sflag:$0x5], $0x1000, $0x38;
	[tilespmem:$0x1EF60] =	vst v63  }
0x38: {  	s23 =	rddreg [dreg:$0xa]  }
0x39: {  	[spmem:s23] =	stream.linear.scatter [tilespmem:s2], [sflag:$0x5], $0x1000, $0x38;
	[tilespmem:$0x1EF60] =	vst v63  }
0x3a: {  	s22 =	rddreg [dreg:$0xb]  }
0x3b: {  	[spmem:s22] =	stream.linear.scatter [tilespmem:s2], [sflag:$0x5], $0x1000, $0x38;
	[tilespmem:$0x1EF60] =	vst v63  }
0x3c: {  	s23 =	rddreg [dreg:$0xc]  }
0x3d: {  	[spmem:s23] =	stream.linear.scatter [tilespmem:s2], [sflag:$0x5], $0x1000, $0x38;
	[tilespmem:$0x1EF60] =	vst v63  }
0x3e: {  	s22 =	rddreg [dreg:$0xd]  }
0x3f: {  	[spmem:s22] =	stream.linear.scatter [tilespmem:s2], [sflag:$0x5], $0x1000, $0x38;
	[tilespmem:$0x1EF60] =	vst v63  }
0x40: {  	s23 =	rddreg [dreg:$0xe]  }
0x41: {  	[spmem:s23] =	stream.linear.scatter [tilespmem:s2], [sflag:$0x5], $0x1000, $0x38;
	[tilespmem:$0x1EF60] =	vst v63  }
0x42: {  	s22 =	rddreg [dreg:$0xf]  }
0x43: {  	[spmem:s22] =	stream.linear.scatter [tilespmem:s2], [sflag:$0x5], $0x1000, $0x38;
	[tilespmem:$0x1EF60] =	vst v63  }
0x44: {  	s23 =	rddreg [dreg:$0x10]  }
0x45: {  	[spmem:s23] =	stream.linear.scatter [tilespmem:s2], [sflag:$0x5], $0x1000, $0x38;
	[tilespmem:$0x1EF60] =	vst v63  }
0x46: {  	s22 =	rddreg [dreg:$0x11]  }
0x47: {  	[spmem:s22] =	stream.linear.scatter [tilespmem:s2], [sflag:$0x5], $0x1000, $0x38;
	[tilespmem:$0x1EF60] =	vst v63  }
0x48: {  	s23 =	rddreg [dreg:$0x12]  }
0x49: {  	[spmem:s23] =	stream.linear.scatter [tilespmem:s2], [sflag:$0x5], $0x1000, $0x38;
	[tilespmem:$0x1EF60] =	vst v63  }
0x4a: {  	s22 =	rddreg [dreg:$0x13]  }
0x4b: {  	[spmem:s22] =	stream.linear.scatter [tilespmem:s2], [sflag:$0x5], $0x1000, $0x38;
	[tilespmem:$0x1EF60] =	vst v63  }
0x4c: {  	s23 =	rddreg [dreg:$0x14]  }
0x4d: {  	[spmem:s23] =	stream.linear.scatter [tilespmem:s2], [sflag:$0x5], $0x1000, $0x38;
	[tilespmem:$0x1EF60] =	vst v63  }
0x4e: {  	_ = 	snop  }
0x4f: {  	[spmem:s24] =	stream.linear.scatter [tilespmem:s2], [sflag:$0x5], $0x1000, $0x38;
	[tilespmem:$0x1EF60] =	vst v63  }
0x50: {  	_ = 	snop  }
0x51: {  	[spmem:s25] =	stream.linear.scatter [tilespmem:s2], [sflag:$0x5], $0x1000, $0x38;
	[tilespmem:$0x1EF60] =	vst v63  }
0x52: {  	_ = 	snop  }
0x53: {  	[spmem:s26] =	stream.linear.scatter [tilespmem:s2], [sflag:$0x5], $0x1000, $0x38;
	[tilespmem:$0x1EF60] =	vst v63  }
0x54: {  	_ = 	snop  }
0x55: {  	[spmem:s28] =	stream.linear.scatter [tilespmem:s2], [sflag:$0x5], $0x1000, $0x38;
	[tilespmem:$0x1EF60] =	vst v63  }
0x56: {  	_ = 	snop  }
0x57: {  	[spmem:s29] =	stream.linear.scatter [tilespmem:s2], [sflag:$0x5], $0x1000, $0x38;
	[tilespmem:$0x1EF60] =	vst v63  }
0x58: {  	_ = 	snop  }
0x59: {  	[spmem:s30] =	stream.linear.scatter [tilespmem:s2], [sflag:$0x5], $0x1000, $0x38;
	[tilespmem:$0x1EF60] =	vst v63  }
0x5a: {  	_ = 	snop  }
0x5b: {  	[spmem:s31] =	stream.linear.scatter [tilespmem:s2], [sflag:$0x5], $0x1000, $0x38;
	[tilespmem:$0x1EF60] =	vst v63  }
0x5c: {  	_ =	swait.ge [sflag:s3], $0x1000  }
0x5d: {  	[sflag:s3] =	ssyncset.done $0x0  }
0x5e: {  	[sflag:s3] =	ssyncadd.s32 $0xFFFFF000  }
0x5f: {  	_ =	swait.ge [sflag:s3], $0x1000  }
0x60: {  	[sflag:s3] =	ssyncset.done $0x0  }
0x61: {  	[sflag:s3] =	ssyncadd.s32 $0xFFFFF000  }
0x62: {  	_ =	swait.ge [sflag:s3], $0x1000  }
0x63: {  	[sflag:s3] =	ssyncset.done $0x0  }
0x64: {  	[sflag:s3] =	ssyncadd.s32 $0xFFFFF000  }
0x65: {  	_ =	swait.ge [sflag:s3], $0x1000  }
0x66: {  	[sflag:s3] =	ssyncset.done $0x0  }
0x67: {  	[sflag:s3] =	ssyncadd.s32 $0xFFFFF000  }
0x68: {  	_ =	swait.ge [sflag:s3], $0x1000  }
0x69: {  	[sflag:s3] =	ssyncset.done $0x0  }
0x6a: {  	[sflag:s3] =	ssyncadd.s32 $0xFFFFF000  }
0x6b: {  	_ =	swait.ge [sflag:s3], $0x1000  }
0x6c: {  	[sflag:s3] =	ssyncset.done $0x0  }
0x6d: {  	[sflag:s3] =	ssyncadd.s32 $0xFFFFF000  }
0x6e: {  	_ =	swait.ge [sflag:s3], $0x1000  }
0x6f: {  	[sflag:s3] =	ssyncset.done $0x0  }
0x70: {  	[sflag:s3] =	ssyncadd.s32 $0xFFFFF000  }
0x71: {  	_ =	swait.ge [sflag:s3], $0x1000  }
0x72: {  	[sflag:s3] =	ssyncset.done $0x0  }
0x73: {  	[sflag:s3] =	ssyncadd.s32 $0xFFFFF000  }
0x74: {  	_ =	swait.ge [sflag:s3], $0x1000  }
0x75: {  	[sflag:s3] =	ssyncset.done $0x0  }
0x76: {  	[sflag:s3] =	ssyncadd.s32 $0xFFFFF000  }
0x77: {  	_ =	swait.ge [sflag:s3], $0x1000  }
0x78: {  	[sflag:s3] =	ssyncset.done $0x0  }
0x79: {  	[sflag:s3] =	ssyncadd.s32 $0xFFFFF000  }
0x7a: {  	_ =	swait.ge [sflag:s3], $0x1000  }
0x7b: {  	[sflag:s3] =	ssyncset.done $0x0  }
0x7c: {  	[sflag:s3] =	ssyncadd.s32 $0xFFFFF000  }
0x7d: {  	_ =	swait.ge [sflag:s3], $0x1000  }
0x7e: {  	[sflag:s3] =	ssyncset.done $0x0  }
0x7f: {  	[sflag:s3] =	ssyncadd.s32 $0xFFFFF000  }
0x80: {  	_ =	swait.ge [sflag:s3], $0x1000  }
0x81: {  	[sflag:s3] =	ssyncset.done $0x0  }
0x82: {  	[sflag:s3] =	ssyncadd.s32 $0xFFFFF000  }
0x83: {  	_ =	swait.ge [sflag:s3], $0x1000  }
0x84: {  	[sflag:s3] =	ssyncset.done $0x0  }
0x85: {  	[sflag:s3] =	ssyncadd.s32 $0xFFFFF000  }
0x86: {  	_ =	swait.ge [sflag:s3], $0x1000  }
0x87: {  	[sflag:s3] =	ssyncset.done $0x0  }
0x88: {  	[sflag:s3] =	ssyncadd.s32 $0xFFFFF000  }
0x89: {  	_ =	swait.ge [sflag:s3], $0x1000  }
0x8a: {  	[sflag:s3] =	ssyncset.done $0x0  }
0x8b: {  	[sflag:s3] =	ssyncadd.s32 $0xFFFFF000  }
0x8c: {  	_ =	swait.ge [sflag:s3], $0x1000  }
0x8d: {  	[sflag:s3] =	ssyncset.done $0x0  }
0x8e: {  	[sflag:s3] =	ssyncadd.s32 $0xFFFFF000  }
0x8f: {  	_ =	swait.ge [sflag:s3], $0x1000  }
0x90: {  	[sflag:s3] =	ssyncset.done $0x0  }
0x91: {  	[sflag:s3] =	ssyncadd.s32 $0xFFFFF000  }
0x92: {  	_ =	swait.ge [sflag:s3], $0x1000  }
0x93: {  	[sflag:s3] =	ssyncset.done $0x0  }
0x94: {  	[sflag:s3] =	ssyncadd.s32 $0xFFFFF000  }
0x95: {  	_ =	swait.ge [sflag:s3], $0x1000  }
0x96: {  	[sflag:s3] =	ssyncset.done $0x0  }
0x97: {  	[sflag:s3] =	ssyncadd.s32 $0xFFFFF000  }
0x98: {  	_ =	swait.ge [sflag:s5], $0x13B0  }
0x99: {  	[sflag:s5] =	ssyncset.done $0x0  }
0x9a: {  	[sflag:s5] =	ssyncadd.s32 $0xFFFFEC50  }
0x9b: {  	_ =	swait.ge [sflag:s5], $0x13B0  }
0x9c: {  	[sflag:s5] =	ssyncset.done $0x0  }
0x9d: {  	s22 =	simm.s32 $0x0;
	[sflag:s5] =	ssyncadd.s32 $0xFFFFEC50  }
0x9e: {  	[tilespmem:s8], [sflag:$0x2] =	stream.indirect.gather [hbm4b:s4+s6], $0x80, s22, s6, $0xb8;
	[tilespmem:$0x1EF60] =	vst v63  }
0x9f: {  	_ = 	snop  }
0xa0: {  	[tilespmem:s9], [sflag:$0x3] =	stream.indirect.gather [hbm4b:s4+s6], $0x80, s6, s6, $0xb8;
	[tilespmem:$0x1EF60] =	vst v63  }
0xa1: {  	_ = 	snop  }
0xa2: {  	[tilespmem:s11], [sflag:$0x4] =	stream.indirect.gather [hbm4b:s4+s6], $0x80, s10, s6, $0xb8;
	[tilespmem:$0x1EF60] =	vst v63  }
0xa3: {  	[bflag:$0x0] =	sbarrier.arrive $0xFFFF  }
0xa4: {  	_ =	swait.ge [sflag:s12], $0x2800  }
0xa5: {  	[sflag:s12] =	ssyncset.done $0x0  }
0xa6: {  	s23 =	simm.s32 $0x13B0;
	[sflag:s12] =	ssyncadd.s32 $0xFFFFD800  }
0xa7: {  	[spmem:s1] =	stream.indirect.scatter.add.f32 [tilespmem:s8], [sflag:$0x5], $0x80, s23, s6, $0xb8;
	[tilespmem:$0x1EF60] =	vst v63  }
0xa8: {  	_ =	swait.ge [sflag:s3], $0x2800  }
0xa9: {  	[sflag:s3] =	ssyncset.done $0x0  }
0xaa: {  	s22 =	simm.s32 $0xF0;
	[sflag:s3] =	ssyncadd.s32 $0xFFFFD800  }
0xab: {  	[tilespmem:s8], [sflag:$0x2] =	stream.indirect.gather [hbm4b:s4+s6], $0x80, s22, s6, $0xb8;
	[tilespmem:$0x1EF60] =	vst v63  }
0xac: {  	_ =	swait.ge [sflag:s13], $0x2800  }
0xad: {  	[sflag:s13] =	ssyncset.done $0x0  }
0xae: {  	s23 =	simm.s32 $0x1400;
	[sflag:s13] =	ssyncadd.s32 $0xFFFFD800  }
0xaf: {  	[spmem:s1] =	stream.indirect.scatter.add.f32 [tilespmem:s9], [sflag:$0x6], $0x80, s23, s6, $0xb8;
	[tilespmem:$0x1EF60] =	vst v63  }
0xb0: {  	_ =	swait.ge [sflag:s14], $0x2800  }
0xb1: {  	[sflag:s14] =	ssyncset.done $0x0  }
0xb2: {  	s22 =	simm.s32 $0x140;
	[sflag:s14] =	ssyncadd.s32 $0xFFFFD800  }
0xb3: {  	[tilespmem:s9], [sflag:$0x3] =	stream.indirect.gather [hbm4b:s4+s6], $0x80, s22, s6, $0xb8;
	[tilespmem:$0x1EF60] =	vst v63  }
0xb4: {  	_ =	swait.ge [sflag:s15], $0x2800  }
0xb5: {  	[sflag:s15] =	ssyncset.done $0x0  }
0xb6: {  	s23 =	simm.s32 $0x1450;
	[sflag:s15] =	ssyncadd.s32 $0xFFFFD800  }
0xb7: {  	[spmem:s1] =	stream.indirect.scatter.add.f32 [tilespmem:s11], [sflag:$0x7], $0x80, s23, s6, $0xb8;
	[tilespmem:$0x1EF60] =	vst v63  }
0xb8: {  	_ =	swait.ge [sflag:s16], $0x2800  }
0xb9: {  	[sflag:s16] =	ssyncset.done $0x0  }
0xba: {  	s21 =	simm.s32 $0x3C0;
	s22 =	simm.s32 $0x190;
	[sflag:s16] =	ssyncadd.s32 $0xFFFFD800  }
.LBB2_4:
0xbb: {  	[tilespmem:s11], [sflag:$0x4] =	stream.indirect.gather [hbm4b:s4+s6], $0x80, s22, s6, $0xb8;
	[tilespmem:$0x1EF60] =	vst v63  }
0xbc: {  	s22 =	smov.u32 s21  }
0xbd: {  	p0 =	sne.s32 s21, $0x4740;
	s21 =	sadd.s32 $0x3C0, s21;
	_ =	swait.ge [sflag:s12], $0x2800  }
0xbe: {  	s22 =	sshra.s32 s22, $0x2;
	[sflag:s12] =	ssyncset.done $0x0  }
0xbf: {  	s23 =	sadd.s32 $0x13B0, s22;
	[sflag:s12] =	ssyncadd.s32 $0xFFFFD800  }
0xc0: {  	[spmem:s1] =	stream.indirect.scatter.add.f32 [tilespmem:s8], [sflag:$0x5], $0x80, s23, s6, $0xb8;
	[tilespmem:$0x1EF60] =	vst v63  }
0xc1: {  	_ =	swait.ge [sflag:s3], $0x2800  }
0xc2: {  	[sflag:s3] =	ssyncset.done $0x0  }
0xc3: {  	s23 =	sadd.s32 $0xF0, s22;
	[sflag:s3] =	ssyncadd.s32 $0xFFFFD800  }
0xc4: {  	[tilespmem:s8], [sflag:$0x2] =	stream.indirect.gather [hbm4b:s4+s6], $0x80, s23, s6, $0xb8;
	[tilespmem:$0x1EF60] =	vst v63  }
0xc5: {  	_ =	swait.ge [sflag:s13], $0x2800  }
0xc6: {  	[sflag:s13] =	ssyncset.done $0x0  }
0xc7: {  	s23 =	sadd.s32 $0x1400, s22;
	[sflag:s13] =	ssyncadd.s32 $0xFFFFD800  }
0xc8: {  	[spmem:s1] =	stream.indirect.scatter.add.f32 [tilespmem:s9], [sflag:$0x6], $0x80, s23, s6, $0xb8;
	[tilespmem:$0x1EF60] =	vst v63  }
0xc9: {  	_ =	swait.ge [sflag:s14], $0x2800  }
0xca: {  	[sflag:s14] =	ssyncset.done $0x0  }
0xcb: {  	s23 =	sadd.s32 $0x140, s22;
	[sflag:s14] =	ssyncadd.s32 $0xFFFFD800  }
0xcc: {  	[tilespmem:s9], [sflag:$0x3] =	stream.indirect.gather [hbm4b:s4+s6], $0x80, s23, s6, $0xb8;
	[tilespmem:$0x1EF60] =	vst v63  }
0xcd: {  	_ =	swait.ge [sflag:s15], $0x2800  }
0xce: {  	[sflag:s15] =	ssyncset.done $0x0  }
.Ltmp1:
0xcf: {  	s23 =	sadd.s32 $0x1450, s22;
	[sflag:s15] =	ssyncadd.s32 $0xFFFFD800;
	(pc) =	sbr.rel @p0 .LBB2_4-.Ltmp1, $4  }
0xd0: {  	[spmem:s1] =	stream.indirect.scatter.add.f32 [tilespmem:s11], [sflag:$0x7], $0x80, s23, s6, $0xb8;
	[tilespmem:$0x1EF60] =	vst v63  }
0xd1: {  	_ =	swait.ge [sflag:s16], $0x2800  }
0xd2: {  	[sflag:s16] =	ssyncset.done $0x0  }
0xd3: {  	s22 =	sadd.s32 $0x190, s22;
	[sflag:s16] =	ssyncadd.s32 $0xFFFFD800  }
0xd4: {  	[tilespmem:s11], [sflag:$0x4] =	stream.indirect.gather [hbm4b:s4+s6], $0x80, s22, s6, $0xb8;
	[tilespmem:$0x1EF60] =	vst v63  }
0xd5: {  	_ =	swait.ge [sflag:s12], $0x2800  }
0xd6: {  	[sflag:s12] =	ssyncset.done $0x0  }
0xd7: {  	[sflag:s12] =	ssyncadd.s32 $0xFFFFD800  }
0xd8: {  	[spmem:s1] =	stream.indirect.scatter.add.f32 [tilespmem:s8], [sflag:$0x5], $0x80, s17, s6, $0xb8;
	[tilespmem:$0x1EF60] =	vst v63  }
0xd9: {  	_ =	swait.ge [sflag:s3], $0x2800  }
0xda: {  	[sflag:s3] =	ssyncset.done $0x0  }
0xdb: {  	[sflag:s3] =	ssyncadd.s32 $0xFFFFD800  }
0xdc: {  	_ =	swait.ge [sflag:s13], $0x2800  }
0xdd: {  	[sflag:s13] =	ssyncset.done $0x0  }
0xde: {  	[sflag:s13] =	ssyncadd.s32 $0xFFFFD800  }
0xdf: {  	[spmem:s1] =	stream.indirect.scatter.add.f32 [tilespmem:s9], [sflag:$0x6], $0x80, s18, s6, $0xb8;
	[tilespmem:$0x1EF60] =	vst v63  }
0xe0: {  	_ =	swait.ge [sflag:s14], $0x2800  }
0xe1: {  	[sflag:s14] =	ssyncset.done $0x0  }
0xe2: {  	[sflag:s14] =	ssyncadd.s32 $0xFFFFD800  }
0xe3: {  	_ =	swait.ge [sflag:s15], $0x2800  }
0xe4: {  	[sflag:s15] =	ssyncset.done $0x0  }
0xe5: {  	s21 =	simm.s32 $0x2710;
	[sflag:s15] =	ssyncadd.s32 $0xFFFFD800  }
0xe6: {  	[spmem:s1] =	stream.indirect.scatter.add.f32 [tilespmem:s11], [sflag:$0x7], $0x80, s21, s6, $0xb8;
	[tilespmem:$0x1EF60] =	vst v63  }
0xe7: {  	_ =	swait.ge [sflag:s16], $0x2800  }
0xe8: {  	[sflag:s16] =	ssyncset.done $0x0  }
0xe9: {  	s21 =	simm.s32 $0x0;
	s23 =	rddreg [dreg:$0x5];
	[sflag:s16] =	ssyncadd.s32 $0xFFFFD800  }
0xea: {  	[tilespmem:s21], [sflag:$0x1] =	stream.linear.gather [hbm4b:s23+s21], $0x1360, $0x38;
	[tilespmem:$0x1EF60] =	vst v63  }
0xeb: {  	s23 =	rddreg [dreg:$0x6]  }
0xec: {  	[tilespmem:s0], [sflag:$0x1] =	stream.linear.gather [hbm4b:s23+s21], $0x1360, $0x38;
	[tilespmem:$0x1EF60] =	vst v63  }
0xed: {  	_ =	swait.ge [sflag:s5], $0x1360  }
0xee: {  	[sflag:s5] =	ssyncset.done $0x0  }
0xef: {  	[sflag:s5] =	ssyncadd.s32 $0xFFFFECA0  }
0xf0: {  	_ =	swait.ge [sflag:s5], $0x1360  }
0xf1: {  	[sflag:s5] =	ssyncset.done $0x0  }
0xf2: {  	[sflag:s5] =	ssyncadd.s32 $0xFFFFECA0  }
0xf3: {  	[tilespmem:s8], [sflag:$0x2] =	stream.indirect.gather [hbm4b:s4+s6], $0x80, s21, s6, $0xb8;
	[tilespmem:$0x1EF60] =	vst v63  }
0xf4: {  	_ = 	snop  }
0xf5: {  	[tilespmem:s9], [sflag:$0x3] =	stream.indirect.gather [hbm4b:s4+s6], $0x80, s6, s6, $0xb8;
	[tilespmem:$0x1EF60] =	vst v63  }
0xf6: {  	_ = 	snop  }
0xf7: {  	[tilespmem:s11], [sflag:$0x4] =	stream.indirect.gather [hbm4b:s4+s6], $0x80, s10, s6, $0xb8;
	[tilespmem:$0x1EF60] =	vst v63  }
0xf8: {  	_ =	swait.ge [sflag:s12], $0x2800  }
0xf9: {  	[sflag:s12] =	ssyncset.done $0x0  }
0xfa: {  	s23 =	simm.s32 $0x13B0;
	[sflag:s12] =	ssyncadd.s32 $0xFFFFD800  }
0xfb: {  	[spmem:s1] =	stream.indirect.scatter.add.f32 [tilespmem:s8], [sflag:$0x5], $0x80, s23, s6, $0xb8;
	[tilespmem:$0x1EF60] =	vst v63  }
0xfc: {  	_ =	swait.ge [sflag:s3], $0x2800  }
0xfd: {  	[sflag:s3] =	ssyncset.done $0x0  }
0xfe: {  	s22 =	simm.s32 $0xF0;
	[sflag:s3] =	ssyncadd.s32 $0xFFFFD800  }
0xff: {  	[tilespmem:s8], [sflag:$0x2] =	stream.indirect.gather [hbm4b:s4+s6], $0x80, s22, s6, $0xb8;
	[tilespmem:$0x1EF60] =	vst v63  }
0x100: {  	_ =	swait.ge [sflag:s13], $0x2800  }
0x101: {  	[sflag:s13] =	ssyncset.done $0x0  }
0x102: {  	s23 =	simm.s32 $0x1400;
	[sflag:s13] =	ssyncadd.s32 $0xFFFFD800  }
0x103: {  	[spmem:s1] =	stream.indirect.scatter.add.f32 [tilespmem:s9], [sflag:$0x6], $0x80, s23, s6, $0xb8;
	[tilespmem:$0x1EF60] =	vst v63  }
0x104: {  	_ =	swait.ge [sflag:s14], $0x2800  }
0x105: {  	[sflag:s14] =	ssyncset.done $0x0  }
0x106: {  	s22 =	simm.s32 $0x140;
	[sflag:s14] =	ssyncadd.s32 $0xFFFFD800  }
0x107: {  	[tilespmem:s9], [sflag:$0x3] =	stream.indirect.gather [hbm4b:s4+s6], $0x80, s22, s6, $0xb8;
	[tilespmem:$0x1EF60] =	vst v63  }
0x108: {  	_ =	swait.ge [sflag:s15], $0x2800  }
0x109: {  	[sflag:s15] =	ssyncset.done $0x0  }
0x10a: {  	s23 =	simm.s32 $0x1450;
	[sflag:s15] =	ssyncadd.s32 $0xFFFFD800  }
0x10b: {  	[spmem:s1] =	stream.indirect.scatter.add.f32 [tilespmem:s11], [sflag:$0x7], $0x80, s23, s6, $0xb8;
	[tilespmem:$0x1EF60] =	vst v63  }
0x10c: {  	_ =	swait.ge [sflag:s16], $0x2800  }
0x10d: {  	[sflag:s16] =	ssyncset.done $0x0  }
0x10e: {  	s21 =	simm.s32 $0x3C0;
	s22 =	simm.s32 $0x190;
	[sflag:s16] =	ssyncadd.s32 $0xFFFFD800  }
.LBB2_6:
0x10f: {  	[tilespmem:s11], [sflag:$0x4] =	stream.indirect.gather [hbm4b:s4+s6], $0x80, s22, s6, $0xb8;
	[tilespmem:$0x1EF60] =	vst v63  }
0x110: {  	s22 =	smov.u32 s21  }
0x111: {  	p0 =	sne.s32 s21, $0x4380;
	s21 =	sadd.s32 $0x3C0, s21;
	_ =	swait.ge [sflag:s12], $0x2800  }
0x112: {  	s22 =	sshra.s32 s22, $0x2;
	[sflag:s12] =	ssyncset.done $0x0  }
0x113: {  	s23 =	sadd.s32 $0x13B0, s22;
	[sflag:s12] =	ssyncadd.s32 $0xFFFFD800  }
0x114: {  	[spmem:s1] =	stream.indirect.scatter.add.f32 [tilespmem:s8], [sflag:$0x5], $0x80, s23, s6, $0xb8;
	[tilespmem:$0x1EF60] =	vst v63  }
0x115: {  	_ =	swait.ge [sflag:s3], $0x2800  }
0x116: {  	[sflag:s3] =	ssyncset.done $0x0  }
0x117: {  	s23 =	sadd.s32 $0xF0, s22;
	[sflag:s3] =	ssyncadd.s32 $0xFFFFD800  }
0x118: {  	[tilespmem:s8], [sflag:$0x2] =	stream.indirect.gather [hbm4b:s4+s6], $0x80, s23, s6, $0xb8;
	[tilespmem:$0x1EF60] =	vst v63  }
0x119: {  	_ =	swait.ge [sflag:s13], $0x2800  }
0x11a: {  	[sflag:s13] =	ssyncset.done $0x0  }
0x11b: {  	s23 =	sadd.s32 $0x1400, s22;
	[sflag:s13] =	ssyncadd.s32 $0xFFFFD800  }
0x11c: {  	[spmem:s1] =	stream.indirect.scatter.add.f32 [tilespmem:s9], [sflag:$0x6], $0x80, s23, s6, $0xb8;
	[tilespmem:$0x1EF60] =	vst v63  }
0x11d: {  	_ =	swait.ge [sflag:s14], $0x2800  }
0x11e: {  	[sflag:s14] =	ssyncset.done $0x0  }
0x11f: {  	s23 =	sadd.s32 $0x140, s22;
	[sflag:s14] =	ssyncadd.s32 $0xFFFFD800  }
0x120: {  	[tilespmem:s9], [sflag:$0x3] =	stream.indirect.gather [hbm4b:s4+s6], $0x80, s23, s6, $0xb8;
	[tilespmem:$0x1EF60] =	vst v63  }
0x121: {  	_ =	swait.ge [sflag:s15], $0x2800  }
0x122: {  	[sflag:s15] =	ssyncset.done $0x0  }
.Ltmp2:
0x123: {  	s23 =	sadd.s32 $0x1450, s22;
	[sflag:s15] =	ssyncadd.s32 $0xFFFFD800;
	(pc) =	sbr.rel @p0 .LBB2_6-.Ltmp2, $4  }
0x124: {  	[spmem:s1] =	stream.indirect.scatter.add.f32 [tilespmem:s11], [sflag:$0x7], $0x80, s23, s6, $0xb8;
	[tilespmem:$0x1EF60] =	vst v63  }
0x125: {  	_ =	swait.ge [sflag:s16], $0x2800  }
0x126: {  	[sflag:s16] =	ssyncset.done $0x0  }
0x127: {  	s22 =	sadd.s32 $0x190, s22;
	[sflag:s16] =	ssyncadd.s32 $0xFFFFD800  }
0x128: {  	[tilespmem:s11], [sflag:$0x4] =	stream.indirect.gather [hbm4b:s4+s6], $0x80, s22, s6, $0xb8;
	[tilespmem:$0x1EF60] =	vst v63  }
0x129: {  	_ =	swait.ge [sflag:s12], $0x2800  }
0x12a: {  	[sflag:s12] =	ssyncset.done $0x0  }
0x12b: {  	s21 =	simm.s32 $0x2580;
	[sflag:s12] =	ssyncadd.s32 $0xFFFFD800  }
0x12c: {  	[spmem:s1] =	stream.indirect.scatter.add.f32 [tilespmem:s8], [sflag:$0x5], $0x80, s21, s6, $0xb8;
	[tilespmem:$0x1EF60] =	vst v63  }
0x12d: {  	_ =	swait.ge [sflag:s3], $0x2800  }
0x12e: {  	[sflag:s3] =	ssyncset.done $0x0  }
0x12f: {  	s22 =	simm.s32 $0x12C0;
	[sflag:s3] =	ssyncadd.s32 $0xFFFFD800  }
0x130: {  	[tilespmem:s8], [sflag:$0x2] =	stream.indirect.gather [hbm4b:s4+s6], $0x80, s22, s6, $0xb8;
	[tilespmem:$0x1EF60] =	vst v63  }
0x131: {  	_ =	swait.ge [sflag:s13], $0x2800  }
0x132: {  	[sflag:s13] =	ssyncset.done $0x0  }
0x133: {  	s23 =	simm.s32 $0x25D0;
	[sflag:s13] =	ssyncadd.s32 $0xFFFFD800  }
0x134: {  	[spmem:s1] =	stream.indirect.scatter.add.f32 [tilespmem:s9], [sflag:$0x6], $0x80, s23, s6, $0xb8;
	[tilespmem:$0x1EF60] =	vst v63  }
0x135: {  	_ =	swait.ge [sflag:s14], $0x2800  }
0x136: {  	[sflag:s14] =	ssyncset.done $0x0  }
0x137: {  	s22 =	simm.s32 $0x1310;
	[sflag:s14] =	ssyncadd.s32 $0xFFFFD800  }
0x138: {  	[tilespmem:s9], [sflag:$0x3] =	stream.indirect.gather [hbm4b:s4+s6], $0x80, s22, s6, $0xb8;
	[tilespmem:$0x1EF60] =	vst v63  }
0x139: {  	_ =	swait.ge [sflag:s15], $0x2800  }
0x13a: {  	[sflag:s15] =	ssyncset.done $0x0  }
0x13b: {  	s23 =	simm.s32 $0x2620;
	[sflag:s15] =	ssyncadd.s32 $0xFFFFD800  }
0x13c: {  	[spmem:s1] =	stream.indirect.scatter.add.f32 [tilespmem:s11], [sflag:$0x7], $0x80, s23, s6, $0xb8;
	[tilespmem:$0x1EF60] =	vst v63  }
0x13d: {  	_ =	swait.ge [sflag:s16], $0x2800  }
0x13e: {  	[sflag:s16] =	ssyncset.done $0x0  }
0x13f: {  	[sflag:s16] =	ssyncadd.s32 $0xFFFFD800  }
0x140: {  	_ =	swait.ge [sflag:s12], $0x2800  }
0x141: {  	[sflag:s12] =	ssyncset.done $0x0  }
0x142: {  	[sflag:s12] =	ssyncadd.s32 $0xFFFFD800  }
0x143: {  	[spmem:s1] =	stream.indirect.scatter.add.f32 [tilespmem:s8], [sflag:$0x5], $0x80, s17, s6, $0xb8;
	[tilespmem:$0x1EF60] =	vst v63  }
0x144: {  	_ =	swait.ge [sflag:s3], $0x2800  }
0x145: {  	[sflag:s3] =	ssyncset.done $0x0  }
0x146: {  	[sflag:s3] =	ssyncadd.s32 $0xFFFFD800  }
0x147: {  	_ =	swait.ge [sflag:s13], $0x2800  }
0x148: {  	[sflag:s13] =	ssyncset.done $0x0  }
0x149: {  	[sflag:s13] =	ssyncadd.s32 $0xFFFFD800  }
0x14a: {  	[spmem:s1] =	stream.indirect.scatter.add.f32 [tilespmem:s9], [sflag:$0x6], $0x80, s18, s6, $0xb8;
	[tilespmem:$0x1EF60] =	vst v63  }
0x14b: {  	_ =	swait.ge [sflag:s14], $0x2800  }
0x14c: {  	[sflag:s14] =	ssyncset.done $0x0  }
0x14d: {  	s22 =	stileid.u32;
	[sflag:s14] =	ssyncadd.s32 $0xFFFFD800  }
0x14e: {  	s21 =	sshll.u32 s22, $0x6;
	[bflag:$0x0] =	sbarrier.arrive $0xFFFF  }
0x14f: {  	s22 =	sshrl.u32 s7, $0x3;
	s21 =	sor.u32 $0x1C08, s21;
	s23 =	rddreg [dreg:$0x7]  }
0x150: {  	[hbm:s23], [sflag:s21] =	dma.local [spmem:s22], $0x2800  }
0x151: {  	_ =	swait.ge [sflag:s19], $0x2800  }
0x152: {  	s20 =	sadd.s32 $0x1, s20;
	s23 =	rddreg [dreg:$0x8]  }
0x153: {  	p0 =	sne.s32 s20, s23  }
.Ltmp3:
0x154: {  	_ = 	snop;
	(pc) =	sbr.rel @p0 .LBB2_1-.Ltmp3, $3  }
0x155: {  	_ =	sdelay $0x1  }
0x156: {  	[sflag:s19] =	ssyncset.done $0x0  }
0x157: {  	[sflag:s19] =	ssyncadd.s32 $0xFFFFD800  }
0x158: {  	_ =	sfence.sel $0x180000  }
0x159: {  	[bflag:$0x0] =	sbarrier.arrive $0xFFFF  }
0x15a: {  	_ =	strace $0x9000004A  }
0x15b: {  	s0 =	stileid.u32;
	[bflag:$0x2] =	sbarrier.arrive $0xFFFF  }
0x15c: {  	p0 =	sne.s32 s0, $0x0;
	s0 =	rddreg [dreg:$0x2]  }
0x15d: {  	s0 =	sadd.s32 @!p0 $0x100000, s0  }
0x15e: {  	[sflag:s0] =	ssyncadd.tile.s32 @!p0 $0x1;
	_ =	shalt  }
.Lfunc_end2:
_tile_overlayer_lowered:
.L_overlay_start_2:
0x15f: {  	(tag) =	ssettag $0x2  }
0x160: {  	s0 =	rddreg [dreg:$0x0];
	s2 =	stileid.u32  }
0x161: {  	s1 =	rddreg [dreg:$0x1];
	p0 =	sne.s32 s2, $0x0  }
0x162: {  	s3 =	rddreg [dreg:$0x2];
	[bflag:$0x3] =	sbarrier.arrive $0xFFFF;
	s2 =	simm.s32 @!p0 $0x1C08  }
0x163: {  	[timem:s3], [sflag:s2] =	dma.local @!p0 [hbm:s0], s1  }
0x164: {  	s0 =	simm.s32 @!p0 $0x8  }
0x165: {  	_ =	swait.ge @!p0 [sflag:s0], s1  }
0x166: {  	s1 =	ssub.s32 @!p0 $0x0, s1;
	[sflag:s0] =	ssyncset.done @!p0 $0x0  }
0x167: {  	[sflag:s0] =	ssyncadd.s32 @!p0 s1  }
0x168: {  	[bflag:$0x3] =	sbarrier.arrive $0xFFFF  }
0x169: {  	_ =	shalt  }

// kernel: gcn_prop_64.4.cloned.1.call-start
scs
__scs_entry_jumppad:
0x0: {  	(pc) =	sbr.rel $0x88, $3  }
0x1: {  	(tag) =	ssettag $0x0;
	lr =	simm.s32 $0x1  }
0x2: {  	[smem:$0x3F98] =	sst lr;
	_ =	strace $0xD0000000  }
0x3: {  	_ = 	snop  }
0x4: {  	_ = 	snop  }
0x5: {  	_ = 	snop  }
0x6: {  	_ = 	snop  }
0x7: {  	_ = 	snop  }
__scs_overlays_trampoline_lowered:
0x8: {  	[smem:$0x3FA7] =	sst s0  }
0x9: {  	[smem:$0x3FA8] =	sst s1  }
0xa: {  	[smem:$0x3FA9] =	sst s2  }
0xb: {  	[smem:$0x3FAA] =	sst s3  }
0xc: {  	[smem:$0x3FAB] =	sst s4  }
0xd: {  	[smem:$0x3FAC] =	sst s5  }
0xe: {  	[smem:$0x3FAD] =	sst s6  }
0xf: {  	[smem:$0x3FAE] =	sst s7  }
0x10: {  	[smem:$0x3FAF] =	sst s8  }
0x11: {  	[smem:$0x3FB0] =	sst s9;
	s0 =	simm.s32 @!p0 $0x0  }
0x12: {  	s1 =	sld [smem:$0x3F96];
	s0 =	simm.s32 @p0 $0x1  }
0x13: {  	[smem:$0x3FB1] =	sst s0;
	s0 =	simm.s32 @!p1 $0x0  }
0x14: {  	s2 =	sld [smem:$0x3F95];
	s0 =	simm.s32 @p1 $0x1  }
0x15: {  	[smem:$0x3FB2] =	sst s0;
	s0 =	simm.s32 @!p2 $0x0  }
0x16: {  	s3 =	sld [smem:$0x3FDB];
	s0 =	simm.s32 @p2 $0x1  }
0x17: {  	s4 =	simm.s32 $0x1BF5;
	[smem:$0x3FB4] =	sst s0  }
0x18: {  	s0 =	sld [smem:$0x3F97];
	_ =	swait.ge [sflag:s4], $0x0  }
0x19: {  	s7 =	sld [smem:$0x3F98]  }
0x1a: {  	s8 =	sadd.s32 $0xFFFFE003, lr  }
0x1b: {  	s9 =	sadd.s32 $0xFFFFFEF7, lr;
	s5 =	simm.s32 $0xFFFFFFFF;
	p2 =	slt.u32 s8, $0xFFFFF086  }
0x1c: {  	p1 =	slt.u32 s9, $0xF7A;
	s5 =	simm.s32 @!p2 $0x0  }
0x1d: {  	s5 =	simm.s32 @p1 $0x1;
	p0 =	seq.s32 s7, s2  }
0x1e: {  	s7 =	smul.u32 @!p0 $0xF7A, s2;
	p2 =	seq.s32 @!p0 s5, $0x0  }
0x1f: {  	s9 =	smul.u32 $0xF7A, s1;
	s8 =	simm.s32 @!p0 $0x1BF5;
	p2 =	por !p2, p0  }
0x20: {  	[sflag:s8] =	ssyncset.s32 @!p0 $0xFFFFF086;
	s6 =	sadd.s32 @!p0 s3, s7;
	s7 =	simm.s32 @!p0 $0x108  }
0x21: {  	s3 =	sadd.s32 s3, s9;
	s6 =	sadd.s32 @!p0 $0x88, s6;
	s7 =	simm.s32 @p2 $0x1082  }
0x22: {  	[simem:s7], [sflag:s8] =	dma.local @!p0 [hbm:s6], $0xF7A  }
0x23: {  	s9 =	sor.u32 $0xD0000000, s2;
	s6 =	simm.s32 $0x108;
	_ =	swait.ge @!p0 [sflag:s8], $0x0  }
0x24: {  	s3 =	sadd.s32 $0x88, s3;
	s6 =	simm.s32 @!p1 $0x1082;
	[sflag:s4] =	ssyncset.s32 $0xFFFFF086  }
0x25: {  	[simem:s6], [sflag:s4] =	dma.local [hbm:s3], $0xF7A  }
0x26: {  	[smem:$0x3F98] =	sst s1;
	(tag) =	ssettag s2;
	_ =	strace s9  }
0x27: {  	s1 =	sld [smem:$0x3FA8]  }
0x28: {  	s2 =	sld [smem:$0x3FA9]  }
0x29: {  	s4 =	sld [smem:$0x3FAB]  }
0x2a: {  	p0 =	seq.s32 s5, $0x0;
	s5 =	sld [smem:$0x3FAC]  }
0x2b: {  	s6 =	sld [smem:$0x3FAD]  }
0x2c: {  	s7 =	sld [smem:$0x3FAE]  }
0x2d: {  	s3 =	simm.s32 $0x108;
	s8 =	sld [smem:$0x3FAF]  }
0x2e: {  	s3 =	simm.s32 @!p0 $0x1082;
	s9 =	sld [smem:$0x3FB0]  }
0x2f: {  	lr =	sadd.s32 s0, s3;
	s0 =	sld [smem:$0x3FA7]  }
0x30: {  	s3 =	sld [smem:$0x3FAA]  }
0x31: {  	[smem:$0x3FB3] =	sst s10  }
0x32: {  	s10 =	sld [smem:$0x3FB1];
	_ =	sdelay $0x3  }
0x33: {  	p0 =	seq.s32 s10, $0x1;
	s10 =	sld [smem:$0x3FB3];
	_ =	sdelay $0x3  }
0x34: {  	[smem:$0x3FB3] =	sst s10  }
0x35: {  	s10 =	sld [smem:$0x3FB2];
	_ =	sdelay $0x3  }
0x36: {  	p1 =	seq.s32 s10, $0x1;
	s10 =	sld [smem:$0x3FB3];
	_ =	sdelay $0x3  }
0x37: {  	[smem:$0x3FB3] =	sst s10  }
0x38: {  	s10 =	sld [smem:$0x3FB4]  }
0x39: {  	_ = 	snop;
	(pc) =	sbr.ind lr, $3  }
0x3a: {  	_ = 	snop  }
0x3b: {  	_ = 	snop  }
0x3c: {  	p2 =	seq.s32 s10, $0x1;
	s10 =	sld [smem:$0x3FB3]  }
0x3d: {  	_ =	shalt  }
0x3e: {  	_ =	shalt  }
0x3f: {  	_ =	shalt  }
0x40: {  	_ =	shalt  }
0x41: {  	_ =	shalt  }
0x42: {  	_ =	shalt  }
0x43: {  	_ =	shalt  }
0x44: {  	_ =	shalt  }
0x45: {  	_ =	shalt  }
0x46: {  	_ =	shalt  }
0x47: {  	_ =	shalt  }
0x48: {  	_ =	shalt  }
0x49: {  	_ =	shalt  }
0x4a: {  	_ =	shalt  }
0x4b: {  	_ =	shalt  }
0x4c: {  	_ =	shalt  }
0x4d: {  	_ =	shalt  }
0x4e: {  	_ =	shalt  }
0x4f: {  	_ =	shalt  }
0x50: {  	_ =	shalt  }
0x51: {  	_ =	shalt  }
0x52: {  	_ =	shalt  }
0x53: {  	_ =	shalt  }
0x54: {  	_ =	shalt  }
0x55: {  	_ =	shalt  }
0x56: {  	_ =	shalt  }
0x57: {  	_ =	shalt  }
0x58: {  	_ =	shalt  }
0x59: {  	_ =	shalt  }
0x5a: {  	_ =	shalt  }
0x5b: {  	_ =	shalt  }
0x5c: {  	_ =	shalt  }
0x5d: {  	_ =	shalt  }
0x5e: {  	_ =	shalt  }
0x5f: {  	_ =	shalt  }
0x60: {  	_ =	shalt  }
0x61: {  	_ =	shalt  }
0x62: {  	_ =	shalt  }
0x63: {  	_ =	shalt  }
0x64: {  	_ =	shalt  }
0x65: {  	_ =	shalt  }
0x66: {  	_ =	shalt  }
0x67: {  	_ =	shalt  }
0x68: {  	_ =	shalt  }
0x69: {  	_ =	shalt  }
0x6a: {  	_ =	shalt  }
0x6b: {  	_ =	shalt  }
0x6c: {  	_ =	shalt  }
0x6d: {  	_ =	shalt  }
0x6e: {  	_ =	shalt  }
0x6f: {  	_ =	shalt  }
0x70: {  	_ =	shalt  }
0x71: {  	_ =	shalt  }
0x72: {  	_ =	shalt  }
0x73: {  	_ =	shalt  }
0x74: {  	_ =	shalt  }
0x75: {  	_ =	shalt  }
0x76: {  	_ =	shalt  }
0x77: {  	_ =	shalt  }
0x78: {  	_ =	shalt  }
0x79: {  	_ =	shalt  }
0x7a: {  	_ =	shalt  }
0x7b: {  	_ =	shalt  }
0x7c: {  	_ =	shalt  }
0x7d: {  	_ =	shalt  }
0x7e: {  	_ =	shalt  }
0x7f: {  	_ =	shalt  }
0x80: {  	_ =	shalt  }
0x81: {  	_ =	shalt  }
0x82: {  	_ =	shalt  }
0x83: {  	_ =	shalt  }
0x84: {  	_ =	shalt  }
0x85: {  	_ =	shalt  }
0x86: {  	_ =	shalt  }
0x87: {  	_ =	shalt  }
.Lfunc_end0:
.L_simem_size_0:
called_computation.2_lowered:
.L_overlay_start_0:
0x88: {  	s2 =	sld [smem:$0x3FD9]  }
0x89: {  	s3 =	sld [smem:$0x3FFE];
	_ =	sdelay $0x1  }
0x8a: {  	s1 =	srdreg.scid  }
0x8b: {  	s0 =	sand.u32 $0x1, s1  }
0x8c: {  	s16 =	sshll.u32 s0, $0xA;
	s2 =	sadd.s32 s3, s2  }
0x8d: {  	s2 =	sadd.s32 s2, s16  }
0x8e: {  	[smem:$0x3FBF] =	sst s2  }
0x8f: {  	_ = 	snop  }
0x90: {  	(tm) =	ssettm $0x1  }
0x91: {  	s17 =	sld [smem:$0x3FFB];
	_ =	sdelay $0x3  }
0x92: {  	_ =	strace s17  }
0x93: {  	s2 =	sld [smem:$0x3FFC];
	_ =	sdelay $0x3  }
0x94: {  	_ =	strace s2  }
0x95: {  	s2 =	sld [smem:$0x3FFD];
	_ =	sdelay $0x3  }
0x96: {  	_ =	strace s2  }
0x97: {  	_ =	strace $0x8FFFFFFF  }
0x98: {  	s18 =	sld [smem:$0x3FDB];
	_ =	sdelay $0x1  }
0x99: {  	s19 =	simm.s32 $_scs_section_size  }
0x9a: {  	s4 =	simm.s32 $_size__tile_overlayer_lowered;
	s5 =	simm.s32 $_tile_overlayer_lowered  }
0x9b: {  	s22 =	simm.s32 $0x1BFF;
	s21 =	sshll.u32 s5, $0x1;
	s2 =	sadd.s32 s19, s18  }
0x9c: {  	s6 =	simm.s32 $0x0;
	s20 =	sshll.u32 s4, $0x1;
	s4 =	sadd.s32 s21, s2  }
0x9d: {  	[timem:s6], [sflag:s22] =	dma.local [hbm:s4], s20  }
0x9e: {  	_ =	swait.ge [sflag:s22], s20  }
0x9f: {  	s3 =	ssub.s32 $0x0, s20;
	[sflag:s22] =	ssyncset.done $0x0  }
0xa0: {  	[sflag:s22] =	ssyncadd.s32 s3;
	_ =	sdelay $0x1  }
0xa1: {  	s23 =	simm.s32 $0x1B8B  }
0xa2: {  	_ =	swait.ge [sflag:s23], $0x1  }
0xa3: {  	[sflag:s23] =	ssyncset.done $0x0  }
0xa4: {  	s25 =	simm.s32 $0x1B8E;
	s24 =	sld [smem:$0x3FFE];
	[sflag:s23] =	ssyncadd.s32 $0xFFFFFFFF  }
0xa5: {  	s26 =	simm.s32 $execute0_lowered;
	[smem:$0x3FD2] =	sst s25  }
0xa6: {  	s4 =	sshll.u32 s26, $0x1;
	_ =	strace $0x8000004C;
	[dreg:$0x1] =	wrdreg $0xFFFFFFFF  }
0xa7: {  	s28 =	simm.s32 $_size_execute0_lowered;
	s2 =	sadd.s32 s2, s4;
	[dreg:$0x0] =	wrdreg $0x0  }
0xa8: {  	s4 =	sshll.u32 s28, $0x1;
	[dreg:$0x2] =	wrdreg s2  }
0xa9: {  	[dreg:$0x3] =	wrdreg s4  }
0xaa: {  	[dreg:$0x4] =	wrdreg $0xC0  }
0xab: {  	_ =	task [dreg:s6], $0x5FFFF  }
0xac: {  	[dreg:$0x1] =	wrdreg $0xFFFFFFFF  }
0xad: {  	[dreg:$0x0] =	wrdreg $0x60  }
0xae: {  	[dreg:$0x2] =	wrdreg s24  }
0xaf: {  	[dreg:$0x3] =	wrdreg $0xA6200  }
0xb0: {  	[dreg:$0x4] =	wrdreg $0x9  }
0xb1: {  	_ =	task.clear_ibuf [dreg:s6], $0x5FFFF;
	_ =	strace $0x9000004C  }
0xb2: {  	s29 =	simm.s32 $0x9;
	_ =	strace $0x8000004E  }
0xb3: {  	_ =	swait.ge [sflag:s29], $0x1  }
0xb4: {  	[sflag:s29] =	ssyncadd.s32 $0xFFFFFFFF  }
0xb5: {  	_ =	strace $0x9000004E  }
0xb6: {  	_ =	sfence  }
0xb7: {  	s30 =	sld [smem:$0x0];
	_ =	sdelay $0x2  }
0xb8: {  	s31 =	sshll.u32 s1, $0xD;
	s1 =	sshrl.u32 s1, $0x2  }
0xb9: {  	s3 =	sand.u32 $0x4000, s31;
	s1 =	sadd.s32 s1, s30  }
0xba: {  	s0 =	sor.u32 s3, s0;
	s1 =	sshll.u32 s1, $0x11  }
0xbb: {  	s0 =	sor.u32 s1, s0  }
0xbc: {  	s0 =	sadd.s32 $0x8F2B, s0  }
0xbd: {  	[sflag:s0] =	ssyncadd.remote.s32 $0x1  }
0xbe: {  	_ =	sfence.sel $0xFFFF  }
0xbf: {  	[dreg:$0x0] =	wrdreg $0xFFFFFFFF;
	(pc) =	sbr.abs _section_cstart, $3  }
0xc0: {  	[dreg:$0x1] =	wrdreg $0xFFFFFFFF  }
0xc1: {  	_ =	task.clear_ibuf [dreg:s6], $0x2FFFF;
	_ =	strace $0x9FFFFFFF  }
0xc2: {  	(tm) =	ssettm $0x7FFFFFFF  }
0xc3: {  	_ =	shalt  }
tec
execute0_lowered:
.L_overlay_start_1:
0x0: {  	(tag) =	ssettag $0x1  }
0x1: {  	s0 =	srdreg.scid  }
0x2: {  	s7 =	stileid.u32;
	s3 =	rddreg [dreg:$0x0]  }
0x3: {  	s2 =	rddreg [dreg:$0x1];
	s5 =	simm.s32 $0x0;
	s31 =	simm.s32 $0x9E20  }
0x4: {  	s30 =	simm.s32 $0x50;
	s8 =	simm.s32 $0x8A20;
	s9 =	simm.s32 $0x2  }
0x5: {  	s10 =	simm.s32 $0x3;
	s0 =	sand.u32 $0x1, s0;
	s12 =	smul.u32 $0x1400, s7  }
0x6: {  	s1 =	sshll.u32 s7, $0x1;
	[smem:$0x7FF] =	sst s5;
	s7 =	smul.u32 $0x28000, s7  }
0x7: {  	s1 =	sor.u32 s0, s1;
	s4 =	smul.u32 $0x14000, s0;
	s0 =	ssub.s32 $0x2, s0  }
0x8: {  	s11 =	simm.s32 $0x7;
	_ =	strace $0x8000004D;
	s6 =	sshrl.u32 s0, $0x1  }
0x9: {  	s1 =	smul.u32 $0x4E2, s1;
	s14 =	sshrl.u32 s7, $0x2;
	s0 =	ssub.s32 s0, s6  }
0xa: {  	s5 =	sadd.s32 s12, s4;
	s7 =	sadd.s32 s14, s2;
	s0 =	smax.u32 s0, $0x1  }
0xb: {  	s4 =	sadd.s32 $0x16000, s3;
	s16 =	sadd.s32 $0x800, s7;
	[dreg:$0x6] =	wrdreg s0  }
0xc: {  	s6 =	simm.s32 $0x7620;
	s17 =	sadd.s32 $0x1000, s7;
	[dreg:$0x7] =	wrdreg s16  }
0xd: {  	s12 =	simm.s32 $0x4;
	s18 =	sadd.s32 $0x1800, s7;
	[dreg:$0x8] =	wrdreg s17  }
0xe: {  	s14 =	simm.s32 $0x5;
	s19 =	sadd.s32 $0x2000, s7;
	[dreg:$0x9] =	wrdreg s18  }
0xf: {  	s1 =	sadd.s32 s1, s3;
	s20 =	sadd.s32 $0x2800, s7;
	[dreg:$0xa] =	wrdreg s19  }
0x10: {  	s3 =	sadd.s32 s5, s3;
	s21 =	sadd.s32 $0x3000, s7;
	[dreg:$0xb] =	wrdreg s20  }
0x11: {  	s22 =	sadd.s32 $0x3800, s7;
	s23 =	sadd.s32 $0x4000, s7;
	[dreg:$0xc] =	wrdreg s21  }
0x12: {  	s24 =	sadd.s32 $0x4800, s7;
	s25 =	sadd.s32 $0x5000, s7;
	[dreg:$0xd] =	wrdreg s22  }
0x13: {  	s26 =	sadd.s32 $0x5800, s7;
	s28 =	sadd.s32 $0x9000, s7;
	[dreg:$0xe] =	wrdreg s23  }
0x14: {  	s29 =	sadd.s32 $0x9800, s7;
	s5 =	simm.s32 $0x6220;
	[dreg:$0xf] =	wrdreg s24  }
0x15: {  	s13 =	sadd.s32 $0xC200, s1;
	s1 =	sadd.s32 $0x2400, s1;
	[dreg:$0x10] =	wrdreg s25  }
0x16: {  	s15 =	sadd.s32 $0x29A00, s3;
	[dreg:$0x11] =	wrdreg s26;
	s21 =	sadd.s32 $0x6000, s7  }
0x17: {  	s22 =	sadd.s32 $0x6800, s7;
	s23 =	sadd.s32 $0x7000, s7;
	s24 =	sadd.s32 $0x7800, s7  }
0x18: {  	s25 =	sadd.s32 $0x8000, s7;
	s26 =	sadd.s32 $0x8800, s7;
	[dreg:$0x3] =	wrdreg s13  }
0x19: {  	s0 =	simm.s32 $0x1;
	s3 =	simm.s32 $0x4E20;
	[dreg:$0x4] =	wrdreg s1  }
0x1a: {  	s16 =	simm.s32 $0xA;
	s17 =	simm.s32 $0x0;
	[dreg:$0x5] =	wrdreg s15  }
0x1b: {  	v0 =	vimm.f32 $0.0e+00;
	s1 =	simm.s32 $0x6;
	s13 =	simm.s32 $0x8;
	s15 =	simm.s32 $0x9  }
.LBB2_1:
0x1c: {  	s18 =	simm.s32 $0x0;
	s19 =	rddreg [dreg:$0x3]  }
0x1d: {  	[tilespmem:s18], [sflag:$0x1] =	stream.linear.gather [hbm4b:s19+s18], $0x2710, $0x38;
	[tilespmem:$0x14620] =	vst v63  }
0x1e: {  	s20 =	simm.s32 $0x2710;
	s19 =	rddreg [dreg:$0x4]  }
0x1f: {  	[tilespmem:s20], [sflag:$0x1] =	stream.linear.gather [hbm4b:s19+s18], $0x2710, $0x38;
	[tilespmem:$0x14620] =	vst v63  }
0x20: {  	s19 =	simm.s32 $0x100;
	s18 =	simm.s32 $0x0  }
.LBB2_2:
0x21: {  	p0 =	sne.s32 s19, $0x1F00;
	[tilespmem:s18+$0x9E50] =	vst v0;
	s20 =	smov.u32 s19;
	s19 =	sadd.s32 $0x100, s19  }
.Ltmp0:
0x22: {  	[tilespmem:s18+$0x9E40] =	vst v0;
	(pc) =	sbr.rel @p0 .LBB2_2-.Ltmp0, $3  }
0x23: {  	[tilespmem:s18+$0x9E20] =	vst v0  }
0x24: {  	[tilespmem:s18+$0x9E30] =	vst v0;
	_ =	sdelay $0x1  }
0x25: {  	s18 =	sshra.s32 s20, $0x2  }
0x26: {  	[tilespmem:s18+$0x9E50] =	vst v0  }
0x27: {  	[tilespmem:s18+$0x9E40] =	vst v0  }
0x28: {  	[tilespmem:s18+$0x9E20] =	vst v0  }
0x29: {  	[tilespmem:s18+$0x9E30] =	vst v0  }
0x2a: {  	[spmem:s7] =	stream.linear.scatter [tilespmem:s31], [sflag:$0x6], $0x800, $0x38;
	[tilespmem:$0x14620] =	vst v63  }
0x2b: {  	s20 =	rddreg [dreg:$0x7]  }
0x2c: {  	[spmem:s20] =	stream.linear.scatter [tilespmem:s31], [sflag:$0x6], $0x800, $0x38;
	[tilespmem:$0x14620] =	vst v63  }
0x2d: {  	s19 =	rddreg [dreg:$0x8]  }
0x2e: {  	[spmem:s19] =	stream.linear.scatter [tilespmem:s31], [sflag:$0x6], $0x800, $0x38;
	[tilespmem:$0x14620] =	vst v63  }
0x2f: {  	s20 =	rddreg [dreg:$0x9]  }
0x30: {  	[spmem:s20] =	stream.linear.scatter [tilespmem:s31], [sflag:$0x6], $0x800, $0x38;
	[tilespmem:$0x14620] =	vst v63  }
0x31: {  	s19 =	rddreg [dreg:$0xa]  }
0x32: {  	[spmem:s19] =	stream.linear.scatter [tilespmem:s31], [sflag:$0x6], $0x800, $0x38;
	[tilespmem:$0x14620] =	vst v63  }
0x33: {  	s20 =	rddreg [dreg:$0xb]  }
0x34: {  	[spmem:s20] =	stream.linear.scatter [tilespmem:s31], [sflag:$0x6], $0x800, $0x38;
	[tilespmem:$0x14620] =	vst v63  }
0x35: {  	s19 =	rddreg [dreg:$0xc]  }
0x36: {  	[spmem:s19] =	stream.linear.scatter [tilespmem:s31], [sflag:$0x6], $0x800, $0x38;
	[tilespmem:$0x14620] =	vst v63  }
0x37: {  	s20 =	rddreg [dreg:$0xd]  }
0x38: {  	[spmem:s20] =	stream.linear.scatter [tilespmem:s31], [sflag:$0x6], $0x800, $0x38;
	[tilespmem:$0x14620] =	vst v63  }
0x39: {  	s19 =	rddreg [dreg:$0xe]  }
0x3a: {  	[spmem:s19] =	stream.linear.scatter [tilespmem:s31], [sflag:$0x6], $0x800, $0x38;
	[tilespmem:$0x14620] =	vst v63  }
0x3b: {  	s20 =	rddreg [dreg:$0xf]  }
0x3c: {  	[spmem:s20] =	stream.linear.scatter [tilespmem:s31], [sflag:$0x6], $0x800, $0x38;
	[tilespmem:$0x14620] =	vst v63  }
0x3d: {  	s19 =	rddreg [dreg:$0x10]  }
0x3e: {  	[spmem:s19] =	stream.linear.scatter [tilespmem:s31], [sflag:$0x6], $0x800, $0x38;
	[tilespmem:$0x14620] =	vst v63  }
0x3f: {  	s20 =	rddreg [dreg:$0x11]  }
0x40: {  	[spmem:s20] =	stream.linear.scatter [tilespmem:s31], [sflag:$0x6], $0x800, $0x38;
	[tilespmem:$0x14620] =	vst v63  }
0x41: {  	_ = 	snop  }
0x42: {  	[spmem:s21] =	stream.linear.scatter [tilespmem:s31], [sflag:$0x6], $0x800, $0x38;
	[tilespmem:$0x14620] =	vst v63  }
0x43: {  	_ = 	snop  }
0x44: {  	[spmem:s22] =	stream.linear.scatter [tilespmem:s31], [sflag:$0x6], $0x800, $0x38;
	[tilespmem:$0x14620] =	vst v63  }
0x45: {  	_ = 	snop  }
0x46: {  	[spmem:s23] =	stream.linear.scatter [tilespmem:s31], [sflag:$0x6], $0x800, $0x38;
	[tilespmem:$0x14620] =	vst v63  }
0x47: {  	_ = 	snop  }
0x48: {  	[spmem:s24] =	stream.linear.scatter [tilespmem:s31], [sflag:$0x6], $0x800, $0x38;
	[tilespmem:$0x14620] =	vst v63  }
0x49: {  	_ = 	snop  }
0x4a: {  	[spmem:s25] =	stream.linear.scatter [tilespmem:s31], [sflag:$0x6], $0x800, $0x38;
	[tilespmem:$0x14620] =	vst v63  }
0x4b: {  	_ = 	snop  }
0x4c: {  	[spmem:s26] =	stream.linear.scatter [tilespmem:s31], [sflag:$0x6], $0x800, $0x38;
	[tilespmem:$0x14620] =	vst v63  }
0x4d: {  	_ = 	snop  }
0x4e: {  	[spmem:s28] =	stream.linear.scatter [tilespmem:s31], [sflag:$0x6], $0x800, $0x38;
	[tilespmem:$0x14620] =	vst v63  }
0x4f: {  	_ = 	snop  }
0x50: {  	[spmem:s29] =	stream.linear.scatter [tilespmem:s31], [sflag:$0x6], $0x800, $0x38;
	[tilespmem:$0x14620] =	vst v63  }
0x51: {  	_ =	swait.ge [sflag:s1], $0x800  }
0x52: {  	[sflag:s1] =	ssyncset.done $0x0  }
0x53: {  	[sflag:s1] =	ssyncadd.s32 $0xFFFFF800  }
0x54: {  	_ =	swait.ge [sflag:s1], $0x800  }
0x55: {  	[sflag:s1] =	ssyncset.done $0x0  }
0x56: {  	[sflag:s1] =	ssyncadd.s32 $0xFFFFF800  }
0x57: {  	_ =	swait.ge [sflag:s1], $0x800  }
0x58: {  	[sflag:s1] =	ssyncset.done $0x0  }
0x59: {  	[sflag:s1] =	ssyncadd.s32 $0xFFFFF800  }
0x5a: {  	_ =	swait.ge [sflag:s1], $0x800  }
0x5b: {  	[sflag:s1] =	ssyncset.done $0x0  }
0x5c: {  	[sflag:s1] =	ssyncadd.s32 $0xFFFFF800  }
0x5d: {  	_ =	swait.ge [sflag:s1], $0x800  }
0x5e: {  	[sflag:s1] =	ssyncset.done $0x0  }
0x5f: {  	[sflag:s1] =	ssyncadd.s32 $0xFFFFF800  }
0x60: {  	_ =	swait.ge [sflag:s1], $0x800  }
0x61: {  	[sflag:s1] =	ssyncset.done $0x0  }
0x62: {  	[sflag:s1] =	ssyncadd.s32 $0xFFFFF800  }
0x63: {  	_ =	swait.ge [sflag:s1], $0x800  }
0x64: {  	[sflag:s1] =	ssyncset.done $0x0  }
0x65: {  	[sflag:s1] =	ssyncadd.s32 $0xFFFFF800  }
0x66: {  	_ =	swait.ge [sflag:s1], $0x800  }
0x67: {  	[sflag:s1] =	ssyncset.done $0x0  }
0x68: {  	[sflag:s1] =	ssyncadd.s32 $0xFFFFF800  }
0x69: {  	_ =	swait.ge [sflag:s1], $0x800  }
0x6a: {  	[sflag:s1] =	ssyncset.done $0x0  }
0x6b: {  	[sflag:s1] =	ssyncadd.s32 $0xFFFFF800  }
0x6c: {  	_ =	swait.ge [sflag:s1], $0x800  }
0x6d: {  	[sflag:s1] =	ssyncset.done $0x0  }
0x6e: {  	[sflag:s1] =	ssyncadd.s32 $0xFFFFF800  }
0x6f: {  	_ =	swait.ge [sflag:s1], $0x800  }
0x70: {  	[sflag:s1] =	ssyncset.done $0x0  }
0x71: {  	[sflag:s1] =	ssyncadd.s32 $0xFFFFF800  }
0x72: {  	_ =	swait.ge [sflag:s1], $0x800  }
0x73: {  	[sflag:s1] =	ssyncset.done $0x0  }
0x74: {  	[sflag:s1] =	ssyncadd.s32 $0xFFFFF800  }
0x75: {  	_ =	swait.ge [sflag:s1], $0x800  }
0x76: {  	[sflag:s1] =	ssyncset.done $0x0  }
0x77: {  	[sflag:s1] =	ssyncadd.s32 $0xFFFFF800  }
0x78: {  	_ =	swait.ge [sflag:s1], $0x800  }
0x79: {  	[sflag:s1] =	ssyncset.done $0x0  }
0x7a: {  	[sflag:s1] =	ssyncadd.s32 $0xFFFFF800  }
0x7b: {  	_ =	swait.ge [sflag:s1], $0x800  }
0x7c: {  	[sflag:s1] =	ssyncset.done $0x0  }
0x7d: {  	[sflag:s1] =	ssyncadd.s32 $0xFFFFF800  }
0x7e: {  	_ =	swait.ge [sflag:s1], $0x800  }
0x7f: {  	[sflag:s1] =	ssyncset.done $0x0  }
0x80: {  	[sflag:s1] =	ssyncadd.s32 $0xFFFFF800  }
0x81: {  	_ =	swait.ge [sflag:s1], $0x800  }
0x82: {  	[sflag:s1] =	ssyncset.done $0x0  }
0x83: {  	[sflag:s1] =	ssyncadd.s32 $0xFFFFF800  }
0x84: {  	_ =	swait.ge [sflag:s1], $0x800  }
0x85: {  	[sflag:s1] =	ssyncset.done $0x0  }
0x86: {  	[sflag:s1] =	ssyncadd.s32 $0xFFFFF800  }
0x87: {  	_ =	swait.ge [sflag:s1], $0x800  }
0x88: {  	[sflag:s1] =	ssyncset.done $0x0  }
0x89: {  	[sflag:s1] =	ssyncadd.s32 $0xFFFFF800  }
0x8a: {  	_ =	swait.ge [sflag:s1], $0x800  }
0x8b: {  	[sflag:s1] =	ssyncset.done $0x0  }
0x8c: {  	[sflag:s1] =	ssyncadd.s32 $0xFFFFF800  }
0x8d: {  	_ =	swait.ge [sflag:s0], $0x2710  }
0x8e: {  	[sflag:s0] =	ssyncset.done $0x0  }
0x8f: {  	[sflag:s0] =	ssyncadd.s32 $0xFFFFD8F0  }
0x90: {  	_ =	swait.ge [sflag:s0], $0x2710  }
0x91: {  	[sflag:s0] =	ssyncset.done $0x0  }
0x92: {  	s19 =	simm.s32 $0x0;
	[sflag:s0] =	ssyncadd.s32 $0xFFFFD8F0  }
0x93: {  	[tilespmem:s3], [sflag:$0x2] =	stream.indirect.gather [hbm4b:s4+s30], $0x40, s19, s30, $0xb8;
	[tilespmem:$0x14620] =	vst v63  }
0x94: {  	_ = 	snop  }
0x95: {  	[tilespmem:s5], [sflag:$0x3] =	stream.indirect.gather [hbm4b:s4+s30], $0x40, s30, s30, $0xb8;
	[tilespmem:$0x14620] =	vst v63  }
0x96: {  	s20 =	simm.s32 $0xA0  }
0x97: {  	[tilespmem:s6], [sflag:$0x4] =	stream.indirect.gather [hbm4b:s4+s30], $0x40, s20, s30, $0xb8;
	[tilespmem:$0x14620] =	vst v63  }
0x98: {  	s19 =	simm.s32 $0xF0  }
0x99: {  	[tilespmem:s8], [sflag:$0x5] =	stream.indirect.gather [hbm4b:s4+s30], $0x40, s19, s30, $0xb8;
	[tilespmem:$0x14620] =	vst v63  }
0x9a: {  	[bflag:$0x0] =	sbarrier.arrive $0xFFFF  }
0x9b: {  	_ =	swait.ge [sflag:s9], $0x1400  }
0x9c: {  	[sflag:s9] =	ssyncset.done $0x0  }
0x9d: {  	s20 =	simm.s32 $0x2710;
	[sflag:s9] =	ssyncadd.s32 $0xFFFFEC00  }
0x9e: {  	[spmem:s2] =	stream.indirect.scatter.add.f32 [tilespmem:s3], [sflag:$0x6], $0x40, s20, s30, $0xb8;
	[tilespmem:$0x14620] =	vst v63  }
0x9f: {  	_ =	swait.ge [sflag:s1], $0x1400  }
0xa0: {  	[sflag:s1] =	ssyncset.done $0x0  }
0xa1: {  	s19 =	simm.s32 $0x140;
	[sflag:s1] =	ssyncadd.s32 $0xFFFFEC00  }
0xa2: {  	[tilespmem:s3], [sflag:$0x2] =	stream.indirect.gather [hbm4b:s4+s30], $0x40, s19, s30, $0xb8;
	[tilespmem:$0x14620] =	vst v63  }
0xa3: {  	_ =	swait.ge [sflag:s10], $0x1400  }
0xa4: {  	[sflag:s10] =	ssyncset.done $0x0  }
0xa5: {  	s20 =	simm.s32 $0x2760;
	[sflag:s10] =	ssyncadd.s32 $0xFFFFEC00  }
0xa6: {  	[spmem:s2] =	stream.indirect.scatter.add.f32 [tilespmem:s5], [sflag:$0x7], $0x40, s20, s30, $0xb8;
	[tilespmem:$0x14620] =	vst v63  }
0xa7: {  	_ =	swait.ge [sflag:s11], $0x1400  }
0xa8: {  	[sflag:s11] =	ssyncset.done $0x0  }
0xa9: {  	s19 =	simm.s32 $0x190;
	[sflag:s11] =	ssyncadd.s32 $0xFFFFEC00  }
0xaa: {  	[tilespmem:s5], [sflag:$0x3] =	stream.indirect.gather [hbm4b:s4+s30], $0x40, s19, s30, $0xb8;
	[tilespmem:$0x14620] =	vst v63  }
0xab: {  	_ =	swait.ge [sflag:s12], $0x1400  }
0xac: {  	[sflag:s12] =	ssyncset.done $0x0  }
0xad: {  	s20 =	simm.s32 $0x27B0;
	[sflag:s12] =	ssyncadd.s32 $0xFFFFEC00  }
0xae: {  	[spmem:s2] =	stream.indirect.scatter.add.f32 [tilespmem:s6], [sflag:$0x8], $0x40, s20, s30, $0xb8;
	[tilespmem:$0x14620] =	vst v63  }
0xaf: {  	_ =	swait.ge [sflag:s13], $0x1400  }
0xb0: {  	[sflag:s13] =	ssyncset.done $0x0  }
0xb1: {  	s19 =	simm.s32 $0x1E0;
	[sflag:s13] =	ssyncadd.s32 $0xFFFFEC00  }
0xb2: {  	[tilespmem:s6], [sflag:$0x4] =	stream.indirect.gather [hbm4b:s4+s30], $0x40, s19, s30, $0xb8;
	[tilespmem:$0x14620] =	vst v63  }
0xb3: {  	_ =	swait.ge [sflag:s14], $0x1400  }
0xb4: {  	[sflag:s14] =	ssyncset.done $0x0  }
0xb5: {  	s20 =	simm.s32 $0x2800;
	[sflag:s14] =	ssyncadd.s32 $0xFFFFEC00  }
0xb6: {  	[spmem:s2] =	stream.indirect.scatter.add.f32 [tilespmem:s8], [sflag:$0x9], $0x40, s20, s30, $0xb8;
	[tilespmem:$0x14620] =	vst v63  }
0xb7: {  	_ =	swait.ge [sflag:s15], $0x1400  }
0xb8: {  	[sflag:s15] =	ssyncset.done $0x0  }
0xb9: {  	s18 =	simm.s32 $0x500;
	s19 =	simm.s32 $0x230;
	[sflag:s15] =	ssyncadd.s32 $0xFFFFEC00  }
.LBB2_4:
0xba: {  	[tilespmem:s8], [sflag:$0x5] =	stream.indirect.gather [hbm4b:s4+s30], $0x40, s19, s30, $0xb8;
	[tilespmem:$0x14620] =	vst v63  }
0xbb: {  	s19 =	smov.u32 s18  }
0xbc: {  	p0 =	sne.s32 s18, $0x9100;
	s18 =	sadd.s32 $0x500, s18;
	_ =	swait.ge [sflag:s9], $0x1400  }
0xbd: {  	s19 =	sshra.s32 s19, $0x2;
	[sflag:s9] =	ssyncset.done $0x0  }
0xbe: {  	s20 =	sadd.s32 $0x2710, s19;
	[sflag:s9] =	ssyncadd.s32 $0xFFFFEC00  }
0xbf: {  	[spmem:s2] =	stream.indirect.scatter.add.f32 [tilespmem:s3], [sflag:$0x6], $0x40, s20, s30, $0xb8;
	[tilespmem:$0x14620] =	vst v63  }
0xc0: {  	_ =	swait.ge [sflag:s1], $0x1400  }
0xc1: {  	[sflag:s1] =	ssyncset.done $0x0  }
0xc2: {  	s20 =	sadd.s32 $0x140, s19;
	[sflag:s1] =	ssyncadd.s32 $0xFFFFEC00  }
0xc3: {  	[tilespmem:s3], [sflag:$0x2] =	stream.indirect.gather [hbm4b:s4+s30], $0x40, s20, s30, $0xb8;
	[tilespmem:$0x14620] =	vst v63  }
0xc4: {  	_ =	swait.ge [sflag:s10], $0x1400  }
0xc5: {  	[sflag:s10] =	ssyncset.done $0x0  }
0xc6: {  	s20 =	sadd.s32 $0x2760, s19;
	[sflag:s10] =	ssyncadd.s32 $0xFFFFEC00  }
0xc7: {  	[spmem:s2] =	stream.indirect.scatter.add.f32 [tilespmem:s5], [sflag:$0x7], $0x40, s20, s30, $0xb8;
	[tilespmem:$0x14620] =	vst v63  }
0xc8: {  	_ =	swait.ge [sflag:s11], $0x1400  }
0xc9: {  	[sflag:s11] =	ssyncset.done $0x0  }
0xca: {  	s20 =	sadd.s32 $0x190, s19;
	[sflag:s11] =	ssyncadd.s32 $0xFFFFEC00  }
0xcb: {  	[tilespmem:s5], [sflag:$0x3] =	stream.indirect.gather [hbm4b:s4+s30], $0x40, s20, s30, $0xb8;
	[tilespmem:$0x14620] =	vst v63  }
0xcc: {  	_ =	swait.ge [sflag:s12], $0x1400  }
0xcd: {  	[sflag:s12] =	ssyncset.done $0x0  }
0xce: {  	s20 =	sadd.s32 $0x27B0, s19;
	[sflag:s12] =	ssyncadd.s32 $0xFFFFEC00  }
0xcf: {  	[spmem:s2] =	stream.indirect.scatter.add.f32 [tilespmem:s6], [sflag:$0x8], $0x40, s20, s30, $0xb8;
	[tilespmem:$0x14620] =	vst v63  }
0xd0: {  	_ =	swait.ge [sflag:s13], $0x1400  }
0xd1: {  	[sflag:s13] =	ssyncset.done $0x0  }
0xd2: {  	s20 =	sadd.s32 $0x1E0, s19;
	[sflag:s13] =	ssyncadd.s32 $0xFFFFEC00  }
0xd3: {  	[tilespmem:s6], [sflag:$0x4] =	stream.indirect.gather [hbm4b:s4+s30], $0x40, s20, s30, $0xb8;
	[tilespmem:$0x14620] =	vst v63  }
0xd4: {  	_ =	swait.ge [sflag:s14], $0x1400  }
0xd5: {  	[sflag:s14] =	ssyncset.done $0x0  }
.Ltmp1:
0xd6: {  	s20 =	sadd.s32 $0x2800, s19;
	[sflag:s14] =	ssyncadd.s32 $0xFFFFEC00;
	(pc) =	sbr.rel @p0 .LBB2_4-.Ltmp1, $4  }
0xd7: {  	[spmem:s2] =	stream.indirect.scatter.add.f32 [tilespmem:s8], [sflag:$0x9], $0x40, s20, s30, $0xb8;
	[tilespmem:$0x14620] =	vst v63  }
0xd8: {  	_ =	swait.ge [sflag:s15], $0x1400  }
0xd9: {  	[sflag:s15] =	ssyncset.done $0x0  }
0xda: {  	s19 =	sadd.s32 $0x230, s19;
	[sflag:s15] =	ssyncadd.s32 $0xFFFFEC00  }
0xdb: {  	[tilespmem:s8], [sflag:$0x5] =	stream.indirect.gather [hbm4b:s4+s30], $0x40, s19, s30, $0xb8;
	[tilespmem:$0x14620] =	vst v63  }
0xdc: {  	_ =	swait.ge [sflag:s9], $0x1400  }
0xdd: {  	[sflag:s9] =	ssyncset.done $0x0  }
0xde: {  	s18 =	simm.s32 $0x4C90;
	[sflag:s9] =	ssyncadd.s32 $0xFFFFEC00  }
0xdf: {  	[spmem:s2] =	stream.indirect.scatter.add.f32 [tilespmem:s3], [sflag:$0x6], $0x40, s18, s30, $0xb8;
	[tilespmem:$0x14620] =	vst v63  }
0xe0: {  	_ =	swait.ge [sflag:s1], $0x1400  }
0xe1: {  	[sflag:s1] =	ssyncset.done $0x0  }
0xe2: {  	s20 =	simm.s32 $0x26C0;
	[sflag:s1] =	ssyncadd.s32 $0xFFFFEC00  }
0xe3: {  	[tilespmem:s3], [sflag:$0x2] =	stream.indirect.gather [hbm4b:s4+s30], $0x40, s20, s30, $0xb8;
	[tilespmem:$0x14620] =	vst v63  }
0xe4: {  	_ =	swait.ge [sflag:s10], $0x1400  }
0xe5: {  	[sflag:s10] =	ssyncset.done $0x0  }
0xe6: {  	s19 =	simm.s32 $0x4CE0;
	[sflag:s10] =	ssyncadd.s32 $0xFFFFEC00  }
0xe7: {  	[spmem:s2] =	stream.indirect.scatter.add.f32 [tilespmem:s5], [sflag:$0x7], $0x40, s19, s30, $0xb8;
	[tilespmem:$0x14620] =	vst v63  }
0xe8: {  	_ =	swait.ge [sflag:s11], $0x1400  }
0xe9: {  	[sflag:s11] =	ssyncset.done $0x0  }
0xea: {  	[sflag:s11] =	ssyncadd.s32 $0xFFFFEC00  }
0xeb: {  	_ =	swait.ge [sflag:s12], $0x1400  }
0xec: {  	[sflag:s12] =	ssyncset.done $0x0  }
0xed: {  	s20 =	simm.s32 $0x4D30;
	[sflag:s12] =	ssyncadd.s32 $0xFFFFEC00  }
0xee: {  	[spmem:s2] =	stream.indirect.scatter.add.f32 [tilespmem:s6], [sflag:$0x8], $0x40, s20, s30, $0xb8;
	[tilespmem:$0x14620] =	vst v63  }
0xef: {  	_ =	swait.ge [sflag:s13], $0x1400  }
0xf0: {  	[sflag:s13] =	ssyncset.done $0x0  }
0xf1: {  	[sflag:s13] =	ssyncadd.s32 $0xFFFFEC00  }
0xf2: {  	_ =	swait.ge [sflag:s14], $0x1400  }
0xf3: {  	[sflag:s14] =	ssyncset.done $0x0  }
0xf4: {  	s19 =	simm.s32 $0x4D80;
	[sflag:s14] =	ssyncadd.s32 $0xFFFFEC00  }
0xf5: {  	[spmem:s2] =	stream.indirect.scatter.add.f32 [tilespmem:s8], [sflag:$0x9], $0x40, s19, s30, $0xb8;
	[tilespmem:$0x14620] =	vst v63  }
0xf6: {  	_ =	swait.ge [sflag:s15], $0x1400  }
0xf7: {  	[sflag:s15] =	ssyncset.done $0x0  }
0xf8: {  	[sflag:s15] =	ssyncadd.s32 $0xFFFFEC00  }
0xf9: {  	_ =	swait.ge [sflag:s9], $0x1400  }
0xfa: {  	[sflag:s9] =	ssyncset.done $0x0  }
0xfb: {  	s20 =	simm.s32 $0x4DD0;
	[sflag:s9] =	ssyncadd.s32 $0xFFFFEC00  }
0xfc: {  	[spmem:s2] =	stream.indirect.scatter.add.f32 [tilespmem:s3], [sflag:$0x6], $0x40, s20, s30, $0xb8;
	[tilespmem:$0x14620] =	vst v63  }
0xfd: {  	_ =	swait.ge [sflag:s1], $0x1400  }
0xfe: {  	[sflag:s1] =	ssyncset.done $0x0  }
0xff: {  	s19 =	stileid.u32;
	[sflag:s1] =	ssyncadd.s32 $0xFFFFEC00  }
0x100: {  	s18 =	sshll.u32 s19, $0x6;
	[bflag:$0x0] =	sbarrier.arrive $0xFFFF  }
0x101: {  	s19 =	sshrl.u32 s7, $0x3;
	s18 =	sor.u32 $0x1C0A, s18;
	s20 =	rddreg [dreg:$0x5]  }
0x102: {  	[hbm:s20], [sflag:s18] =	dma.local [spmem:s19], $0x1400  }
0x103: {  	_ =	swait.ge [sflag:s16], $0x1400  }
0x104: {  	s17 =	sadd.s32 $0x1, s17;
	s20 =	rddreg [dreg:$0x6]  }
0x105: {  	p0 =	sne.s32 s17, s20  }
.Ltmp2:
0x106: {  	_ = 	snop;
	(pc) =	sbr.rel @p0 .LBB2_1-.Ltmp2, $3  }
0x107: {  	_ =	sdelay $0x1  }
0x108: {  	[sflag:s16] =	ssyncset.done $0x0  }
0x109: {  	[sflag:s16] =	ssyncadd.s32 $0xFFFFEC00  }
0x10a: {  	_ =	sfence.sel $0x180000  }
0x10b: {  	[bflag:$0x0] =	sbarrier.arrive $0xFFFF  }
0x10c: {  	_ =	strace $0x9000004D  }
0x10d: {  	s0 =	stileid.u32;
	[bflag:$0x2] =	sbarrier.arrive $0xFFFF  }
0x10e: {  	p0 =	sne.s32 s0, $0x0;
	s0 =	rddreg [dreg:$0x2]  }
0x10f: {  	s0 =	sadd.s32 @!p0 $0x100000, s0  }
0x110: {  	[sflag:s0] =	ssyncadd.tile.s32 @!p0 $0x1;
	_ =	shalt  }
.Lfunc_end2:
_tile_overlayer_lowered:
.L_overlay_start_2:
0x111: {  	(tag) =	ssettag $0x2  }
0x112: {  	s0 =	rddreg [dreg:$0x0];
	s2 =	stileid.u32  }
0x113: {  	s1 =	rddreg [dreg:$0x1];
	p0 =	sne.s32 s2, $0x0  }
0x114: {  	s3 =	rddreg [dreg:$0x2];
	[bflag:$0x3] =	sbarrier.arrive $0xFFFF;
	s2 =	simm.s32 @!p0 $0x1C0A  }
0x115: {  	[timem:s3], [sflag:s2] =	dma.local @!p0 [hbm:s0], s1  }
0x116: {  	s0 =	simm.s32 @!p0 $0xA  }
0x117: {  	_ =	swait.ge @!p0 [sflag:s0], s1  }
0x118: {  	s1 =	ssub.s32 @!p0 $0x0, s1;
	[sflag:s0] =	ssyncset.done @!p0 $0x0  }
0x119: {  	[sflag:s0] =	ssyncadd.s32 @!p0 s1  }
0x11a: {  	[bflag:$0x3] =	sbarrier.arrive $0xFFFF  }
0x11b: {  	_ =	shalt  }

// kernel: gcn_prop_64.7.cloned.1.call-start
scs
__scs_entry_jumppad:
0x0: {  	(pc) =	sbr.rel $0x88, $3  }
0x1: {  	(tag) =	ssettag $0x0;
	lr =	simm.s32 $0x1  }
0x2: {  	[smem:$0x3F98] =	sst lr;
	_ =	strace $0xD0000000  }
0x3: {  	_ = 	snop  }
0x4: {  	_ = 	snop  }
0x5: {  	_ = 	snop  }
0x6: {  	_ = 	snop  }
0x7: {  	_ = 	snop  }
__scs_overlays_trampoline_lowered:
0x8: {  	[smem:$0x3FA7] =	sst s0  }
0x9: {  	[smem:$0x3FA8] =	sst s1  }
0xa: {  	[smem:$0x3FA9] =	sst s2  }
0xb: {  	[smem:$0x3FAA] =	sst s3  }
0xc: {  	[smem:$0x3FAB] =	sst s4  }
0xd: {  	[smem:$0x3FAC] =	sst s5  }
0xe: {  	[smem:$0x3FAD] =	sst s6  }
0xf: {  	[smem:$0x3FAE] =	sst s7  }
0x10: {  	[smem:$0x3FAF] =	sst s8  }
0x11: {  	[smem:$0x3FB0] =	sst s9;
	s0 =	simm.s32 @!p0 $0x0  }
0x12: {  	s1 =	sld [smem:$0x3F96];
	s0 =	simm.s32 @p0 $0x1  }
0x13: {  	[smem:$0x3FB1] =	sst s0;
	s0 =	simm.s32 @!p1 $0x0  }
0x14: {  	s2 =	sld [smem:$0x3F95];
	s0 =	simm.s32 @p1 $0x1  }
0x15: {  	[smem:$0x3FB2] =	sst s0;
	s0 =	simm.s32 @!p2 $0x0  }
0x16: {  	s3 =	sld [smem:$0x3FDB];
	s0 =	simm.s32 @p2 $0x1  }
0x17: {  	s4 =	simm.s32 $0x1BF5;
	[smem:$0x3FB4] =	sst s0  }
0x18: {  	s0 =	sld [smem:$0x3F97];
	_ =	swait.ge [sflag:s4], $0x0  }
0x19: {  	s7 =	sld [smem:$0x3F98]  }
0x1a: {  	s8 =	sadd.s32 $0xFFFFE003, lr  }
0x1b: {  	s9 =	sadd.s32 $0xFFFFFEF7, lr;
	s5 =	simm.s32 $0xFFFFFFFF;
	p2 =	slt.u32 s8, $0xFFFFF086  }
0x1c: {  	p1 =	slt.u32 s9, $0xF7A;
	s5 =	simm.s32 @!p2 $0x0  }
0x1d: {  	s5 =	simm.s32 @p1 $0x1;
	p0 =	seq.s32 s7, s2  }
0x1e: {  	s7 =	smul.u32 @!p0 $0xF7A, s2;
	p2 =	seq.s32 @!p0 s5, $0x0  }
0x1f: {  	s9 =	smul.u32 $0xF7A, s1;
	s8 =	simm.s32 @!p0 $0x1BF5;
	p2 =	por !p2, p0  }
0x20: {  	[sflag:s8] =	ssyncset.s32 @!p0 $0xFFFFF086;
	s6 =	sadd.s32 @!p0 s3, s7;
	s7 =	simm.s32 @!p0 $0x108  }
0x21: {  	s3 =	sadd.s32 s3, s9;
	s6 =	sadd.s32 @!p0 $0x88, s6;
	s7 =	simm.s32 @p2 $0x1082  }
0x22: {  	[simem:s7], [sflag:s8] =	dma.local @!p0 [hbm:s6], $0xF7A  }
0x23: {  	s9 =	sor.u32 $0xD0000000, s2;
	s6 =	simm.s32 $0x108;
	_ =	swait.ge @!p0 [sflag:s8], $0x0  }
0x24: {  	s3 =	sadd.s32 $0x88, s3;
	s6 =	simm.s32 @!p1 $0x1082;
	[sflag:s4] =	ssyncset.s32 $0xFFFFF086  }
0x25: {  	[simem:s6], [sflag:s4] =	dma.local [hbm:s3], $0xF7A  }
0x26: {  	[smem:$0x3F98] =	sst s1;
	(tag) =	ssettag s2;
	_ =	strace s9  }
0x27: {  	s1 =	sld [smem:$0x3FA8]  }
0x28: {  	s2 =	sld [smem:$0x3FA9]  }
0x29: {  	s4 =	sld [smem:$0x3FAB]  }
0x2a: {  	p0 =	seq.s32 s5, $0x0;
	s5 =	sld [smem:$0x3FAC]  }
0x2b: {  	s6 =	sld [smem:$0x3FAD]  }
0x2c: {  	s7 =	sld [smem:$0x3FAE]  }
0x2d: {  	s3 =	simm.s32 $0x108;
	s8 =	sld [smem:$0x3FAF]  }
0x2e: {  	s3 =	simm.s32 @!p0 $0x1082;
	s9 =	sld [smem:$0x3FB0]  }
0x2f: {  	lr =	sadd.s32 s0, s3;
	s0 =	sld [smem:$0x3FA7]  }
0x30: {  	s3 =	sld [smem:$0x3FAA]  }
0x31: {  	[smem:$0x3FB3] =	sst s10  }
0x32: {  	s10 =	sld [smem:$0x3FB1];
	_ =	sdelay $0x3  }
0x33: {  	p0 =	seq.s32 s10, $0x1;
	s10 =	sld [smem:$0x3FB3];
	_ =	sdelay $0x3  }
0x34: {  	[smem:$0x3FB3] =	sst s10  }
0x35: {  	s10 =	sld [smem:$0x3FB2];
	_ =	sdelay $0x3  }
0x36: {  	p1 =	seq.s32 s10, $0x1;
	s10 =	sld [smem:$0x3FB3];
	_ =	sdelay $0x3  }
0x37: {  	[smem:$0x3FB3] =	sst s10  }
0x38: {  	s10 =	sld [smem:$0x3FB4]  }
0x39: {  	_ = 	snop;
	(pc) =	sbr.ind lr, $3  }
0x3a: {  	_ = 	snop  }
0x3b: {  	_ = 	snop  }
0x3c: {  	p2 =	seq.s32 s10, $0x1;
	s10 =	sld [smem:$0x3FB3]  }
0x3d: {  	_ =	shalt  }
0x3e: {  	_ =	shalt  }
0x3f: {  	_ =	shalt  }
0x40: {  	_ =	shalt  }
0x41: {  	_ =	shalt  }
0x42: {  	_ =	shalt  }
0x43: {  	_ =	shalt  }
0x44: {  	_ =	shalt  }
0x45: {  	_ =	shalt  }
0x46: {  	_ =	shalt  }
0x47: {  	_ =	shalt  }
0x48: {  	_ =	shalt  }
0x49: {  	_ =	shalt  }
0x4a: {  	_ =	shalt  }
0x4b: {  	_ =	shalt  }
0x4c: {  	_ =	shalt  }
0x4d: {  	_ =	shalt  }
0x4e: {  	_ =	shalt  }
0x4f: {  	_ =	shalt  }
0x50: {  	_ =	shalt  }
0x51: {  	_ =	shalt  }
0x52: {  	_ =	shalt  }
0x53: {  	_ =	shalt  }
0x54: {  	_ =	shalt  }
0x55: {  	_ =	shalt  }
0x56: {  	_ =	shalt  }
0x57: {  	_ =	shalt  }
0x58: {  	_ =	shalt  }
0x59: {  	_ =	shalt  }
0x5a: {  	_ =	shalt  }
0x5b: {  	_ =	shalt  }
0x5c: {  	_ =	shalt  }
0x5d: {  	_ =	shalt  }
0x5e: {  	_ =	shalt  }
0x5f: {  	_ =	shalt  }
0x60: {  	_ =	shalt  }
0x61: {  	_ =	shalt  }
0x62: {  	_ =	shalt  }
0x63: {  	_ =	shalt  }
0x64: {  	_ =	shalt  }
0x65: {  	_ =	shalt  }
0x66: {  	_ =	shalt  }
0x67: {  	_ =	shalt  }
0x68: {  	_ =	shalt  }
0x69: {  	_ =	shalt  }
0x6a: {  	_ =	shalt  }
0x6b: {  	_ =	shalt  }
0x6c: {  	_ =	shalt  }
0x6d: {  	_ =	shalt  }
0x6e: {  	_ =	shalt  }
0x6f: {  	_ =	shalt  }
0x70: {  	_ =	shalt  }
0x71: {  	_ =	shalt  }
0x72: {  	_ =	shalt  }
0x73: {  	_ =	shalt  }
0x74: {  	_ =	shalt  }
0x75: {  	_ =	shalt  }
0x76: {  	_ =	shalt  }
0x77: {  	_ =	shalt  }
0x78: {  	_ =	shalt  }
0x79: {  	_ =	shalt  }
0x7a: {  	_ =	shalt  }
0x7b: {  	_ =	shalt  }
0x7c: {  	_ =	shalt  }
0x7d: {  	_ =	shalt  }
0x7e: {  	_ =	shalt  }
0x7f: {  	_ =	shalt  }
0x80: {  	_ =	shalt  }
0x81: {  	_ =	shalt  }
0x82: {  	_ =	shalt  }
0x83: {  	_ =	shalt  }
0x84: {  	_ =	shalt  }
0x85: {  	_ =	shalt  }
0x86: {  	_ =	shalt  }
0x87: {  	_ =	shalt  }
.Lfunc_end0:
.L_simem_size_0:
called_computation.3_lowered:
.L_overlay_start_0:
0x88: {  	s2 =	sld [smem:$0x3FD9]  }
0x89: {  	s3 =	sld [smem:$0x3FFE];
	_ =	sdelay $0x1  }
0x8a: {  	s1 =	srdreg.scid  }
0x8b: {  	s0 =	sand.u32 $0x1, s1  }
0x8c: {  	s16 =	sshll.u32 s0, $0xA;
	s2 =	sadd.s32 s3, s2  }
0x8d: {  	s2 =	sadd.s32 s2, s16  }
0x8e: {  	[smem:$0x3FBF] =	sst s2  }
0x8f: {  	_ = 	snop  }
0x90: {  	(tm) =	ssettm $0x1  }
0x91: {  	s17 =	sld [smem:$0x3FFB];
	_ =	sdelay $0x3  }
0x92: {  	_ =	strace s17  }
0x93: {  	s2 =	sld [smem:$0x3FFC];
	_ =	sdelay $0x3  }
0x94: {  	_ =	strace s2  }
0x95: {  	s2 =	sld [smem:$0x3FFD];
	_ =	sdelay $0x3  }
0x96: {  	_ =	strace s2  }
0x97: {  	_ =	strace $0x8FFFFFFF  }
0x98: {  	s18 =	sld [smem:$0x3FDB];
	_ =	sdelay $0x1  }
0x99: {  	s19 =	simm.s32 $_scs_section_size  }
0x9a: {  	s4 =	simm.s32 $_size__tile_overlayer_lowered;
	s5 =	simm.s32 $_tile_overlayer_lowered  }
0x9b: {  	s22 =	simm.s32 $0x1BFF;
	s21 =	sshll.u32 s5, $0x1;
	s2 =	sadd.s32 s19, s18  }
0x9c: {  	s6 =	simm.s32 $0x0;
	s20 =	sshll.u32 s4, $0x1;
	s4 =	sadd.s32 s21, s2  }
0x9d: {  	[timem:s6], [sflag:s22] =	dma.local [hbm:s4], s20  }
0x9e: {  	_ =	swait.ge [sflag:s22], s20  }
0x9f: {  	s3 =	ssub.s32 $0x0, s20;
	[sflag:s22] =	ssyncset.done $0x0  }
0xa0: {  	[sflag:s22] =	ssyncadd.s32 s3;
	_ =	sdelay $0x1  }
0xa1: {  	s23 =	simm.s32 $0x1B8B  }
0xa2: {  	_ =	swait.ge [sflag:s23], $0x1  }
0xa3: {  	[sflag:s23] =	ssyncset.done $0x0  }
0xa4: {  	s25 =	simm.s32 $0x1B8E;
	s24 =	sld [smem:$0x3FFE];
	[sflag:s23] =	ssyncadd.s32 $0xFFFFFFFF  }
0xa5: {  	s26 =	simm.s32 $execute0_lowered;
	[smem:$0x3FD2] =	sst s25  }
0xa6: {  	s4 =	sshll.u32 s26, $0x1;
	_ =	strace $0x8000004F;
	[dreg:$0x1] =	wrdreg $0xFFFFFFFF  }
0xa7: {  	s28 =	simm.s32 $_size_execute0_lowered;
	s2 =	sadd.s32 s2, s4;
	[dreg:$0x0] =	wrdreg $0x0  }
0xa8: {  	s4 =	sshll.u32 s28, $0x1;
	[dreg:$0x2] =	wrdreg s2  }
0xa9: {  	[dreg:$0x3] =	wrdreg s4  }
0xaa: {  	[dreg:$0x4] =	wrdreg $0xC0  }
0xab: {  	_ =	task [dreg:s6], $0x5FFFF  }
0xac: {  	[dreg:$0x1] =	wrdreg $0xFFFFFFFF  }
0xad: {  	[dreg:$0x0] =	wrdreg $0x60  }
0xae: {  	[dreg:$0x2] =	wrdreg s24  }
0xaf: {  	[dreg:$0x3] =	wrdreg $0xA6200  }
0xb0: {  	[dreg:$0x4] =	wrdreg $0x9  }
0xb1: {  	_ =	task.clear_ibuf [dreg:s6], $0x5FFFF;
	_ =	strace $0x9000004F  }
0xb2: {  	s29 =	simm.s32 $0x9;
	_ =	strace $0x80000051  }
0xb3: {  	_ =	swait.ge [sflag:s29], $0x1  }
0xb4: {  	[sflag:s29] =	ssyncadd.s32 $0xFFFFFFFF  }
0xb5: {  	_ =	strace $0x90000051  }
0xb6: {  	_ =	sfence  }
0xb7: {  	s30 =	sld [smem:$0x0];
	_ =	sdelay $0x2  }
0xb8: {  	s31 =	sshll.u32 s1, $0xD;
	s1 =	sshrl.u32 s1, $0x2  }
0xb9: {  	s3 =	sand.u32 $0x4000, s31;
	s1 =	sadd.s32 s1, s30  }
0xba: {  	s0 =	sor.u32 s3, s0;
	s1 =	sshll.u32 s1, $0x11  }
0xbb: {  	s0 =	sor.u32 s1, s0  }
0xbc: {  	s0 =	sadd.s32 $0x8F2B, s0  }
0xbd: {  	[sflag:s0] =	ssyncadd.remote.s32 $0x1  }
0xbe: {  	_ =	sfence.sel $0xFFFF  }
0xbf: {  	[dreg:$0x0] =	wrdreg $0xFFFFFFFF;
	(pc) =	sbr.abs _section_cstart, $3  }
0xc0: {  	[dreg:$0x1] =	wrdreg $0xFFFFFFFF  }
0xc1: {  	_ =	task.clear_ibuf [dreg:s6], $0x2FFFF;
	_ =	strace $0x9FFFFFFF  }
0xc2: {  	(tm) =	ssettm $0x7FFFFFFF  }
0xc3: {  	_ =	shalt  }
tec
execute0_lowered:
.L_overlay_start_1:
0x0: {  	(tag) =	ssettag $0x1  }
0x1: {  	s0 =	srdreg.scid  }
0x2: {  	s7 =	stileid.u32;
	s3 =	rddreg [dreg:$0x0]  }
0x3: {  	s2 =	rddreg [dreg:$0x1];
	s5 =	simm.s32 $0x0;
	s31 =	simm.s32 $0x9E20  }
0x4: {  	s30 =	simm.s32 $0x50;
	s8 =	simm.s32 $0x8A20;
	s9 =	simm.s32 $0x2  }
0x5: {  	s10 =	simm.s32 $0x3;
	s0 =	sand.u32 $0x1, s0;
	s12 =	smul.u32 $0x1400, s7  }
0x6: {  	s1 =	sshll.u32 s7, $0x1;
	[smem:$0x7FF] =	sst s5;
	s7 =	smul.u32 $0x28000, s7  }
0x7: {  	s1 =	sor.u32 s0, s1;
	s4 =	smul.u32 $0x14000, s0;
	s0 =	ssub.s32 $0x2, s0  }
0x8: {  	s11 =	simm.s32 $0x7;
	_ =	strace $0x80000050;
	s6 =	sshrl.u32 s0, $0x1  }
0x9: {  	s1 =	smul.u32 $0x4E2, s1;
	s14 =	sshrl.u32 s7, $0x2;
	s0 =	ssub.s32 s0, s6  }
0xa: {  	s5 =	sadd.s32 s12, s4;
	s7 =	sadd.s32 s14, s2;
	s0 =	smax.u32 s0, $0x1  }
0xb: {  	s4 =	sadd.s32 $0x16000, s3;
	s16 =	sadd.s32 $0x800, s7;
	[dreg:$0x6] =	wrdreg s0  }
0xc: {  	s6 =	simm.s32 $0x7620;
	s17 =	sadd.s32 $0x1000, s7;
	[dreg:$0x7] =	wrdreg s16  }
0xd: {  	s12 =	simm.s32 $0x4;
	s18 =	sadd.s32 $0x1800, s7;
	[dreg:$0x8] =	wrdreg s17  }
0xe: {  	s14 =	simm.s32 $0x5;
	s19 =	sadd.s32 $0x2000, s7;
	[dreg:$0x9] =	wrdreg s18  }
0xf: {  	s1 =	sadd.s32 s1, s3;
	s20 =	sadd.s32 $0x2800, s7;
	[dreg:$0xa] =	wrdreg s19  }
0x10: {  	s3 =	sadd.s32 s5, s3;
	s21 =	sadd.s32 $0x3000, s7;
	[dreg:$0xb] =	wrdreg s20  }
0x11: {  	s22 =	sadd.s32 $0x3800, s7;
	s23 =	sadd.s32 $0x4000, s7;
	[dreg:$0xc] =	wrdreg s21  }
0x12: {  	s24 =	sadd.s32 $0x4800, s7;
	s25 =	sadd.s32 $0x5000, s7;
	[dreg:$0xd] =	wrdreg s22  }
0x13: {  	s26 =	sadd.s32 $0x5800, s7;
	s28 =	sadd.s32 $0x9000, s7;
	[dreg:$0xe] =	wrdreg s23  }
0x14: {  	s29 =	sadd.s32 $0x9800, s7;
	s5 =	simm.s32 $0x6220;
	[dreg:$0xf] =	wrdreg s24  }
0x15: {  	s13 =	sadd.s32 $0xC200, s1;
	s1 =	sadd.s32 $0x2400, s1;
	[dreg:$0x10] =	wrdreg s25  }
0x16: {  	s15 =	sadd.s32 $0x29A00, s3;
	[dreg:$0x11] =	wrdreg s26;
	s21 =	sadd.s32 $0x6000, s7  }
0x17: {  	s22 =	sadd.s32 $0x6800, s7;
	s23 =	sadd.s32 $0x7000, s7;
	s24 =	sadd.s32 $0x7800, s7  }
0x18: {  	s25 =	sadd.s32 $0x8000, s7;
	s26 =	sadd.s32 $0x8800, s7;
	[dreg:$0x3] =	wrdreg s13  }
0x19: {  	s0 =	simm.s32 $0x1;
	s3 =	simm.s32 $0x4E20;
	[dreg:$0x4] =	wrdreg s1  }
0x1a: {  	s16 =	simm.s32 $0xA;
	s17 =	simm.s32 $0x0;
	[dreg:$0x5] =	wrdreg s15  }
0x1b: {  	v0 =	vimm.f32 $0.0e+00;
	s1 =	simm.s32 $0x6;
	s13 =	simm.s32 $0x8;
	s15 =	simm.s32 $0x9  }
.LBB2_1:
0x1c: {  	s18 =	simm.s32 $0x0;
	s19 =	rddreg [dreg:$0x3]  }
0x1d: {  	[tilespmem:s18], [sflag:$0x1] =	stream.linear.gather [hbm4b:s19+s18], $0x2710, $0x38;
	[tilespmem:$0x14620] =	vst v63  }
0x1e: {  	s20 =	simm.s32 $0x2710;
	s19 =	rddreg [dreg:$0x4]  }
0x1f: {  	[tilespmem:s20], [sflag:$0x1] =	stream.linear.gather [hbm4b:s19+s18], $0x2710, $0x38;
	[tilespmem:$0x14620] =	vst v63  }
0x20: {  	s19 =	simm.s32 $0x100;
	s18 =	simm.s32 $0x0  }
.LBB2_2:
0x21: {  	p0 =	sne.s32 s19, $0x1F00;
	[tilespmem:s18+$0x9E50] =	vst v0;
	s20 =	smov.u32 s19;
	s19 =	sadd.s32 $0x100, s19  }
.Ltmp0:
0x22: {  	[tilespmem:s18+$0x9E40] =	vst v0;
	(pc) =	sbr.rel @p0 .LBB2_2-.Ltmp0, $3  }
0x23: {  	[tilespmem:s18+$0x9E20] =	vst v0  }
0x24: {  	[tilespmem:s18+$0x9E30] =	vst v0;
	_ =	sdelay $0x1  }
0x25: {  	s18 =	sshra.s32 s20, $0x2  }
0x26: {  	[tilespmem:s18+$0x9E50] =	vst v0  }
0x27: {  	[tilespmem:s18+$0x9E40] =	vst v0  }
0x28: {  	[tilespmem:s18+$0x9E20] =	vst v0  }
0x29: {  	[tilespmem:s18+$0x9E30] =	vst v0  }
0x2a: {  	[spmem:s7] =	stream.linear.scatter [tilespmem:s31], [sflag:$0x6], $0x800, $0x38;
	[tilespmem:$0x14620] =	vst v63  }
0x2b: {  	s20 =	rddreg [dreg:$0x7]  }
0x2c: {  	[spmem:s20] =	stream.linear.scatter [tilespmem:s31], [sflag:$0x6], $0x800, $0x38;
	[tilespmem:$0x14620] =	vst v63  }
0x2d: {  	s19 =	rddreg [dreg:$0x8]  }
0x2e: {  	[spmem:s19] =	stream.linear.scatter [tilespmem:s31], [sflag:$0x6], $0x800, $0x38;
	[tilespmem:$0x14620] =	vst v63  }
0x2f: {  	s20 =	rddreg [dreg:$0x9]  }
0x30: {  	[spmem:s20] =	stream.linear.scatter [tilespmem:s31], [sflag:$0x6], $0x800, $0x38;
	[tilespmem:$0x14620] =	vst v63  }
0x31: {  	s19 =	rddreg [dreg:$0xa]  }
0x32: {  	[spmem:s19] =	stream.linear.scatter [tilespmem:s31], [sflag:$0x6], $0x800, $0x38;
	[tilespmem:$0x14620] =	vst v63  }
0x33: {  	s20 =	rddreg [dreg:$0xb]  }
0x34: {  	[spmem:s20] =	stream.linear.scatter [tilespmem:s31], [sflag:$0x6], $0x800, $0x38;
	[tilespmem:$0x14620] =	vst v63  }
0x35: {  	s19 =	rddreg [dreg:$0xc]  }
0x36: {  	[spmem:s19] =	stream.linear.scatter [tilespmem:s31], [sflag:$0x6], $0x800, $0x38;
	[tilespmem:$0x14620] =	vst v63  }
0x37: {  	s20 =	rddreg [dreg:$0xd]  }
0x38: {  	[spmem:s20] =	stream.linear.scatter [tilespmem:s31], [sflag:$0x6], $0x800, $0x38;
	[tilespmem:$0x14620] =	vst v63  }
0x39: {  	s19 =	rddreg [dreg:$0xe]  }
0x3a: {  	[spmem:s19] =	stream.linear.scatter [tilespmem:s31], [sflag:$0x6], $0x800, $0x38;
	[tilespmem:$0x14620] =	vst v63  }
0x3b: {  	s20 =	rddreg [dreg:$0xf]  }
0x3c: {  	[spmem:s20] =	stream.linear.scatter [tilespmem:s31], [sflag:$0x6], $0x800, $0x38;
	[tilespmem:$0x14620] =	vst v63  }
0x3d: {  	s19 =	rddreg [dreg:$0x10]  }
0x3e: {  	[spmem:s19] =	stream.linear.scatter [tilespmem:s31], [sflag:$0x6], $0x800, $0x38;
	[tilespmem:$0x14620] =	vst v63  }
0x3f: {  	s20 =	rddreg [dreg:$0x11]  }
0x40: {  	[spmem:s20] =	stream.linear.scatter [tilespmem:s31], [sflag:$0x6], $0x800, $0x38;
	[tilespmem:$0x14620] =	vst v63  }
0x41: {  	_ = 	snop  }
0x42: {  	[spmem:s21] =	stream.linear.scatter [tilespmem:s31], [sflag:$0x6], $0x800, $0x38;
	[tilespmem:$0x14620] =	vst v63  }
0x43: {  	_ = 	snop  }
0x44: {  	[spmem:s22] =	stream.linear.scatter [tilespmem:s31], [sflag:$0x6], $0x800, $0x38;
	[tilespmem:$0x14620] =	vst v63  }
0x45: {  	_ = 	snop  }
0x46: {  	[spmem:s23] =	stream.linear.scatter [tilespmem:s31], [sflag:$0x6], $0x800, $0x38;
	[tilespmem:$0x14620] =	vst v63  }
0x47: {  	_ = 	snop  }
0x48: {  	[spmem:s24] =	stream.linear.scatter [tilespmem:s31], [sflag:$0x6], $0x800, $0x38;
	[tilespmem:$0x14620] =	vst v63  }
0x49: {  	_ = 	snop  }
0x4a: {  	[spmem:s25] =	stream.linear.scatter [tilespmem:s31], [sflag:$0x6], $0x800, $0x38;
	[tilespmem:$0x14620] =	vst v63  }
0x4b: {  	_ = 	snop  }
0x4c: {  	[spmem:s26] =	stream.linear.scatter [tilespmem:s31], [sflag:$0x6], $0x800, $0x38;
	[tilespmem:$0x14620] =	vst v63  }
0x4d: {  	_ = 	snop  }
0x4e: {  	[spmem:s28] =	stream.linear.scatter [tilespmem:s31], [sflag:$0x6], $0x800, $0x38;
	[tilespmem:$0x14620] =	vst v63  }
0x4f: {  	_ = 	snop  }
0x50: {  	[spmem:s29] =	stream.linear.scatter [tilespmem:s31], [sflag:$0x6], $0x800, $0x38;
	[tilespmem:$0x14620] =	vst v63  }
0x51: {  	_ =	swait.ge [sflag:s1], $0x800  }
0x52: {  	[sflag:s1] =	ssyncset.done $0x0  }
0x53: {  	[sflag:s1] =	ssyncadd.s32 $0xFFFFF800  }
0x54: {  	_ =	swait.ge [sflag:s1], $0x800  }
0x55: {  	[sflag:s1] =	ssyncset.done $0x0  }
0x56: {  	[sflag:s1] =	ssyncadd.s32 $0xFFFFF800  }
0x57: {  	_ =	swait.ge [sflag:s1], $0x800  }
0x58: {  	[sflag:s1] =	ssyncset.done $0x0  }
0x59: {  	[sflag:s1] =	ssyncadd.s32 $0xFFFFF800  }
0x5a: {  	_ =	swait.ge [sflag:s1], $0x800  }
0x5b: {  	[sflag:s1] =	ssyncset.done $0x0  }
0x5c: {  	[sflag:s1] =	ssyncadd.s32 $0xFFFFF800  }
0x5d: {  	_ =	swait.ge [sflag:s1], $0x800  }
0x5e: {  	[sflag:s1] =	ssyncset.done $0x0  }
0x5f: {  	[sflag:s1] =	ssyncadd.s32 $0xFFFFF800  }
0x60: {  	_ =	swait.ge [sflag:s1], $0x800  }
0x61: {  	[sflag:s1] =	ssyncset.done $0x0  }
0x62: {  	[sflag:s1] =	ssyncadd.s32 $0xFFFFF800  }
0x63: {  	_ =	swait.ge [sflag:s1], $0x800  }
0x64: {  	[sflag:s1] =	ssyncset.done $0x0  }
0x65: {  	[sflag:s1] =	ssyncadd.s32 $0xFFFFF800  }
0x66: {  	_ =	swait.ge [sflag:s1], $0x800  }
0x67: {  	[sflag:s1] =	ssyncset.done $0x0  }
0x68: {  	[sflag:s1] =	ssyncadd.s32 $0xFFFFF800  }
0x69: {  	_ =	swait.ge [sflag:s1], $0x800  }
0x6a: {  	[sflag:s1] =	ssyncset.done $0x0  }
0x6b: {  	[sflag:s1] =	ssyncadd.s32 $0xFFFFF800  }
0x6c: {  	_ =	swait.ge [sflag:s1], $0x800  }
0x6d: {  	[sflag:s1] =	ssyncset.done $0x0  }
0x6e: {  	[sflag:s1] =	ssyncadd.s32 $0xFFFFF800  }
0x6f: {  	_ =	swait.ge [sflag:s1], $0x800  }
0x70: {  	[sflag:s1] =	ssyncset.done $0x0  }
0x71: {  	[sflag:s1] =	ssyncadd.s32 $0xFFFFF800  }
0x72: {  	_ =	swait.ge [sflag:s1], $0x800  }
0x73: {  	[sflag:s1] =	ssyncset.done $0x0  }
0x74: {  	[sflag:s1] =	ssyncadd.s32 $0xFFFFF800  }
0x75: {  	_ =	swait.ge [sflag:s1], $0x800  }
0x76: {  	[sflag:s1] =	ssyncset.done $0x0  }
0x77: {  	[sflag:s1] =	ssyncadd.s32 $0xFFFFF800  }
0x78: {  	_ =	swait.ge [sflag:s1], $0x800  }
0x79: {  	[sflag:s1] =	ssyncset.done $0x0  }
0x7a: {  	[sflag:s1] =	ssyncadd.s32 $0xFFFFF800  }
0x7b: {  	_ =	swait.ge [sflag:s1], $0x800  }
0x7c: {  	[sflag:s1] =	ssyncset.done $0x0  }
0x7d: {  	[sflag:s1] =	ssyncadd.s32 $0xFFFFF800  }
0x7e: {  	_ =	swait.ge [sflag:s1], $0x800  }
0x7f: {  	[sflag:s1] =	ssyncset.done $0x0  }
0x80: {  	[sflag:s1] =	ssyncadd.s32 $0xFFFFF800  }
0x81: {  	_ =	swait.ge [sflag:s1], $0x800  }
0x82: {  	[sflag:s1] =	ssyncset.done $0x0  }
0x83: {  	[sflag:s1] =	ssyncadd.s32 $0xFFFFF800  }
0x84: {  	_ =	swait.ge [sflag:s1], $0x800  }
0x85: {  	[sflag:s1] =	ssyncset.done $0x0  }
0x86: {  	[sflag:s1] =	ssyncadd.s32 $0xFFFFF800  }
0x87: {  	_ =	swait.ge [sflag:s1], $0x800  }
0x88: {  	[sflag:s1] =	ssyncset.done $0x0  }
0x89: {  	[sflag:s1] =	ssyncadd.s32 $0xFFFFF800  }
0x8a: {  	_ =	swait.ge [sflag:s1], $0x800  }
0x8b: {  	[sflag:s1] =	ssyncset.done $0x0  }
0x8c: {  	[sflag:s1] =	ssyncadd.s32 $0xFFFFF800  }
0x8d: {  	_ =	swait.ge [sflag:s0], $0x2710  }
0x8e: {  	[sflag:s0] =	ssyncset.done $0x0  }
0x8f: {  	[sflag:s0] =	ssyncadd.s32 $0xFFFFD8F0  }
0x90: {  	_ =	swait.ge [sflag:s0], $0x2710  }
0x91: {  	[sflag:s0] =	ssyncset.done $0x0  }
0x92: {  	s19 =	simm.s32 $0x0;
	[sflag:s0] =	ssyncadd.s32 $0xFFFFD8F0  }
0x93: {  	[tilespmem:s3], [sflag:$0x2] =	stream.indirect.gather [hbm4b:s4+s30], $0x40, s19, s30, $0xb8;
	[tilespmem:$0x14620] =	vst v63  }
0x94: {  	_ = 	snop  }
0x95: {  	[tilespmem:s5], [sflag:$0x3] =	stream.indirect.gather [hbm4b:s4+s30], $0x40, s30, s30, $0xb8;
	[tilespmem:$0x14620] =	vst v63  }
0x96: {  	s20 =	simm.s32 $0xA0  }
0x97: {  	[tilespmem:s6], [sflag:$0x4] =	stream.indirect.gather [hbm4b:s4+s30], $0x40, s20, s30, $0xb8;
	[tilespmem:$0x14620] =	vst v63  }
0x98: {  	s19 =	simm.s32 $0xF0  }
0x99: {  	[tilespmem:s8], [sflag:$0x5] =	stream.indirect.gather [hbm4b:s4+s30], $0x40, s19, s30, $0xb8;
	[tilespmem:$0x14620] =	vst v63  }
0x9a: {  	[bflag:$0x0] =	sbarrier.arrive $0xFFFF  }
0x9b: {  	_ =	swait.ge [sflag:s9], $0x1400  }
0x9c: {  	[sflag:s9] =	ssyncset.done $0x0  }
0x9d: {  	s20 =	simm.s32 $0x2710;
	[sflag:s9] =	ssyncadd.s32 $0xFFFFEC00  }
0x9e: {  	[spmem:s2] =	stream.indirect.scatter.add.f32 [tilespmem:s3], [sflag:$0x6], $0x40, s20, s30, $0xb8;
	[tilespmem:$0x14620] =	vst v63  }
0x9f: {  	_ =	swait.ge [sflag:s1], $0x1400  }
0xa0: {  	[sflag:s1] =	ssyncset.done $0x0  }
0xa1: {  	s19 =	simm.s32 $0x140;
	[sflag:s1] =	ssyncadd.s32 $0xFFFFEC00  }
0xa2: {  	[tilespmem:s3], [sflag:$0x2] =	stream.indirect.gather [hbm4b:s4+s30], $0x40, s19, s30, $0xb8;
	[tilespmem:$0x14620] =	vst v63  }
0xa3: {  	_ =	swait.ge [sflag:s10], $0x1400  }
0xa4: {  	[sflag:s10] =	ssyncset.done $0x0  }
0xa5: {  	s20 =	simm.s32 $0x2760;
	[sflag:s10] =	ssyncadd.s32 $0xFFFFEC00  }
0xa6: {  	[spmem:s2] =	stream.indirect.scatter.add.f32 [tilespmem:s5], [sflag:$0x7], $0x40, s20, s30, $0xb8;
	[tilespmem:$0x14620] =	vst v63  }
0xa7: {  	_ =	swait.ge [sflag:s11], $0x1400  }
0xa8: {  	[sflag:s11] =	ssyncset.done $0x0  }
0xa9: {  	s19 =	simm.s32 $0x190;
	[sflag:s11] =	ssyncadd.s32 $0xFFFFEC00  }
0xaa: {  	[tilespmem:s5], [sflag:$0x3] =	stream.indirect.gather [hbm4b:s4+s30], $0x40, s19, s30, $0xb8;
	[tilespmem:$0x14620] =	vst v63  }
0xab: {  	_ =	swait.ge [sflag:s12], $0x1400  }
0xac: {  	[sflag:s12] =	ssyncset.done $0x0  }
0xad: {  	s20 =	simm.s32 $0x27B0;
	[sflag:s12] =	ssyncadd.s32 $0xFFFFEC00  }
0xae: {  	[spmem:s2] =	stream.indirect.scatter.add.f32 [tilespmem:s6], [sflag:$0x8], $0x40, s20, s30, $0xb8;
	[tilespmem:$0x14620] =	vst v63  }
0xaf: {  	_ =	swait.ge [sflag:s13], $0x1400  }
0xb0: {  	[sflag:s13] =	ssyncset.done $0x0  }
0xb1: {  	s19 =	simm.s32 $0x1E0;
	[sflag:s13] =	ssyncadd.s32 $0xFFFFEC00  }
0xb2: {  	[tilespmem:s6], [sflag:$0x4] =	stream.indirect.gather [hbm4b:s4+s30], $0x40, s19, s30, $0xb8;
	[tilespmem:$0x14620] =	vst v63  }
0xb3: {  	_ =	swait.ge [sflag:s14], $0x1400  }
0xb4: {  	[sflag:s14] =	ssyncset.done $0x0  }
0xb5: {  	s20 =	simm.s32 $0x2800;
	[sflag:s14] =	ssyncadd.s32 $0xFFFFEC00  }
0xb6: {  	[spmem:s2] =	stream.indirect.scatter.add.f32 [tilespmem:s8], [sflag:$0x9], $0x40, s20, s30, $0xb8;
	[tilespmem:$0x14620] =	vst v63  }
0xb7: {  	_ =	swait.ge [sflag:s15], $0x1400  }
0xb8: {  	[sflag:s15] =	ssyncset.done $0x0  }
0xb9: {  	s18 =	simm.s32 $0x500;
	s19 =	simm.s32 $0x230;
	[sflag:s15] =	ssyncadd.s32 $0xFFFFEC00  }
.LBB2_4:
0xba: {  	[tilespmem:s8], [sflag:$0x5] =	stream.indirect.gather [hbm4b:s4+s30], $0x40, s19, s30, $0xb8;
	[tilespmem:$0x14620] =	vst v63  }
0xbb: {  	s19 =	smov.u32 s18  }
0xbc: {  	p0 =	sne.s32 s18, $0x9100;
	s18 =	sadd.s32 $0x500, s18;
	_ =	swait.ge [sflag:s9], $0x1400  }
0xbd: {  	s19 =	sshra.s32 s19, $0x2;
	[sflag:s9] =	ssyncset.done $0x0  }
0xbe: {  	s20 =	sadd.s32 $0x2710, s19;
	[sflag:s9] =	ssyncadd.s32 $0xFFFFEC00  }
0xbf: {  	[spmem:s2] =	stream.indirect.scatter.add.f32 [tilespmem:s3], [sflag:$0x6], $0x40, s20, s30, $0xb8;
	[tilespmem:$0x14620] =	vst v63  }
0xc0: {  	_ =	swait.ge [sflag:s1], $0x1400  }
0xc1: {  	[sflag:s1] =	ssyncset.done $0x0  }
0xc2: {  	s20 =	sadd.s32 $0x140, s19;
	[sflag:s1] =	ssyncadd.s32 $0xFFFFEC00  }
0xc3: {  	[tilespmem:s3], [sflag:$0x2] =	stream.indirect.gather [hbm4b:s4+s30], $0x40, s20, s30, $0xb8;
	[tilespmem:$0x14620] =	vst v63  }
0xc4: {  	_ =	swait.ge [sflag:s10], $0x1400  }
0xc5: {  	[sflag:s10] =	ssyncset.done $0x0  }
0xc6: {  	s20 =	sadd.s32 $0x2760, s19;
	[sflag:s10] =	ssyncadd.s32 $0xFFFFEC00  }
0xc7: {  	[spmem:s2] =	stream.indirect.scatter.add.f32 [tilespmem:s5], [sflag:$0x7], $0x40, s20, s30, $0xb8;
	[tilespmem:$0x14620] =	vst v63  }
0xc8: {  	_ =	swait.ge [sflag:s11], $0x1400  }
0xc9: {  	[sflag:s11] =	ssyncset.done $0x0  }
0xca: {  	s20 =	sadd.s32 $0x190, s19;
	[sflag:s11] =	ssyncadd.s32 $0xFFFFEC00  }
0xcb: {  	[tilespmem:s5], [sflag:$0x3] =	stream.indirect.gather [hbm4b:s4+s30], $0x40, s20, s30, $0xb8;
	[tilespmem:$0x14620] =	vst v63  }
0xcc: {  	_ =	swait.ge [sflag:s12], $0x1400  }
0xcd: {  	[sflag:s12] =	ssyncset.done $0x0  }
0xce: {  	s20 =	sadd.s32 $0x27B0, s19;
	[sflag:s12] =	ssyncadd.s32 $0xFFFFEC00  }
0xcf: {  	[spmem:s2] =	stream.indirect.scatter.add.f32 [tilespmem:s6], [sflag:$0x8], $0x40, s20, s30, $0xb8;
	[tilespmem:$0x14620] =	vst v63  }
0xd0: {  	_ =	swait.ge [sflag:s13], $0x1400  }
0xd1: {  	[sflag:s13] =	ssyncset.done $0x0  }
0xd2: {  	s20 =	sadd.s32 $0x1E0, s19;
	[sflag:s13] =	ssyncadd.s32 $0xFFFFEC00  }
0xd3: {  	[tilespmem:s6], [sflag:$0x4] =	stream.indirect.gather [hbm4b:s4+s30], $0x40, s20, s30, $0xb8;
	[tilespmem:$0x14620] =	vst v63  }
0xd4: {  	_ =	swait.ge [sflag:s14], $0x1400  }
0xd5: {  	[sflag:s14] =	ssyncset.done $0x0  }
.Ltmp1:
0xd6: {  	s20 =	sadd.s32 $0x2800, s19;
	[sflag:s14] =	ssyncadd.s32 $0xFFFFEC00;
	(pc) =	sbr.rel @p0 .LBB2_4-.Ltmp1, $4  }
0xd7: {  	[spmem:s2] =	stream.indirect.scatter.add.f32 [tilespmem:s8], [sflag:$0x9], $0x40, s20, s30, $0xb8;
	[tilespmem:$0x14620] =	vst v63  }
0xd8: {  	_ =	swait.ge [sflag:s15], $0x1400  }
0xd9: {  	[sflag:s15] =	ssyncset.done $0x0  }
0xda: {  	s19 =	sadd.s32 $0x230, s19;
	[sflag:s15] =	ssyncadd.s32 $0xFFFFEC00  }
0xdb: {  	[tilespmem:s8], [sflag:$0x5] =	stream.indirect.gather [hbm4b:s4+s30], $0x40, s19, s30, $0xb8;
	[tilespmem:$0x14620] =	vst v63  }
0xdc: {  	_ =	swait.ge [sflag:s9], $0x1400  }
0xdd: {  	[sflag:s9] =	ssyncset.done $0x0  }
0xde: {  	s18 =	simm.s32 $0x4C90;
	[sflag:s9] =	ssyncadd.s32 $0xFFFFEC00  }
0xdf: {  	[spmem:s2] =	stream.indirect.scatter.add.f32 [tilespmem:s3], [sflag:$0x6], $0x40, s18, s30, $0xb8;
	[tilespmem:$0x14620] =	vst v63  }
0xe0: {  	_ =	swait.ge [sflag:s1], $0x1400  }
0xe1: {  	[sflag:s1] =	ssyncset.done $0x0  }
0xe2: {  	s20 =	simm.s32 $0x26C0;
	[sflag:s1] =	ssyncadd.s32 $0xFFFFEC00  }
0xe3: {  	[tilespmem:s3], [sflag:$0x2] =	stream.indirect.gather [hbm4b:s4+s30], $0x40, s20, s30, $0xb8;
	[tilespmem:$0x14620] =	vst v63  }
0xe4: {  	_ =	swait.ge [sflag:s10], $0x1400  }
0xe5: {  	[sflag:s10] =	ssyncset.done $0x0  }
0xe6: {  	s19 =	simm.s32 $0x4CE0;
	[sflag:s10] =	ssyncadd.s32 $0xFFFFEC00  }
0xe7: {  	[spmem:s2] =	stream.indirect.scatter.add.f32 [tilespmem:s5], [sflag:$0x7], $0x40, s19, s30, $0xb8;
	[tilespmem:$0x14620] =	vst v63  }
0xe8: {  	_ =	swait.ge [sflag:s11], $0x1400  }
0xe9: {  	[sflag:s11] =	ssyncset.done $0x0  }
0xea: {  	[sflag:s11] =	ssyncadd.s32 $0xFFFFEC00  }
0xeb: {  	_ =	swait.ge [sflag:s12], $0x1400  }
0xec: {  	[sflag:s12] =	ssyncset.done $0x0  }
0xed: {  	s20 =	simm.s32 $0x4D30;
	[sflag:s12] =	ssyncadd.s32 $0xFFFFEC00  }
0xee: {  	[spmem:s2] =	stream.indirect.scatter.add.f32 [tilespmem:s6], [sflag:$0x8], $0x40, s20, s30, $0xb8;
	[tilespmem:$0x14620] =	vst v63  }
0xef: {  	_ =	swait.ge [sflag:s13], $0x1400  }
0xf0: {  	[sflag:s13] =	ssyncset.done $0x0  }
0xf1: {  	[sflag:s13] =	ssyncadd.s32 $0xFFFFEC00  }
0xf2: {  	_ =	swait.ge [sflag:s14], $0x1400  }
0xf3: {  	[sflag:s14] =	ssyncset.done $0x0  }
0xf4: {  	s19 =	simm.s32 $0x4D80;
	[sflag:s14] =	ssyncadd.s32 $0xFFFFEC00  }
0xf5: {  	[spmem:s2] =	stream.indirect.scatter.add.f32 [tilespmem:s8], [sflag:$0x9], $0x40, s19, s30, $0xb8;
	[tilespmem:$0x14620] =	vst v63  }
0xf6: {  	_ =	swait.ge [sflag:s15], $0x1400  }
0xf7: {  	[sflag:s15] =	ssyncset.done $0x0  }
0xf8: {  	[sflag:s15] =	ssyncadd.s32 $0xFFFFEC00  }
0xf9: {  	_ =	swait.ge [sflag:s9], $0x1400  }
0xfa: {  	[sflag:s9] =	ssyncset.done $0x0  }
0xfb: {  	s20 =	simm.s32 $0x4DD0;
	[sflag:s9] =	ssyncadd.s32 $0xFFFFEC00  }
0xfc: {  	[spmem:s2] =	stream.indirect.scatter.add.f32 [tilespmem:s3], [sflag:$0x6], $0x40, s20, s30, $0xb8;
	[tilespmem:$0x14620] =	vst v63  }
0xfd: {  	_ =	swait.ge [sflag:s1], $0x1400  }
0xfe: {  	[sflag:s1] =	ssyncset.done $0x0  }
0xff: {  	s19 =	stileid.u32;
	[sflag:s1] =	ssyncadd.s32 $0xFFFFEC00  }
0x100: {  	s18 =	sshll.u32 s19, $0x6;
	[bflag:$0x0] =	sbarrier.arrive $0xFFFF  }
0x101: {  	s19 =	sshrl.u32 s7, $0x3;
	s18 =	sor.u32 $0x1C0A, s18;
	s20 =	rddreg [dreg:$0x5]  }
0x102: {  	[hbm:s20], [sflag:s18] =	dma.local [spmem:s19], $0x1400  }
0x103: {  	_ =	swait.ge [sflag:s16], $0x1400  }
0x104: {  	s17 =	sadd.s32 $0x1, s17;
	s20 =	rddreg [dreg:$0x6]  }
0x105: {  	p0 =	sne.s32 s17, s20  }
.Ltmp2:
0x106: {  	_ = 	snop;
	(pc) =	sbr.rel @p0 .LBB2_1-.Ltmp2, $3  }
0x107: {  	_ =	sdelay $0x1  }
0x108: {  	[sflag:s16] =	ssyncset.done $0x0  }
0x109: {  	[sflag:s16] =	ssyncadd.s32 $0xFFFFEC00  }
0x10a: {  	_ =	sfence.sel $0x180000  }
0x10b: {  	[bflag:$0x0] =	sbarrier.arrive $0xFFFF  }
0x10c: {  	_ =	strace $0x90000050  }
0x10d: {  	s0 =	stileid.u32;
	[bflag:$0x2] =	sbarrier.arrive $0xFFFF  }
0x10e: {  	p0 =	sne.s32 s0, $0x0;
	s0 =	rddreg [dreg:$0x2]  }
0x10f: {  	s0 =	sadd.s32 @!p0 $0x100000, s0  }
0x110: {  	[sflag:s0] =	ssyncadd.tile.s32 @!p0 $0x1;
	_ =	shalt  }
.Lfunc_end2:
_tile_overlayer_lowered:
.L_overlay_start_2:
0x111: {  	(tag) =	ssettag $0x2  }
0x112: {  	s0 =	rddreg [dreg:$0x0];
	s2 =	stileid.u32  }
0x113: {  	s1 =	rddreg [dreg:$0x1];
	p0 =	sne.s32 s2, $0x0  }
0x114: {  	s3 =	rddreg [dreg:$0x2];
	[bflag:$0x3] =	sbarrier.arrive $0xFFFF;
	s2 =	simm.s32 @!p0 $0x1C0A  }
0x115: {  	[timem:s3], [sflag:s2] =	dma.local @!p0 [hbm:s0], s1  }
0x116: {  	s0 =	simm.s32 @!p0 $0xA  }
0x117: {  	_ =	swait.ge @!p0 [sflag:s0], s1  }
0x118: {  	s1 =	ssub.s32 @!p0 $0x0, s1;
	[sflag:s0] =	ssyncset.done @!p0 $0x0  }
0x119: {  	[sflag:s0] =	ssyncadd.s32 @!p0 s1  }
0x11a: {  	[bflag:$0x3] =	sbarrier.arrive $0xFFFF  }
0x11b: {  	_ =	shalt  }

</sc_bundles>
